<compile_context>
chip_gen: v7x
topology: tpu7x:2x2x1
jax: 0.10.2.dev20260603
libtpu: 0.0.44.dev20260713+nightly
codegen_flags: <defaults>
</compile_context>

<pallas_src>
import functools

import jax
import jax.numpy as jnp
from jax import lax
from jax.experimental import pallas as pl
from jax.experimental.pallas import tpu as pltpu
from jax.experimental.pallas import tpu_sc as plsc

N = 10000
E = 320000
D = 128

NC = 2
NS = 16
NW = NC * NS
EPW = E // NW
CH = 80
NCH = EPW // CH
RCH = 80
NRC = N // RCH
RITER = -(-NRC // NS)
SEC = 24
NSEC = NCH // SEC
TAIL = NCH - NSEC * SEC


def _zero_fill(zbuf, rows, width):
    lanes = width // 16

    def body(i, _):
        r = i // lanes
        c = (i % lanes) * 16
        zbuf[r, pl.ds(c, 16)] = jnp.zeros((16,), jnp.float32)
        return 0

    lax.fori_loop(0, rows * lanes, body, 0)


def _sc_passes(ea_hbm, g1_hbm, g2_hbm, ei4d_hbm):
    mesh = plsc.VectorSubcoreMesh(core_axis_name="c", subcore_axis_name="s")

    @functools.partial(
        pl.kernel,
        mesh=mesh,
        out_type=(
            jax.ShapeDtypeStruct((NC * N, D), jnp.float32),
            jax.ShapeDtypeStruct((NC * N, D), jnp.float32),
        ),
        scratch_types=[
            pltpu.VMEM_SHARED((N, D), jnp.float32),
            pltpu.VMEM((SEC, CH), jnp.int32),
            pltpu.VMEM((NCH, CH), jnp.int32),
            pltpu.VMEM((CH, D), jnp.float32),
            pltpu.VMEM((CH, D), jnp.float32),
            pltpu.VMEM((CH, D), jnp.float32),
            pltpu.SemaphoreType.DMA,
            pltpu.SemaphoreType.DMA,
            pltpu.SemaphoreType.DMA,
        ],
    )
    def k(ea, g1, g2, ei4d, outA, outB, acc, sidx, ridx, b0, b1, b2, s0, s1, s2):
        cid = lax.axis_index("c")
        sid = lax.axis_index("s")
        wid = cid * NS + sid
        base = wid * EPW
        bufs = [(b0, s0), (b1, s1), (b2, s2)]

        _zero_fill(b0, CH, D)

        def zinit(j, _):
            rc = sid + j * NS

            @pl.when(rc < NRC)
            def _():
                pltpu.sync_copy(b0, acc.at[pl.ds(rc * RCH, RCH)])

            return 0

        def wout(out):
            def w(j, _):
                rc = sid + j * NS

                @pl.when(rc < NRC)
                def _():
                    pltpu.sync_copy(
                        acc.at[pl.ds(rc * RCH, RCH)],
                        out.at[pl.ds(cid * N + rc * RCH, RCH)],
                    )

                return 0

            lax.fori_loop(0, RITER, w, 0)

        lax.fori_loop(0, RITER, zinit, 0)
        plsc.subcore_barrier()

        pltpu.sync_copy(ei4d.at[1, wid], ridx)

        def issue_a(c, slot):
            buf, sem = bufs[slot]
            pltpu.async_copy(ea.at[pl.ds(base + c * CH, CH)], buf, sem)

        def drain_a(c, slot):
            buf, sem = bufs[slot]
            pltpu.make_async_copy(ea.at[pl.ds(base, CH)], buf, sem).wait()
            pltpu.sync_copy(buf, acc.at[ridx.at[c]], add=True)

        issue_a(0, 0)
        issue_a(1, 1)

        def ring_a(j, _):
            c = 3 * j
            issue_a(c + 2, 2)
            drain_a(c, 0)
            issue_a(c + 3, 0)
            drain_a(c + 1, 1)
            issue_a(c + 4, 1)
            drain_a(c + 2, 2)
            return 0

        lax.fori_loop(0, NCH // 3, ring_a, 0)
        drain_a(NCH - 2, (NCH - 2) % 3)
        drain_a(NCH - 1, (NCH - 1) % 3)
        plsc.subcore_barrier()

        _zero_fill(b1, CH, D)

        def wz(j, _):
            rc = sid + j * NS

            @pl.when(rc < NRC)
            def _():
                pltpu.sync_copy(
                    acc.at[pl.ds(rc * RCH, RCH)],
                    outA.at[pl.ds(cid * N + rc * RCH, RCH)],
                )
                pltpu.sync_copy(b1, acc.at[pl.ds(rc * RCH, RCH)])

            return 0

        lax.fori_loop(0, RITER, wz, 0)
        plsc.subcore_barrier()

        def run_section(c0, n):
            def issue(i):
                buf, sem = bufs[i % 3]
                pltpu.async_copy(g1.at[sidx.at[i]], buf, sem)

            issue(0)
            if n > 1:
                issue(1)
            for i in range(n):
                buf, sem = bufs[i % 3]
                if i + 2 < n:
                    issue(i + 2)
                pltpu.make_async_copy(g1.at[sidx.at[0]], buf, sem).wait()
                pltpu.sync_copy(buf, acc.at[ridx.at[c0 + i]], add=True)

        def sect(t, _):
            pltpu.sync_copy(ei4d.at[0, wid, pl.ds(t * SEC, SEC)], sidx)
            run_section(t * SEC, SEC)
            return 0

        lax.fori_loop(0, NSEC, sect, 0)
        pltpu.sync_copy(
            ei4d.at[0, wid, pl.ds(NSEC * SEC, TAIL)], sidx.at[pl.ds(0, TAIL)]
        )
        run_section(NSEC * SEC, TAIL)

        def issue_b(c, slot):
            buf, sem = bufs[slot]
            pltpu.async_copy(g2.at[ridx.at[c]], buf, sem)

        def drain_b(c, slot):
            buf, sem = bufs[slot]
            pltpu.make_async_copy(g2.at[ridx.at[0]], buf, sem).wait()
            pltpu.sync_copy(buf, acc.at[ridx.at[c]], add=True)

        issue_b(0, 0)
        issue_b(1, 1)

        def ring_b(j, _):
            c = 3 * j
            issue_b(c + 2, 2)
            drain_b(c, 0)
            issue_b(c + 3, 0)
            drain_b(c + 1, 1)
            issue_b(c + 4, 1)
            drain_b(c + 2, 2)
            return 0

        lax.fori_loop(0, NCH // 3, ring_b, 0)
        drain_b(NCH - 2, (NCH - 2) % 3)
        drain_b(NCH - 1, (NCH - 1) % 3)
        plsc.subcore_barrier()

        wout(outB)

    return k(ea_hbm, g1_hbm, g2_hbm, ei4d_hbm)


def _tc_prep(h, W_msg, b_msg2, W_upd):

    def body(h_ref, wm_ref, bm_ref, wu_ref, g1_ref, g2_ref):
        Wu_m = wu_ref[D : 2 * D, :]
        Wsp = jnp.dot(wm_ref[0:D, :], Wu_m, preferred_element_type=jnp.float32)
        Wrp = jnp.dot(wm_ref[D : 2 * D, :], Wu_m, preferred_element_type=jnp.float32)
        bp = jnp.dot(bm_ref[...], Wu_m, preferred_element_type=jnp.float32)
        hv = h_ref[...]
        g1_ref[...] = jnp.dot(hv, Wsp, preferred_element_type=jnp.float32)
        g2_ref[...] = jnp.dot(hv, Wrp, preferred_element_type=jnp.float32) + bp

    return pl.pallas_call(
        body,
        out_shape=(
            jax.ShapeDtypeStruct((N, D), jnp.float32),
            jax.ShapeDtypeStruct((N, D), jnp.float32),
        ),
    )(h, W_msg, b_msg2, W_upd)


def _tc_final(h, pA, pB, W_msg, W_upd, b_upd2):

    def body(h_ref, pA_ref, pB_ref, wm_ref, wu_ref, bu_ref, out_ref):
        Wu_h = wu_ref[0:D, :]
        Wu_m = wu_ref[D : 2 * D, :]
        Wep = jnp.dot(wm_ref[2 * D : 3 * D, :], Wu_m, preferred_element_type=jnp.float32)
        S3 = pA_ref[0:N, :] + pA_ref[N : 2 * N, :]
        Sg12 = pB_ref[0:N, :] + pB_ref[N : 2 * N, :]
        out = (
            jnp.dot(h_ref[...], Wu_h, preferred_element_type=jnp.float32)
            + Sg12
            + jnp.dot(S3, Wep, preferred_element_type=jnp.float32)
            + bu_ref[...]
        )
        out_ref[...] = out

    return pl.pallas_call(
        body,
        out_shape=jax.ShapeDtypeStruct((N, D), jnp.float32),
    )(h, pA, pB, W_msg, W_upd, b_upd2)


def kernel(h, edge_index, edge_attr, W_msg, b_msg, W_upd, b_upd):
    ei4d = edge_index.astype(jnp.int32).reshape(2, NW, NCH, CH)

    g1, g2 = _tc_prep(h, W_msg, b_msg.reshape(1, D), W_upd)
    pA, pB = _sc_passes(edge_attr, g1, g2, ei4d)
    return _tc_final(h, pA, pB, W_msg, W_upd, b_upd.reshape(1, D))

# --- scband reference (transcript-rebuilt; emitter-appended) ---
"""Pipeline reference for scband-basic-mpnnlayer-51170240364728 (READ-ONLY COPY).

The authoritative reference and input builder live on the scoring server;
editing this copy changes nothing except your own understanding.
"""

import jax, jax.numpy as jnp
import numpy as np

N_NODES = 10000
N_EDGES = 320000
D = 128


def setup_inputs(seed: int = 0) -> dict:
    key = jax.random.key(seed)
    k_h, k_ei, k_ea, k_w1, k_b1, k_w2, k_b2 = jax.random.split(key, 7)
    h = jax.random.normal(k_h, (N_NODES, D), dtype=jnp.float32)
    edge_index = jax.random.randint(k_ei, (2, N_EDGES), 0, N_NODES, dtype=jnp.int64)
    edge_attr = jax.random.normal(k_ea, (N_EDGES, D), dtype=jnp.float32)
    # message_mlp: Linear(3*D -> D); stored as [in, out] so y = x @ W + b
    lim1 = 1.0 / np.sqrt(3 * D)
    W_msg = jax.random.uniform(k_w1, (3 * D, D), dtype=jnp.float32, minval=-lim1, maxval=lim1)
    b_msg = jax.random.uniform(k_b1, (D,), dtype=jnp.float32, minval=-lim1, maxval=lim1)
    # update_mlp: Linear(2*D -> D)
    lim2 = 1.0 / np.sqrt(2 * D)
    W_upd = jax.random.uniform(k_w2, (2 * D, D), dtype=jnp.float32, minval=-lim2, maxval=lim2)
    b_upd = jax.random.uniform(k_b2, (D,), dtype=jnp.float32, minval=-lim2, maxval=lim2)
    return {"h": h, "edge_index": edge_index, "edge_attr": edge_attr,
            "W_msg": W_msg, "b_msg": b_msg, "W_upd": W_upd, "b_upd": b_upd}


def reference(h, edge_index, edge_attr, W_msg, b_msg, W_upd, b_upd):
    send = edge_index[0]
    rec = edge_index[1]
    h_send = jnp.take(h, send, axis=0)
    h_rec = jnp.take(h, rec, axis=0)
    messages = jnp.concatenate([h_send, h_rec, edge_attr], axis=1) @ W_msg + b_msg
    messages_agg = jax.ops.segment_sum(messages, rec, num_segments=h.shape[0])
    out = jnp.concatenate([h, messages_agg], axis=1) @ W_upd + b_upd
    return out

if __name__ == "__main__":
    import jax
    _d = setup_inputs()
    print(jax.jit(kernel)(*tuple(_d.values())))

</pallas_src>

<mosaic_0001>
#map = affine_map<(d0, d1) -> (0, 0)>
#map1 = affine_map<(d0, d1) -> (0, 0, 0, 0)>
module attributes {stable_mosaic.version = 14 : i64} {
  func.func @k(%arg0: i32, %arg1: i32, %arg2: memref<320000x128xf32, #tpu.memory_space<hbm>>, %arg3: memref<10000x128xf32, #tpu.memory_space<hbm>>, %arg4: memref<10000x128xf32, #tpu.memory_space<hbm>>, %arg5: memref<2x32x125x80xi32, #tpu.memory_space<hbm>>, %arg6: memref<20000x128xf32, #tpu.memory_space<hbm>>, %arg7: memref<20000x128xf32, #tpu.memory_space<hbm>>, %arg8: memref<10000x128xf32, #tpu.memory_space<vmem_shared>>, %arg9: memref<24x80xi32, #tpu.memory_space<vmem>>, %arg10: memref<125x80xi32, #tpu.memory_space<vmem>>, %arg11: memref<80x128xf32, #tpu.memory_space<vmem>>, %arg12: memref<80x128xf32, #tpu.memory_space<vmem>>, %arg13: memref<80x128xf32, #tpu.memory_space<vmem>>, %arg14: memref<!tpu.dma_semaphore, #tpu.memory_space<semaphore_mem>>, %arg15: memref<!tpu.dma_semaphore, #tpu.memory_space<semaphore_mem>>, %arg16: memref<!tpu.dma_semaphore, #tpu.memory_space<semaphore_mem>>) attributes {dimension_semantics = [#tpu.dimension_semantics<core_parallel>, #tpu.dimension_semantics<subcore_parallel>], iteration_bounds = array<i64: 2, 16>, scalar_prefetch = 0 : i64, scratch_operands = 9 : i64, tpu.core_type = #tpu.core_type<sc_vector_subcore>, window_params = [{transform_indices = #map}, {transform_indices = #map}, {transform_indices = #map}, {transform_indices = #map1}, {transform_indices = #map}, {transform_indices = #map}]} {
    %mul3A = arith.constant 16 : i32
    %mul3A_0 = arith.muli %arg0, %mul3A : i32
    %add3A = arith.addi %mul3A_0, %arg1 : i32
    %mul3A_1 = arith.constant 10000 : i32
    %mul3A_2 = arith.muli %add3A, %mul3A_1 : i32
    %scan3A = arith.constant 0 : i32
    %scan3A_3 = arith.constant 0 : i32
    %scan3A_4 = arith.constant 640 : i32
    %scan3A_5 = arith.addi %scan3A_3, %scan3A_4 : i32
    %scan3A_6 = arith.constant 1 : i32
    %scan3A_7 = scf.for %scan3A_187 = %scan3A_3 to %scan3A_5 step %scan3A_6 iter_args(%scan3A_188 = %scan3A) -> (i32)  : i32 {
      %jit3A = arith.constant 8 : i32
      %div3A = arith.divsi %scan3A_187, %jit3A : i32
      %sign3A = arith.constant 0 : i32
      %sign3A_189 = arith.cmpi sgt, %scan3A_187, %sign3A : i32
      %sign3A_190 = arith.extui %sign3A_189 : i1 to i32
      %sign3A_191 = arith.constant 0 : i32
      %sign3A_192 = arith.cmpi slt, %scan3A_187, %sign3A_191 : i32
      %sign3A_193 = arith.extui %sign3A_192 : i1 to i32
      %sign3A_194 = arith.subi %sign3A_190, %sign3A_193 : i32
      %sign3A_195 = arith.constant 0 : i32
      %sign3A_196 = arith.cmpi sgt, %jit3A, %sign3A_195 : i32
      %sign3A_197 = arith.extui %sign3A_196 : i1 to i32
      %sign3A_198 = arith.constant 0 : i32
      %sign3A_199 = arith.cmpi slt, %jit3A, %sign3A_198 : i32
      %sign3A_200 = arith.extui %sign3A_199 : i1 to i32
      %sign3A_201 = arith.subi %sign3A_197, %sign3A_200 : i32
      %ne3A = arith.cmpi ne, %sign3A_194, %sign3A_201 : i32
      %rem3A = arith.remsi %scan3A_187, %jit3A : i32
      %ne3A_202 = arith.constant 0 : i32
      %ne3A_203 = arith.cmpi ne, %rem3A, %ne3A_202 : i32
      %and3A = arith.andi %ne3A, %ne3A_203 : i1
      %sub3A = arith.constant 1 : i32
      %sub3A_204 = arith.subi %div3A, %sub3A : i32
      %select_n3A = arith.select %and3A, %sub3A_204, %div3A : i32
      %jit3A_205 = arith.constant 8 : i32
      %eq3A = arith.constant 0 : i32
      %eq3A_206 = arith.cmpi eq, %jit3A_205, %eq3A : i32
      %jit3A_207 = arith.constant 1 : i32
      %select_n3A_208 = arith.select %eq3A_206, %jit3A_207, %jit3A_205 : i32
      %rem3A_209 = arith.remsi %scan3A_187, %select_n3A_208 : i32
      %ne3A_210 = arith.constant 0 : i32
      %ne3A_211 = arith.cmpi ne, %rem3A_209, %ne3A_210 : i32
      %lt3A = arith.constant 0 : i32
      %lt3A_212 = arith.cmpi slt, %rem3A_209, %lt3A : i32
      %lt3A_213 = arith.constant 0 : i32
      %lt3A_214 = arith.cmpi slt, %select_n3A_208, %lt3A_213 : i32
      %ne3A_215 = arith.xori %lt3A_212, %lt3A_214 : i1
      %and3A_216 = arith.andi %ne3A_215, %ne3A_211 : i1
      %add3A_217 = arith.addi %rem3A_209, %select_n3A_208 : i32
      %select_n3A_218 = arith.select %and3A_216, %add3A_217, %rem3A_209 : i32
      %mul3A_219 = arith.constant 16 : i32
      %mul3A_220 = arith.muli %select_n3A_218, %mul3A_219 : i32
      %broadcast_in_dim3A = arith.constant 0.000000e+00 : f32
      %broadcast_in_dim3A_221 = vector.broadcast %broadcast_in_dim3A : f32 to vector<16xf32>
      %swap3A = arith.index_cast %select_n3A : i32 to index
      %swap3A_222 = arith.index_cast %mul3A_220 : i32 to index
      %swap3A_223 = tpu.vector_load %arg11[%swap3A, %swap3A_222] {strides = array<i32>} : memref<80x128xf32, #tpu.memory_space<vmem>>, vector<1x16xf32>,
      %swap3A_224 = vector.shape_cast %swap3A_223 : vector<1x16xf32> to vector<16xf32>
      %swap3A_225 = vector.shape_cast %broadcast_in_dim3A_221 : vector<16xf32> to vector<1x16xf32>
      tpu.vector_store %arg11[%swap3A, %swap3A_222], %swap3A_225 {strides = array<i32>} : memref<80x128xf32, #tpu.memory_space<vmem>>, vector<1x16xf32>,
      %scan3A_226 = arith.constant 0 : i32
      scf.yield %scan3A_226 : i32
    }
    %scan3A_8 = arith.constant 640 : i32
    %scan3A_9 = arith.constant 0 : i32
    %scan3A_10 = arith.constant 0 : i32
    %scan3A_11 = arith.constant 8 : i32
    %scan3A_12 = arith.addi %scan3A_10, %scan3A_11 : i32
    %scan3A_13 = arith.constant 1 : i32
    %scan3A_14 = scf.for %scan3A_187 = %scan3A_10 to %scan3A_12 step %scan3A_13 iter_args(%scan3A_188 = %scan3A_9) -> (i32)  : i32 {
      %mul3A_189 = arith.constant 16 : i32
      %mul3A_190 = arith.muli %scan3A_187, %mul3A_189 : i32
      %add3A_191 = arith.addi %arg1, %mul3A_190 : i32
      %lt3A = arith.constant 125 : i32
      %lt3A_192 = arith.cmpi slt, %add3A_191, %lt3A : i32
      %convert_element_type3A = arith.extui %lt3A_192 : i1 to i32
      %cond3A = arith.constant 0 : i32
      %cond3A_193 = arith.cmpi ne, %convert_element_type3A, %cond3A : i32
      scf.if %cond3A_193 {
        %mul3A_195 = arith.constant 80 : i32
        %mul3A_196 = arith.muli %add3A_191, %mul3A_195 : i32
        "tpu.region"() ({
          %run_scoped3A_197 = tpu.sem_alloc : memref<!tpu.dma_semaphore, #tpu.memory_space<semaphore_mem>>
          %dma_start3A_198 = arith.constant 0 : i32
          %dma_start3A_199 = tpu.memref_slice %arg8[%mul3A_196, %dma_start3A_198] : memref<10000x128xf32, #tpu.memory_space<vmem_shared>> -> memref<80x128xf32, #tpu.memory_space<vmem_shared>>
          %dma_start3A_200 = arith.constant 0 : i32
          %dma_start3A_201 = tpu.memref_slice %arg8[%mul3A_196, %dma_start3A_200] : memref<10000x128xf32, #tpu.memory_space<vmem_shared>> -> memref<80x128xf32, #tpu.memory_space<vmem_shared>>
          tpu.enqueue_dma source(%arg11 : memref<80x128xf32, #tpu.memory_space<vmem>>) target(%dma_start3A_201 : memref<80x128xf32, #tpu.memory_space<vmem_shared>>) target_semaphore(%run_scoped3A_197 : memref<!tpu.dma_semaphore, #tpu.memory_space<semaphore_mem>>)
          %dma_wait3A_202 = arith.constant 0 : i32
          %dma_wait3A_203 = tpu.memref_slice %arg8[%mul3A_196, %dma_wait3A_202] : memref<10000x128xf32, #tpu.memory_space<vmem_shared>> -> memref<80x128xf32, #tpu.memory_space<vmem_shared>>
          %dma_wait3A_204 = arith.constant 0 : i32
          %dma_wait3A_205 = tpu.memref_slice %arg8[%mul3A_196, %dma_wait3A_204] : memref<10000x128xf32, #tpu.memory_space<vmem_shared>> -> memref<80x128xf32, #tpu.memory_space<vmem_shared>>
          tpu.wait_dma2 semaphore(%run_scoped3A_197 : memref<!tpu.dma_semaphore, #tpu.memory_space<semaphore_mem>>) src(%arg11 : memref<80x128xf32, #tpu.memory_space<vmem>>) dst(%dma_wait3A_205 : memref<80x128xf32, #tpu.memory_space<vmem_shared>>)
          tpu.yield
        }) : () -> ()
      } else {
      }
      %scan3A_194 = arith.constant 0 : i32
      scf.yield %scan3A_194 : i32
    }
    %scan3A_15 = arith.constant 8 : i32
    %barrier3A = arith.constant 0 : index
    tpu.barrier barrier_id(%barrier3A)
    %run_scoped3A = arith.constant 1 : i32
    "tpu.region"() ({
      %run_scoped3A_187 = tpu.sem_alloc : memref<!tpu.dma_semaphore, #tpu.memory_space<semaphore_mem>>
      %dma_start3A_188 = arith.constant 0 : i32
      %dma_start3A_189 = arith.constant 0 : i32
      %dma_start3A_190 = tpu.memref_slice %arg5[%run_scoped3A, %add3A, %dma_start3A_188, %dma_start3A_189] : memref<2x32x125x80xi32, #tpu.memory_space<hbm>> -> memref<1x1x125x80xi32, #tpu.memory_space<hbm>>
      %dma_start3A_191 = tpu.memref_squeeze %dma_start3A_190 : memref<1x1x125x80xi32, #tpu.memory_space<hbm>> -> memref<125x80xi32, #tpu.memory_space<hbm>>
      %dma_start3A_192 = arith.constant 0 : i32
      %dma_start3A_193 = arith.constant 0 : i32
      %dma_start3A_194 = tpu.memref_slice %arg5[%run_scoped3A, %add3A, %dma_start3A_192, %dma_start3A_193] : memref<2x32x125x80xi32, #tpu.memory_space<hbm>> -> memref<1x1x125x80xi32, #tpu.memory_space<hbm>>
      %dma_start3A_195 = tpu.memref_squeeze %dma_start3A_194 : memref<1x1x125x80xi32, #tpu.memory_space<hbm>> -> memref<125x80xi32, #tpu.memory_space<hbm>>
      tpu.enqueue_dma source(%dma_start3A_195 : memref<125x80xi32, #tpu.memory_space<hbm>>) target(%arg10 : memref<125x80xi32, #tpu.memory_space<vmem>>) target_semaphore(%run_scoped3A_187 : memref<!tpu.dma_semaphore, #tpu.memory_space<semaphore_mem>>)
      %dma_wait3A_196 = arith.constant 0 : i32
      %dma_wait3A_197 = arith.constant 0 : i32
      %dma_wait3A_198 = tpu.memref_slice %arg5[%run_scoped3A, %add3A, %dma_wait3A_196, %dma_wait3A_197] : memref<2x32x125x80xi32, #tpu.memory_space<hbm>> -> memref<1x1x125x80xi32, #tpu.memory_space<hbm>>
      %dma_wait3A_199 = tpu.memref_squeeze %dma_wait3A_198 : memref<1x1x125x80xi32, #tpu.memory_space<hbm>> -> memref<125x80xi32, #tpu.memory_space<hbm>>
      %dma_wait3A_200 = arith.constant 0 : i32
      %dma_wait3A_201 = arith.constant 0 : i32
      %dma_wait3A_202 = tpu.memref_slice %arg5[%run_scoped3A, %add3A, %dma_wait3A_200, %dma_wait3A_201] : memref<2x32x125x80xi32, #tpu.memory_space<hbm>> -> memref<1x1x125x80xi32, #tpu.memory_space<hbm>>
      %dma_wait3A_203 = tpu.memref_squeeze %dma_wait3A_202 : memref<1x1x125x80xi32, #tpu.memory_space<hbm>> -> memref<125x80xi32, #tpu.memory_space<hbm>>
      tpu.wait_dma2 semaphore(%run_scoped3A_187 : memref<!tpu.dma_semaphore, #tpu.memory_space<semaphore_mem>>) src(%dma_wait3A_203 : memref<125x80xi32, #tpu.memory_space<hbm>>) dst(%arg10 : memref<125x80xi32, #tpu.memory_space<vmem>>)
      tpu.yield
    }) : () -> ()
    %add3A_16 = arith.constant 0 : i32
    %add3A_17 = arith.addi %mul3A_2, %add3A_16 : i32
    %dma_start3A = arith.constant 0 : i32
    %dma_start3A_18 = tpu.memref_slice %arg2[%add3A_17, %dma_start3A] : memref<320000x128xf32, #tpu.memory_space<hbm>> -> memref<80x128xf32, #tpu.memory_space<hbm>>
    %dma_start3A_19 = arith.constant 0 : i32
    %dma_start3A_20 = tpu.memref_slice %arg2[%add3A_17, %dma_start3A_19] : memref<320000x128xf32, #tpu.memory_space<hbm>> -> memref<80x128xf32, #tpu.memory_space<hbm>>
    tpu.enqueue_dma source(%dma_start3A_20 : memref<80x128xf32, #tpu.memory_space<hbm>>) target(%arg11 : memref<80x128xf32, #tpu.memory_space<vmem>>) target_semaphore(%arg14 : memref<!tpu.dma_semaphore, #tpu.memory_space<semaphore_mem>>)
    %add3A_21 = arith.constant 80 : i32
    %add3A_22 = arith.addi %mul3A_2, %add3A_21 : i32
    %dma_start3A_23 = arith.constant 0 : i32
    %dma_start3A_24 = tpu.memref_slice %arg2[%add3A_22, %dma_start3A_23] : memref<320000x128xf32, #tpu.memory_space<hbm>> -> memref<80x128xf32, #tpu.memory_space<hbm>>
    %dma_start3A_25 = arith.constant 0 : i32
    %dma_start3A_26 = tpu.memref_slice %arg2[%add3A_22, %dma_start3A_25] : memref<320000x128xf32, #tpu.memory_space<hbm>> -> memref<80x128xf32, #tpu.memory_space<hbm>>
    tpu.enqueue_dma source(%dma_start3A_26 : memref<80x128xf32, #tpu.memory_space<hbm>>) target(%arg12 : memref<80x128xf32, #tpu.memory_space<vmem>>) target_semaphore(%arg15 : memref<!tpu.dma_semaphore, #tpu.memory_space<semaphore_mem>>)
    %scan3A_27 = arith.constant 0 : i32
    %scan3A_28 = arith.constant 0 : i32
    %scan3A_29 = arith.constant 41 : i32
    %scan3A_30 = arith.addi %scan3A_28, %scan3A_29 : i32
    %scan3A_31 = arith.constant 1 : i32
    %scan3A_32 = scf.for %scan3A_187 = %scan3A_28 to %scan3A_30 step %scan3A_31 iter_args(%scan3A_188 = %scan3A_27) -> (i32)  : i32 {
      %mul3A_189 = arith.constant 3 : i32
      %mul3A_190 = arith.muli %mul3A_189, %scan3A_187 : i32
      %add3A_191 = arith.constant 2 : i32
      %add3A_192 = arith.addi %mul3A_190, %add3A_191 : i32
      %mul3A_193 = arith.constant 80 : i32
      %mul3A_194 = arith.muli %add3A_192, %mul3A_193 : i32
      %add3A_195 = arith.addi %mul3A_2, %mul3A_194 : i32
      %dma_start3A_196 = arith.constant 0 : i32
      %dma_start3A_197 = tpu.memref_slice %arg2[%add3A_195, %dma_start3A_196] : memref<320000x128xf32, #tpu.memory_space<hbm>> -> memref<80x128xf32, #tpu.memory_space<hbm>>
      %dma_start3A_198 = arith.constant 0 : i32
      %dma_start3A_199 = tpu.memref_slice %arg2[%add3A_195, %dma_start3A_198] : memref<320000x128xf32, #tpu.memory_space<hbm>> -> memref<80x128xf32, #tpu.memory_space<hbm>>
      tpu.enqueue_dma source(%dma_start3A_199 : memref<80x128xf32, #tpu.memory_space<hbm>>) target(%arg13 : memref<80x128xf32, #tpu.memory_space<vmem>>) target_semaphore(%arg16 : memref<!tpu.dma_semaphore, #tpu.memory_space<semaphore_mem>>)
      %dma_wait3A_200 = arith.constant 0 : i32
      %dma_wait3A_201 = tpu.memref_slice %arg2[%mul3A_2, %dma_wait3A_200] : memref<320000x128xf32, #tpu.memory_space<hbm>> -> memref<80x128xf32, #tpu.memory_space<hbm>>
      %dma_wait3A_202 = arith.constant 0 : i32
      %dma_wait3A_203 = tpu.memref_slice %arg2[%mul3A_2, %dma_wait3A_202] : memref<320000x128xf32, #tpu.memory_space<hbm>> -> memref<80x128xf32, #tpu.memory_space<hbm>>
      tpu.wait_dma2 semaphore(%arg14 : memref<!tpu.dma_semaphore, #tpu.memory_space<semaphore_mem>>) src(%dma_wait3A_203 : memref<80x128xf32, #tpu.memory_space<hbm>>) dst(%arg11 : memref<80x128xf32, #tpu.memory_space<vmem>>)
      "tpu.region"() ({
        %run_scoped3A_235 = tpu.sem_alloc : memref<!tpu.dma_semaphore, #tpu.memory_space<semaphore_mem>>
        %dma_start3A_236 = arith.constant 0 : i32
        %dma_start3A_237 = tpu.memref_slice %arg10[%mul3A_190, %dma_start3A_236] : memref<125x80xi32, #tpu.memory_space<vmem>> -> memref<1x80xi32, #tpu.memory_space<vmem>>
        %dma_start3A_238 = tpu.memref_squeeze %dma_start3A_237 : memref<1x80xi32, #tpu.memory_space<vmem>> -> memref<80xi32, #tpu.memory_space<vmem>>
        %dma_start3A_239 = arith.constant 0 : i32
        %dma_start3A_240 = arith.constant 0 : i32
        %dma_start3A_241 = tpu.memref_slice %arg8[%dma_start3A_239, %dma_start3A_240] : memref<10000x128xf32, #tpu.memory_space<vmem_shared>> -> memref<10000x128xf32, #tpu.memory_space<vmem_shared>>
        tpu.enqueue_indirect_dma source(%arg11 : memref<80x128xf32, #tpu.memory_space<vmem>>) target(%dma_start3A_241 : memref<10000x128xf32, #tpu.memory_space<vmem_shared>>) offsets(%dma_start3A_238 : memref<80xi32, #tpu.memory_space<vmem>>) semaphore(%run_scoped3A_235 : memref<!tpu.dma_semaphore, #tpu.memory_space<semaphore_mem>>) {add = true}
        %dma_wait3A_242 = arith.constant 0 : i32
        %dma_wait3A_243 = tpu.memref_slice %arg10[%mul3A_190, %dma_wait3A_242] : memref<125x80xi32, #tpu.memory_space<vmem>> -> memref<1x80xi32, #tpu.memory_space<vmem>>
        %dma_wait3A_244 = tpu.memref_squeeze %dma_wait3A_243 : memref<1x80xi32, #tpu.memory_space<vmem>> -> memref<80xi32, #tpu.memory_space<vmem>>
        %dma_wait3A_245 = arith.constant 0 : i32
        %dma_wait3A_246 = arith.constant 0 : i32
        %dma_wait3A_247 = tpu.memref_slice %arg8[%dma_wait3A_245, %dma_wait3A_246] : memref<10000x128xf32, #tpu.memory_space<vmem_shared>> -> memref<10000x128xf32, #tpu.memory_space<vmem_shared>>
        tpu.wait_indirect_dma semaphore(%run_scoped3A_235 : memref<!tpu.dma_semaphore, #tpu.memory_space<semaphore_mem>>) src(%arg11 : memref<80x128xf32, #tpu.memory_space<vmem>>) dst(%dma_wait3A_247 : memref<10000x128xf32, #tpu.memory_space<vmem_shared>>)
        tpu.yield
      }) : () -> ()
      %add3A_204 = arith.constant 3 : i32
      %add3A_205 = arith.addi %mul3A_190, %add3A_204 : i32
      %mul3A_206 = arith.constant 80 : i32
      %mul3A_207 = arith.muli %add3A_205, %mul3A_206 : i32
      %add3A_208 = arith.addi %mul3A_2, %mul3A_207 : i32
      %dma_start3A_209 = arith.constant 0 : i32
      %dma_start3A_210 = tpu.memref_slice %arg2[%add3A_208, %dma_start3A_209] : memref<320000x128xf32, #tpu.memory_space<hbm>> -> memref<80x128xf32, #tpu.memory_space<hbm>>
      %dma_start3A_211 = arith.constant 0 : i32
      %dma_start3A_212 = tpu.memref_slice %arg2[%add3A_208, %dma_start3A_211] : memref<320000x128xf32, #tpu.memory_space<hbm>> -> memref<80x128xf32, #tpu.memory_space<hbm>>
      tpu.enqueue_dma source(%dma_start3A_212 : memref<80x128xf32, #tpu.memory_space<hbm>>) target(%arg11 : memref<80x128xf32, #tpu.memory_space<vmem>>) target_semaphore(%arg14 : memref<!tpu.dma_semaphore, #tpu.memory_space<semaphore_mem>>)
      %add3A_213 = arith.constant 1 : i32
      %add3A_214 = arith.addi %mul3A_190, %add3A_213 : i32
      %dma_wait3A_215 = arith.constant 0 : i32
      %dma_wait3A_216 = tpu.memref_slice %arg2[%mul3A_2, %dma_wait3A_215] : memref<320000x128xf32, #tpu.memory_space<hbm>> -> memref<80x128xf32, #tpu.memory_space<hbm>>
      %dma_wait3A_217 = arith.constant 0 : i32
      %dma_wait3A_218 = tpu.memref_slice %arg2[%mul3A_2, %dma_wait3A_217] : memref<320000x128xf32, #tpu.memory_space<hbm>> -> memref<80x128xf32, #tpu.memory_space<hbm>>
      tpu.wait_dma2 semaphore(%arg15 : memref<!tpu.dma_semaphore, #tpu.memory_space<semaphore_mem>>) src(%dma_wait3A_218 : memref<80x128xf32, #tpu.memory_space<hbm>>) dst(%arg12 : memref<80x128xf32, #tpu.memory_space<vmem>>)
      "tpu.region"() ({
        %run_scoped3A_235 = tpu.sem_alloc : memref<!tpu.dma_semaphore, #tpu.memory_space<semaphore_mem>>
        %dma_start3A_236 = arith.constant 0 : i32
        %dma_start3A_237 = tpu.memref_slice %arg10[%add3A_214, %dma_start3A_236] : memref<125x80xi32, #tpu.memory_space<vmem>> -> memref<1x80xi32, #tpu.memory_space<vmem>>
        %dma_start3A_238 = tpu.memref_squeeze %dma_start3A_237 : memref<1x80xi32, #tpu.memory_space<vmem>> -> memref<80xi32, #tpu.memory_space<vmem>>
        %dma_start3A_239 = arith.constant 0 : i32
        %dma_start3A_240 = arith.constant 0 : i32
        %dma_start3A_241 = tpu.memref_slice %arg8[%dma_start3A_239, %dma_start3A_240] : memref<10000x128xf32, #tpu.memory_space<vmem_shared>> -> memref<10000x128xf32, #tpu.memory_space<vmem_shared>>
        tpu.enqueue_indirect_dma source(%arg12 : memref<80x128xf32, #tpu.memory_space<vmem>>) target(%dma_start3A_241 : memref<10000x128xf32, #tpu.memory_space<vmem_shared>>) offsets(%dma_start3A_238 : memref<80xi32, #tpu.memory_space<vmem>>) semaphore(%run_scoped3A_235 : memref<!tpu.dma_semaphore, #tpu.memory_space<semaphore_mem>>) {add = true}
        %dma_wait3A_242 = arith.constant 0 : i32
        %dma_wait3A_243 = tpu.memref_slice %arg10[%add3A_214, %dma_wait3A_242] : memref<125x80xi32, #tpu.memory_space<vmem>> -> memref<1x80xi32, #tpu.memory_space<vmem>>
        %dma_wait3A_244 = tpu.memref_squeeze %dma_wait3A_243 : memref<1x80xi32, #tpu.memory_space<vmem>> -> memref<80xi32, #tpu.memory_space<vmem>>
        %dma_wait3A_245 = arith.constant 0 : i32
        %dma_wait3A_246 = arith.constant 0 : i32
        %dma_wait3A_247 = tpu.memref_slice %arg8[%dma_wait3A_245, %dma_wait3A_246] : memref<10000x128xf32, #tpu.memory_space<vmem_shared>> -> memref<10000x128xf32, #tpu.memory_space<vmem_shared>>
        tpu.wait_indirect_dma semaphore(%run_scoped3A_235 : memref<!tpu.dma_semaphore, #tpu.memory_space<semaphore_mem>>) src(%arg12 : memref<80x128xf32, #tpu.memory_space<vmem>>) dst(%dma_wait3A_247 : memref<10000x128xf32, #tpu.memory_space<vmem_shared>>)
        tpu.yield
      }) : () -> ()
      %add3A_219 = arith.constant 4 : i32
      %add3A_220 = arith.addi %mul3A_190, %add3A_219 : i32
      %mul3A_221 = arith.constant 80 : i32
      %mul3A_222 = arith.muli %add3A_220, %mul3A_221 : i32
      %add3A_223 = arith.addi %mul3A_2, %mul3A_222 : i32
      %dma_start3A_224 = arith.constant 0 : i32
      %dma_start3A_225 = tpu.memref_slice %arg2[%add3A_223, %dma_start3A_224] : memref<320000x128xf32, #tpu.memory_space<hbm>> -> memref<80x128xf32, #tpu.memory_space<hbm>>
      %dma_start3A_226 = arith.constant 0 : i32
      %dma_start3A_227 = tpu.memref_slice %arg2[%add3A_223, %dma_start3A_226] : memref<320000x128xf32, #tpu.memory_space<hbm>> -> memref<80x128xf32, #tpu.memory_space<hbm>>
      tpu.enqueue_dma source(%dma_start3A_227 : memref<80x128xf32, #tpu.memory_space<hbm>>) target(%arg12 : memref<80x128xf32, #tpu.memory_space<vmem>>) target_semaphore(%arg15 : memref<!tpu.dma_semaphore, #tpu.memory_space<semaphore_mem>>)
      %add3A_228 = arith.constant 2 : i32
      %add3A_229 = arith.addi %mul3A_190, %add3A_228 : i32
      %dma_wait3A_230 = arith.constant 0 : i32
      %dma_wait3A_231 = tpu.memref_slice %arg2[%mul3A_2, %dma_wait3A_230] : memref<320000x128xf32, #tpu.memory_space<hbm>> -> memref<80x128xf32, #tpu.memory_space<hbm>>
      %dma_wait3A_232 = arith.constant 0 : i32
      %dma_wait3A_233 = tpu.memref_slice %arg2[%mul3A_2, %dma_wait3A_232] : memref<320000x128xf32, #tpu.memory_space<hbm>> -> memref<80x128xf32, #tpu.memory_space<hbm>>
      tpu.wait_dma2 semaphore(%arg16 : memref<!tpu.dma_semaphore, #tpu.memory_space<semaphore_mem>>) src(%dma_wait3A_233 : memref<80x128xf32, #tpu.memory_space<hbm>>) dst(%arg13 : memref<80x128xf32, #tpu.memory_space<vmem>>)
      "tpu.region"() ({
        %run_scoped3A_235 = tpu.sem_alloc : memref<!tpu.dma_semaphore, #tpu.memory_space<semaphore_mem>>
        %dma_start3A_236 = arith.constant 0 : i32
        %dma_start3A_237 = tpu.memref_slice %arg10[%add3A_229, %dma_start3A_236] : memref<125x80xi32, #tpu.memory_space<vmem>> -> memref<1x80xi32, #tpu.memory_space<vmem>>
        %dma_start3A_238 = tpu.memref_squeeze %dma_start3A_237 : memref<1x80xi32, #tpu.memory_space<vmem>> -> memref<80xi32, #tpu.memory_space<vmem>>
        %dma_start3A_239 = arith.constant 0 : i32
        %dma_start3A_240 = arith.constant 0 : i32
        %dma_start3A_241 = tpu.memref_slice %arg8[%dma_start3A_239, %dma_start3A_240] : memref<10000x128xf32, #tpu.memory_space<vmem_shared>> -> memref<10000x128xf32, #tpu.memory_space<vmem_shared>>
        tpu.enqueue_indirect_dma source(%arg13 : memref<80x128xf32, #tpu.memory_space<vmem>>) target(%dma_start3A_241 : memref<10000x128xf32, #tpu.memory_space<vmem_shared>>) offsets(%dma_start3A_238 : memref<80xi32, #tpu.memory_space<vmem>>) semaphore(%run_scoped3A_235 : memref<!tpu.dma_semaphore, #tpu.memory_space<semaphore_mem>>) {add = true}
        %dma_wait3A_242 = arith.constant 0 : i32
        %dma_wait3A_243 = tpu.memref_slice %arg10[%add3A_229, %dma_wait3A_242] : memref<125x80xi32, #tpu.memory_space<vmem>> -> memref<1x80xi32, #tpu.memory_space<vmem>>
        %dma_wait3A_244 = tpu.memref_squeeze %dma_wait3A_243 : memref<1x80xi32, #tpu.memory_space<vmem>> -> memref<80xi32, #tpu.memory_space<vmem>>
        %dma_wait3A_245 = arith.constant 0 : i32
        %dma_wait3A_246 = arith.constant 0 : i32
        %dma_wait3A_247 = tpu.memref_slice %arg8[%dma_wait3A_245, %dma_wait3A_246] : memref<10000x128xf32, #tpu.memory_space<vmem_shared>> -> memref<10000x128xf32, #tpu.memory_space<vmem_shared>>
        tpu.wait_indirect_dma semaphore(%run_scoped3A_235 : memref<!tpu.dma_semaphore, #tpu.memory_space<semaphore_mem>>) src(%arg13 : memref<80x128xf32, #tpu.memory_space<vmem>>) dst(%dma_wait3A_247 : memref<10000x128xf32, #tpu.memory_space<vmem_shared>>)
        tpu.yield
      }) : () -> ()
      %scan3A_234 = arith.constant 0 : i32
      scf.yield %scan3A_234 : i32
    }
    %scan3A_33 = arith.constant 41 : i32
    %dma_wait3A = arith.constant 0 : i32
    %dma_wait3A_34 = tpu.memref_slice %arg2[%mul3A_2, %dma_wait3A] : memref<320000x128xf32, #tpu.memory_space<hbm>> -> memref<80x128xf32, #tpu.memory_space<hbm>>
    %dma_wait3A_35 = arith.constant 0 : i32
    %dma_wait3A_36 = tpu.memref_slice %arg2[%mul3A_2, %dma_wait3A_35] : memref<320000x128xf32, #tpu.memory_space<hbm>> -> memref<80x128xf32, #tpu.memory_space<hbm>>
    tpu.wait_dma2 semaphore(%arg14 : memref<!tpu.dma_semaphore, #tpu.memory_space<semaphore_mem>>) src(%dma_wait3A_36 : memref<80x128xf32, #tpu.memory_space<hbm>>) dst(%arg11 : memref<80x128xf32, #tpu.memory_space<vmem>>)
    %run_scoped3A_37 = arith.constant 123 : i32
    "tpu.region"() ({
      %run_scoped3A_187 = tpu.sem_alloc : memref<!tpu.dma_semaphore, #tpu.memory_space<semaphore_mem>>
      %dma_start3A_188 = arith.constant 0 : i32
      %dma_start3A_189 = tpu.memref_slice %arg10[%run_scoped3A_37, %dma_start3A_188] : memref<125x80xi32, #tpu.memory_space<vmem>> -> memref<1x80xi32, #tpu.memory_space<vmem>>
      %dma_start3A_190 = tpu.memref_squeeze %dma_start3A_189 : memref<1x80xi32, #tpu.memory_space<vmem>> -> memref<80xi32, #tpu.memory_space<vmem>>
      %dma_start3A_191 = arith.constant 0 : i32
      %dma_start3A_192 = arith.constant 0 : i32
      %dma_start3A_193 = tpu.memref_slice %arg8[%dma_start3A_191, %dma_start3A_192] : memref<10000x128xf32, #tpu.memory_space<vmem_shared>> -> memref<10000x128xf32, #tpu.memory_space<vmem_shared>>
      tpu.enqueue_indirect_dma source(%arg11 : memref<80x128xf32, #tpu.memory_space<vmem>>) target(%dma_start3A_193 : memref<10000x128xf32, #tpu.memory_space<vmem_shared>>) offsets(%dma_start3A_190 : memref<80xi32, #tpu.memory_space<vmem>>) semaphore(%run_scoped3A_187 : memref<!tpu.dma_semaphore, #tpu.memory_space<semaphore_mem>>) {add = true}
      %dma_wait3A_194 = arith.constant 0 : i32
      %dma_wait3A_195 = tpu.memref_slice %arg10[%run_scoped3A_37, %dma_wait3A_194] : memref<125x80xi32, #tpu.memory_space<vmem>> -> memref<1x80xi32, #tpu.memory_space<vmem>>
      %dma_wait3A_196 = tpu.memref_squeeze %dma_wait3A_195 : memref<1x80xi32, #tpu.memory_space<vmem>> -> memref<80xi32, #tpu.memory_space<vmem>>
      %dma_wait3A_197 = arith.constant 0 : i32
      %dma_wait3A_198 = arith.constant 0 : i32
      %dma_wait3A_199 = tpu.memref_slice %arg8[%dma_wait3A_197, %dma_wait3A_198] : memref<10000x128xf32, #tpu.memory_space<vmem_shared>> -> memref<10000x128xf32, #tpu.memory_space<vmem_shared>>
      tpu.wait_indirect_dma semaphore(%run_scoped3A_187 : memref<!tpu.dma_semaphore, #tpu.memory_space<semaphore_mem>>) src(%arg11 : memref<80x128xf32, #tpu.memory_space<vmem>>) dst(%dma_wait3A_199 : memref<10000x128xf32, #tpu.memory_space<vmem_shared>>)
      tpu.yield
    }) : () -> ()
    %dma_wait3A_38 = arith.constant 0 : i32
    %dma_wait3A_39 = tpu.memref_slice %arg2[%mul3A_2, %dma_wait3A_38] : memref<320000x128xf32, #tpu.memory_space<hbm>> -> memref<80x128xf32, #tpu.memory_space<hbm>>
    %dma_wait3A_40 = arith.constant 0 : i32
    %dma_wait3A_41 = tpu.memref_slice %arg2[%mul3A_2, %dma_wait3A_40] : memref<320000x128xf32, #tpu.memory_space<hbm>> -> memref<80x128xf32, #tpu.memory_space<hbm>>
    tpu.wait_dma2 semaphore(%arg15 : memref<!tpu.dma_semaphore, #tpu.memory_space<semaphore_mem>>) src(%dma_wait3A_41 : memref<80x128xf32, #tpu.memory_space<hbm>>) dst(%arg12 : memref<80x128xf32, #tpu.memory_space<vmem>>)
    %run_scoped3A_42 = arith.constant 124 : i32
    "tpu.region"() ({
      %run_scoped3A_187 = tpu.sem_alloc : memref<!tpu.dma_semaphore, #tpu.memory_space<semaphore_mem>>
      %dma_start3A_188 = arith.constant 0 : i32
      %dma_start3A_189 = tpu.memref_slice %arg10[%run_scoped3A_42, %dma_start3A_188] : memref<125x80xi32, #tpu.memory_space<vmem>> -> memref<1x80xi32, #tpu.memory_space<vmem>>
      %dma_start3A_190 = tpu.memref_squeeze %dma_start3A_189 : memref<1x80xi32, #tpu.memory_space<vmem>> -> memref<80xi32, #tpu.memory_space<vmem>>
      %dma_start3A_191 = arith.constant 0 : i32
      %dma_start3A_192 = arith.constant 0 : i32
      %dma_start3A_193 = tpu.memref_slice %arg8[%dma_start3A_191, %dma_start3A_192] : memref<10000x128xf32, #tpu.memory_space<vmem_shared>> -> memref<10000x128xf32, #tpu.memory_space<vmem_shared>>
      tpu.enqueue_indirect_dma source(%arg12 : memref<80x128xf32, #tpu.memory_space<vmem>>) target(%dma_start3A_193 : memref<10000x128xf32, #tpu.memory_space<vmem_shared>>) offsets(%dma_start3A_190 : memref<80xi32, #tpu.memory_space<vmem>>) semaphore(%run_scoped3A_187 : memref<!tpu.dma_semaphore, #tpu.memory_space<semaphore_mem>>) {add = true}
      %dma_wait3A_194 = arith.constant 0 : i32
      %dma_wait3A_195 = tpu.memref_slice %arg10[%run_scoped3A_42, %dma_wait3A_194] : memref<125x80xi32, #tpu.memory_space<vmem>> -> memref<1x80xi32, #tpu.memory_space<vmem>>
      %dma_wait3A_196 = tpu.memref_squeeze %dma_wait3A_195 : memref<1x80xi32, #tpu.memory_space<vmem>> -> memref<80xi32, #tpu.memory_space<vmem>>
      %dma_wait3A_197 = arith.constant 0 : i32
      %dma_wait3A_198 = arith.constant 0 : i32
      %dma_wait3A_199 = tpu.memref_slice %arg8[%dma_wait3A_197, %dma_wait3A_198] : memref<10000x128xf32, #tpu.memory_space<vmem_shared>> -> memref<10000x128xf32, #tpu.memory_space<vmem_shared>>
      tpu.wait_indirect_dma semaphore(%run_scoped3A_187 : memref<!tpu.dma_semaphore, #tpu.memory_space<semaphore_mem>>) src(%arg12 : memref<80x128xf32, #tpu.memory_space<vmem>>) dst(%dma_wait3A_199 : memref<10000x128xf32, #tpu.memory_space<vmem_shared>>)
      tpu.yield
    }) : () -> ()
    %barrier3A_43 = arith.constant 0 : index
    tpu.barrier barrier_id(%barrier3A_43)
    %scan3A_44 = arith.constant 0 : i32
    %scan3A_45 = arith.constant 0 : i32
    %scan3A_46 = arith.constant 640 : i32
    %scan3A_47 = arith.addi %scan3A_45, %scan3A_46 : i32
    %scan3A_48 = arith.constant 1 : i32
    %scan3A_49 = scf.for %scan3A_187 = %scan3A_45 to %scan3A_47 step %scan3A_48 iter_args(%scan3A_188 = %scan3A_44) -> (i32)  : i32 {
      %jit3A = arith.constant 8 : i32
      %div3A = arith.divsi %scan3A_187, %jit3A : i32
      %sign3A = arith.constant 0 : i32
      %sign3A_189 = arith.cmpi sgt, %scan3A_187, %sign3A : i32
      %sign3A_190 = arith.extui %sign3A_189 : i1 to i32
      %sign3A_191 = arith.constant 0 : i32
      %sign3A_192 = arith.cmpi slt, %scan3A_187, %sign3A_191 : i32
      %sign3A_193 = arith.extui %sign3A_192 : i1 to i32
      %sign3A_194 = arith.subi %sign3A_190, %sign3A_193 : i32
      %sign3A_195 = arith.constant 0 : i32
      %sign3A_196 = arith.cmpi sgt, %jit3A, %sign3A_195 : i32
      %sign3A_197 = arith.extui %sign3A_196 : i1 to i32
      %sign3A_198 = arith.constant 0 : i32
      %sign3A_199 = arith.cmpi slt, %jit3A, %sign3A_198 : i32
      %sign3A_200 = arith.extui %sign3A_199 : i1 to i32
      %sign3A_201 = arith.subi %sign3A_197, %sign3A_200 : i32
      %ne3A = arith.cmpi ne, %sign3A_194, %sign3A_201 : i32
      %rem3A = arith.remsi %scan3A_187, %jit3A : i32
      %ne3A_202 = arith.constant 0 : i32
      %ne3A_203 = arith.cmpi ne, %rem3A, %ne3A_202 : i32
      %and3A = arith.andi %ne3A, %ne3A_203 : i1
      %sub3A = arith.constant 1 : i32
      %sub3A_204 = arith.subi %div3A, %sub3A : i32
      %select_n3A = arith.select %and3A, %sub3A_204, %div3A : i32
      %jit3A_205 = arith.constant 8 : i32
      %eq3A = arith.constant 0 : i32
      %eq3A_206 = arith.cmpi eq, %jit3A_205, %eq3A : i32
      %jit3A_207 = arith.constant 1 : i32
      %select_n3A_208 = arith.select %eq3A_206, %jit3A_207, %jit3A_205 : i32
      %rem3A_209 = arith.remsi %scan3A_187, %select_n3A_208 : i32
      %ne3A_210 = arith.constant 0 : i32
      %ne3A_211 = arith.cmpi ne, %rem3A_209, %ne3A_210 : i32
      %lt3A = arith.constant 0 : i32
      %lt3A_212 = arith.cmpi slt, %rem3A_209, %lt3A : i32
      %lt3A_213 = arith.constant 0 : i32
      %lt3A_214 = arith.cmpi slt, %select_n3A_208, %lt3A_213 : i32
      %ne3A_215 = arith.xori %lt3A_212, %lt3A_214 : i1
      %and3A_216 = arith.andi %ne3A_215, %ne3A_211 : i1
      %add3A_217 = arith.addi %rem3A_209, %select_n3A_208 : i32
      %select_n3A_218 = arith.select %and3A_216, %add3A_217, %rem3A_209 : i32
      %mul3A_219 = arith.constant 16 : i32
      %mul3A_220 = arith.muli %select_n3A_218, %mul3A_219 : i32
      %broadcast_in_dim3A = arith.constant 0.000000e+00 : f32
      %broadcast_in_dim3A_221 = vector.broadcast %broadcast_in_dim3A : f32 to vector<16xf32>
      %swap3A = arith.index_cast %select_n3A : i32 to index
      %swap3A_222 = arith.index_cast %mul3A_220 : i32 to index
      %swap3A_223 = tpu.vector_load %arg12[%swap3A, %swap3A_222] {strides = array<i32>} : memref<80x128xf32, #tpu.memory_space<vmem>>, vector<1x16xf32>,
      %swap3A_224 = vector.shape_cast %swap3A_223 : vector<1x16xf32> to vector<16xf32>
      %swap3A_225 = vector.shape_cast %broadcast_in_dim3A_221 : vector<16xf32> to vector<1x16xf32>
      tpu.vector_store %arg12[%swap3A, %swap3A_222], %swap3A_225 {strides = array<i32>} : memref<80x128xf32, #tpu.memory_space<vmem>>, vector<1x16xf32>,
      %scan3A_226 = arith.constant 0 : i32
      scf.yield %scan3A_226 : i32
    }
    %scan3A_50 = arith.constant 640 : i32
    %scan3A_51 = arith.constant 0 : i32
    %scan3A_52 = arith.constant 0 : i32
    %scan3A_53 = arith.constant 8 : i32
    %scan3A_54 = arith.addi %scan3A_52, %scan3A_53 : i32
    %scan3A_55 = arith.constant 1 : i32
    %scan3A_56 = scf.for %scan3A_187 = %scan3A_52 to %scan3A_54 step %scan3A_55 iter_args(%scan3A_188 = %scan3A_51) -> (i32)  : i32 {
      %mul3A_189 = arith.constant 16 : i32
      %mul3A_190 = arith.muli %scan3A_187, %mul3A_189 : i32
      %add3A_191 = arith.addi %arg1, %mul3A_190 : i32
      %lt3A = arith.constant 125 : i32
      %lt3A_192 = arith.cmpi slt, %add3A_191, %lt3A : i32
      %convert_element_type3A = arith.extui %lt3A_192 : i1 to i32
      %cond3A = arith.constant 0 : i32
      %cond3A_193 = arith.cmpi ne, %convert_element_type3A, %cond3A : i32
      scf.if %cond3A_193 {
        %mul3A_195 = arith.constant 80 : i32
        %mul3A_196 = arith.muli %add3A_191, %mul3A_195 : i32
        %mul3A_197 = arith.constant 10000 : i32
        %mul3A_198 = arith.muli %arg0, %mul3A_197 : i32
        %mul3A_199 = arith.constant 80 : i32
        %mul3A_200 = arith.muli %add3A_191, %mul3A_199 : i32
        %add3A_201 = arith.addi %mul3A_198, %mul3A_200 : i32
        "tpu.region"() ({
          %run_scoped3A_204 = tpu.sem_alloc : memref<!tpu.dma_semaphore, #tpu.memory_space<semaphore_mem>>
          %dma_start3A_205 = arith.constant 0 : i32
          %dma_start3A_206 = tpu.memref_slice %arg6[%add3A_201, %dma_start3A_205] : memref<20000x128xf32, #tpu.memory_space<hbm>> -> memref<80x128xf32, #tpu.memory_space<hbm>>
          %dma_start3A_207 = arith.constant 0 : i32
          %dma_start3A_208 = tpu.memref_slice %arg8[%mul3A_196, %dma_start3A_207] : memref<10000x128xf32, #tpu.memory_space<vmem_shared>> -> memref<80x128xf32, #tpu.memory_space<vmem_shared>>
          tpu.enqueue_dma source(%dma_start3A_208 : memref<80x128xf32, #tpu.memory_space<vmem_shared>>) target(%dma_start3A_206 : memref<80x128xf32, #tpu.memory_space<hbm>>) target_semaphore(%run_scoped3A_204 : memref<!tpu.dma_semaphore, #tpu.memory_space<semaphore_mem>>)
          %dma_wait3A_209 = arith.constant 0 : i32
          %dma_wait3A_210 = tpu.memref_slice %arg6[%add3A_201, %dma_wait3A_209] : memref<20000x128xf32, #tpu.memory_space<hbm>> -> memref<80x128xf32, #tpu.memory_space<hbm>>
          %dma_wait3A_211 = arith.constant 0 : i32
          %dma_wait3A_212 = tpu.memref_slice %arg8[%mul3A_196, %dma_wait3A_211] : memref<10000x128xf32, #tpu.memory_space<vmem_shared>> -> memref<80x128xf32, #tpu.memory_space<vmem_shared>>
          tpu.wait_dma2 semaphore(%run_scoped3A_204 : memref<!tpu.dma_semaphore, #tpu.memory_space<semaphore_mem>>) src(%dma_wait3A_212 : memref<80x128xf32, #tpu.memory_space<vmem_shared>>) dst(%dma_wait3A_210 : memref<80x128xf32, #tpu.memory_space<hbm>>)
          tpu.yield
        }) : () -> ()
        %mul3A_202 = arith.constant 80 : i32
        %mul3A_203 = arith.muli %add3A_191, %mul3A_202 : i32
        "tpu.region"() ({
          %run_scoped3A_204 = tpu.sem_alloc : memref<!tpu.dma_semaphore, #tpu.memory_space<semaphore_mem>>
          %dma_start3A_205 = arith.constant 0 : i32
          %dma_start3A_206 = tpu.memref_slice %arg8[%mul3A_203, %dma_start3A_205] : memref<10000x128xf32, #tpu.memory_space<vmem_shared>> -> memref<80x128xf32, #tpu.memory_space<vmem_shared>>
          %dma_start3A_207 = arith.constant 0 : i32
          %dma_start3A_208 = tpu.memref_slice %arg8[%mul3A_203, %dma_start3A_207] : memref<10000x128xf32, #tpu.memory_space<vmem_shared>> -> memref<80x128xf32, #tpu.memory_space<vmem_shared>>
          tpu.enqueue_dma source(%arg12 : memref<80x128xf32, #tpu.memory_space<vmem>>) target(%dma_start3A_208 : memref<80x128xf32, #tpu.memory_space<vmem_shared>>) target_semaphore(%run_scoped3A_204 : memref<!tpu.dma_semaphore, #tpu.memory_space<semaphore_mem>>)
          %dma_wait3A_209 = arith.constant 0 : i32
          %dma_wait3A_210 = tpu.memref_slice %arg8[%mul3A_203, %dma_wait3A_209] : memref<10000x128xf32, #tpu.memory_space<vmem_shared>> -> memref<80x128xf32, #tpu.memory_space<vmem_shared>>
          %dma_wait3A_211 = arith.constant 0 : i32
          %dma_wait3A_212 = tpu.memref_slice %arg8[%mul3A_203, %dma_wait3A_211] : memref<10000x128xf32, #tpu.memory_space<vmem_shared>> -> memref<80x128xf32, #tpu.memory_space<vmem_shared>>
          tpu.wait_dma2 semaphore(%run_scoped3A_204 : memref<!tpu.dma_semaphore, #tpu.memory_space<semaphore_mem>>) src(%arg12 : memref<80x128xf32, #tpu.memory_space<vmem>>) dst(%dma_wait3A_212 : memref<80x128xf32, #tpu.memory_space<vmem_shared>>)
          tpu.yield
        }) : () -> ()
      } else {
      }
      %scan3A_194 = arith.constant 0 : i32
      scf.yield %scan3A_194 : i32
    }
    %scan3A_57 = arith.constant 8 : i32
    %barrier3A_58 = arith.constant 0 : index
    tpu.barrier barrier_id(%barrier3A_58)
    %scan3A_59 = arith.constant 0 : i32
    %scan3A_60 = arith.constant 0 : i32
    %scan3A_61 = arith.constant 5 : i32
    %scan3A_62 = arith.addi %scan3A_60, %scan3A_61 : i32
    %scan3A_63 = arith.constant 1 : i32
    %scan3A_64 = scf.for %scan3A_187 = %scan3A_60 to %scan3A_62 step %scan3A_63 iter_args(%scan3A_188 = %scan3A_59) -> (i32)  : i32 {
      %mul3A_189 = arith.constant 24 : i32
      %mul3A_190 = arith.muli %scan3A_187, %mul3A_189 : i32
      %run_scoped3A_191 = arith.constant 0 : i32
      "tpu.region"() ({
        %run_scoped3A_579 = tpu.sem_alloc : memref<!tpu.dma_semaphore, #tpu.memory_space<semaphore_mem>>
        %dma_start3A_580 = arith.constant 0 : i32
        %dma_start3A_581 = tpu.memref_slice %arg5[%run_scoped3A_191, %add3A, %mul3A_190, %dma_start3A_580] : memref<2x32x125x80xi32, #tpu.memory_space<hbm>> -> memref<1x1x24x80xi32, #tpu.memory_space<hbm>>
        %dma_start3A_582 = tpu.memref_squeeze %dma_start3A_581 : memref<1x1x24x80xi32, #tpu.memory_space<hbm>> -> memref<24x80xi32, #tpu.memory_space<hbm>>
        %dma_start3A_583 = arith.constant 0 : i32
        %dma_start3A_584 = tpu.memref_slice %arg5[%run_scoped3A_191, %add3A, %mul3A_190, %dma_start3A_583] : memref<2x32x125x80xi32, #tpu.memory_space<hbm>> -> memref<1x1x24x80xi32, #tpu.memory_space<hbm>>
        %dma_start3A_585 = tpu.memref_squeeze %dma_start3A_584 : memref<1x1x24x80xi32, #tpu.memory_space<hbm>> -> memref<24x80xi32, #tpu.memory_space<hbm>>
        tpu.enqueue_dma source(%dma_start3A_585 : memref<24x80xi32, #tpu.memory_space<hbm>>) target(%arg9 : memref<24x80xi32, #tpu.memory_space<vmem>>) target_semaphore(%run_scoped3A_579 : memref<!tpu.dma_semaphore, #tpu.memory_space<semaphore_mem>>)
        %dma_wait3A_586 = arith.constant 0 : i32
        %dma_wait3A_587 = tpu.memref_slice %arg5[%run_scoped3A_191, %add3A, %mul3A_190, %dma_wait3A_586] : memref<2x32x125x80xi32, #tpu.memory_space<hbm>> -> memref<1x1x24x80xi32, #tpu.memory_space<hbm>>
        %dma_wait3A_588 = tpu.memref_squeeze %dma_wait3A_587 : memref<1x1x24x80xi32, #tpu.memory_space<hbm>> -> memref<24x80xi32, #tpu.memory_space<hbm>>
        %dma_wait3A_589 = arith.constant 0 : i32
        %dma_wait3A_590 = tpu.memref_slice %arg5[%run_scoped3A_191, %add3A, %mul3A_190, %dma_wait3A_589] : memref<2x32x125x80xi32, #tpu.memory_space<hbm>> -> memref<1x1x24x80xi32, #tpu.memory_space<hbm>>
        %dma_wait3A_591 = tpu.memref_squeeze %dma_wait3A_590 : memref<1x1x24x80xi32, #tpu.memory_space<hbm>> -> memref<24x80xi32, #tpu.memory_space<hbm>>
        tpu.wait_dma2 semaphore(%run_scoped3A_579 : memref<!tpu.dma_semaphore, #tpu.memory_space<semaphore_mem>>) src(%dma_wait3A_591 : memref<24x80xi32, #tpu.memory_space<hbm>>) dst(%arg9 : memref<24x80xi32, #tpu.memory_space<vmem>>)
        tpu.yield
      }) : () -> ()
      %mul3A_192 = arith.constant 24 : i32
      %mul3A_193 = arith.muli %scan3A_187, %mul3A_192 : i32
      %dma_start3A_194 = arith.constant 0 : i32
      %dma_start3A_195 = arith.constant 0 : i32
      %dma_start3A_196 = tpu.memref_slice %arg9[%dma_start3A_194, %dma_start3A_195] : memref<24x80xi32, #tpu.memory_space<vmem>> -> memref<1x80xi32, #tpu.memory_space<vmem>>
      %dma_start3A_197 = tpu.memref_squeeze %dma_start3A_196 : memref<1x80xi32, #tpu.memory_space<vmem>> -> memref<80xi32, #tpu.memory_space<vmem>>
      %dma_start3A_198 = arith.constant 0 : i32
      %dma_start3A_199 = arith.constant 0 : i32
      %dma_start3A_200 = tpu.memref_slice %arg3[%dma_start3A_198, %dma_start3A_199] : memref<10000x128xf32, #tpu.memory_space<hbm>> -> memref<10000x128xf32, #tpu.memory_space<hbm>>
      tpu.enqueue_indirect_dma source(%dma_start3A_200 : memref<10000x128xf32, #tpu.memory_space<hbm>>) target(%arg11 : memref<80x128xf32, #tpu.memory_space<vmem>>) offsets(%dma_start3A_197 : memref<80xi32, #tpu.memory_space<vmem>>) semaphore(%arg14 : memref<!tpu.dma_semaphore, #tpu.memory_space<semaphore_mem>>)
      %dma_start3A_201 = arith.constant 1 : i32
      %dma_start3A_202 = arith.constant 0 : i32
      %dma_start3A_203 = tpu.memref_slice %arg9[%dma_start3A_201, %dma_start3A_202] : memref<24x80xi32, #tpu.memory_space<vmem>> -> memref<1x80xi32, #tpu.memory_space<vmem>>
      %dma_start3A_204 = tpu.memref_squeeze %dma_start3A_203 : memref<1x80xi32, #tpu.memory_space<vmem>> -> memref<80xi32, #tpu.memory_space<vmem>>
      %dma_start3A_205 = arith.constant 0 : i32
      %dma_start3A_206 = arith.constant 0 : i32
      %dma_start3A_207 = tpu.memref_slice %arg3[%dma_start3A_205, %dma_start3A_206] : memref<10000x128xf32, #tpu.memory_space<hbm>> -> memref<10000x128xf32, #tpu.memory_space<hbm>>
      tpu.enqueue_indirect_dma source(%dma_start3A_207 : memref<10000x128xf32, #tpu.memory_space<hbm>>) target(%arg12 : memref<80x128xf32, #tpu.memory_space<vmem>>) offsets(%dma_start3A_204 : memref<80xi32, #tpu.memory_space<vmem>>) semaphore(%arg15 : memref<!tpu.dma_semaphore, #tpu.memory_space<semaphore_mem>>)
      %dma_start3A_208 = arith.constant 2 : i32
      %dma_start3A_209 = arith.constant 0 : i32
      %dma_start3A_210 = tpu.memref_slice %arg9[%dma_start3A_208, %dma_start3A_209] : memref<24x80xi32, #tpu.memory_space<vmem>> -> memref<1x80xi32, #tpu.memory_space<vmem>>
      %dma_start3A_211 = tpu.memref_squeeze %dma_start3A_210 : memref<1x80xi32, #tpu.memory_space<vmem>> -> memref<80xi32, #tpu.memory_space<vmem>>
      %dma_start3A_212 = arith.constant 0 : i32
      %dma_start3A_213 = arith.constant 0 : i32
      %dma_start3A_214 = tpu.memref_slice %arg3[%dma_start3A_212, %dma_start3A_213] : memref<10000x128xf32, #tpu.memory_space<hbm>> -> memref<10000x128xf32, #tpu.memory_space<hbm>>
      tpu.enqueue_indirect_dma source(%dma_start3A_214 : memref<10000x128xf32, #tpu.memory_space<hbm>>) target(%arg13 : memref<80x128xf32, #tpu.memory_space<vmem>>) offsets(%dma_start3A_211 : memref<80xi32, #tpu.memory_space<vmem>>) semaphore(%arg16 : memref<!tpu.dma_semaphore, #tpu.memory_space<semaphore_mem>>)
      %dma_wait3A_215 = arith.constant 0 : i32
      %dma_wait3A_216 = arith.constant 0 : i32
      %dma_wait3A_217 = tpu.memref_slice %arg9[%dma_wait3A_215, %dma_wait3A_216] : memref<24x80xi32, #tpu.memory_space<vmem>> -> memref<1x80xi32, #tpu.memory_space<vmem>>
      %dma_wait3A_218 = tpu.memref_squeeze %dma_wait3A_217 : memref<1x80xi32, #tpu.memory_space<vmem>> -> memref<80xi32, #tpu.memory_space<vmem>>
      %dma_wait3A_219 = arith.constant 0 : i32
      %dma_wait3A_220 = arith.constant 0 : i32
      %dma_wait3A_221 = tpu.memref_slice %arg3[%dma_wait3A_219, %dma_wait3A_220] : memref<10000x128xf32, #tpu.memory_space<hbm>> -> memref<10000x128xf32, #tpu.memory_space<hbm>>
      tpu.wait_indirect_dma semaphore(%arg14 : memref<!tpu.dma_semaphore, #tpu.memory_space<semaphore_mem>>) src(%dma_wait3A_221 : memref<10000x128xf32, #tpu.memory_space<hbm>>) dst(%arg11 : memref<80x128xf32, #tpu.memory_space<vmem>>)
      %add3A_222 = arith.constant 0 : i32
      %add3A_223 = arith.addi %mul3A_193, %add3A_222 : i32
      "tpu.region"() ({
        %run_scoped3A_579 = tpu.sem_alloc : memref<!tpu.dma_semaphore, #tpu.memory_space<semaphore_mem>>
        %dma_start3A_580 = arith.constant 0 : i32
        %dma_start3A_581 = tpu.memref_slice %arg10[%add3A_223, %dma_start3A_580] : memref<125x80xi32, #tpu.memory_space<vmem>> -> memref<1x80xi32, #tpu.memory_space<vmem>>
        %dma_start3A_582 = tpu.memref_squeeze %dma_start3A_581 : memref<1x80xi32, #tpu.memory_space<vmem>> -> memref<80xi32, #tpu.memory_space<vmem>>
        %dma_start3A_583 = arith.constant 0 : i32
        %dma_start3A_584 = arith.constant 0 : i32
        %dma_start3A_585 = tpu.memref_slice %arg8[%dma_start3A_583, %dma_start3A_584] : memref<10000x128xf32, #tpu.memory_space<vmem_shared>> -> memref<10000x128xf32, #tpu.memory_space<vmem_shared>>
        tpu.enqueue_indirect_dma source(%arg11 : memref<80x128xf32, #tpu.memory_space<vmem>>) target(%dma_start3A_585 : memref<10000x128xf32, #tpu.memory_space<vmem_shared>>) offsets(%dma_start3A_582 : memref<80xi32, #tpu.memory_space<vmem>>) semaphore(%run_scoped3A_579 : memref<!tpu.dma_semaphore, #tpu.memory_space<semaphore_mem>>) {add = true}
        %dma_wait3A_586 = arith.constant 0 : i32
        %dma_wait3A_587 = tpu.memref_slice %arg10[%add3A_223, %dma_wait3A_586] : memref<125x80xi32, #tpu.memory_space<vmem>> -> memref<1x80xi32, #tpu.memory_space<vmem>>
        %dma_wait3A_588 = tpu.memref_squeeze %dma_wait3A_587 : memref<1x80xi32, #tpu.memory_space<vmem>> -> memref<80xi32, #tpu.memory_space<vmem>>
        %dma_wait3A_589 = arith.constant 0 : i32
        %dma_wait3A_590 = arith.constant 0 : i32
        %dma_wait3A_591 = tpu.memref_slice %arg8[%dma_wait3A_589, %dma_wait3A_590] : memref<10000x128xf32, #tpu.memory_space<vmem_shared>> -> memref<10000x128xf32, #tpu.memory_space<vmem_shared>>
        tpu.wait_indirect_dma semaphore(%run_scoped3A_579 : memref<!tpu.dma_semaphore, #tpu.memory_space<semaphore_mem>>) src(%arg11 : memref<80x128xf32, #tpu.memory_space<vmem>>) dst(%dma_wait3A_591 : memref<10000x128xf32, #tpu.memory_space<vmem_shared>>)
        tpu.yield
      }) : () -> ()
      %dma_start3A_224 = arith.constant 3 : i32
      %dma_start3A_225 = arith.constant 0 : i32
      %dma_start3A_226 = tpu.memref_slice %arg9[%dma_start3A_224, %dma_start3A_225] : memref<24x80xi32, #tpu.memory_space<vmem>> -> memref<1x80xi32, #tpu.memory_space<vmem>>
      %dma_start3A_227 = tpu.memref_squeeze %dma_start3A_226 : memref<1x80xi32, #tpu.memory_space<vmem>> -> memref<80xi32, #tpu.memory_space<vmem>>
      %dma_start3A_228 = arith.constant 0 : i32
      %dma_start3A_229 = arith.constant 0 : i32
      %dma_start3A_230 = tpu.memref_slice %arg3[%dma_start3A_228, %dma_start3A_229] : memref<10000x128xf32, #tpu.memory_space<hbm>> -> memref<10000x128xf32, #tpu.memory_space<hbm>>
      tpu.enqueue_indirect_dma source(%dma_start3A_230 : memref<10000x128xf32, #tpu.memory_space<hbm>>) target(%arg11 : memref<80x128xf32, #tpu.memory_space<vmem>>) offsets(%dma_start3A_227 : memref<80xi32, #tpu.memory_space<vmem>>) semaphore(%arg14 : memref<!tpu.dma_semaphore, #tpu.memory_space<semaphore_mem>>)
      %dma_wait3A_231 = arith.constant 0 : i32
      %dma_wait3A_232 = arith.constant 0 : i32
      %dma_wait3A_233 = tpu.memref_slice %arg9[%dma_wait3A_231, %dma_wait3A_232] : memref<24x80xi32, #tpu.memory_space<vmem>> -> memref<1x80xi32, #tpu.memory_space<vmem>>
      %dma_wait3A_234 = tpu.memref_squeeze %dma_wait3A_233 : memref<1x80xi32, #tpu.memory_space<vmem>> -> memref<80xi32, #tpu.memory_space<vmem>>
      %dma_wait3A_235 = arith.constant 0 : i32
      %dma_wait3A_236 = arith.constant 0 : i32
      %dma_wait3A_237 = tpu.memref_slice %arg3[%dma_wait3A_235, %dma_wait3A_236] : memref<10000x128xf32, #tpu.memory_space<hbm>> -> memref<10000x128xf32, #tpu.memory_space<hbm>>
      tpu.wait_indirect_dma semaphore(%arg15 : memref<!tpu.dma_semaphore, #tpu.memory_space<semaphore_mem>>) src(%dma_wait3A_237 : memref<10000x128xf32, #tpu.memory_space<hbm>>) dst(%arg12 : memref<80x128xf32, #tpu.memory_space<vmem>>)
      %add3A_238 = arith.constant 1 : i32
      %add3A_239 = arith.addi %mul3A_193, %add3A_238 : i32
      "tpu.region"() ({
        %run_scoped3A_579 = tpu.sem_alloc : memref<!tpu.dma_semaphore, #tpu.memory_space<semaphore_mem>>
        %dma_start3A_580 = arith.constant 0 : i32
        %dma_start3A_581 = tpu.memref_slice %arg10[%add3A_239, %dma_start3A_580] : memref<125x80xi32, #tpu.memory_space<vmem>> -> memref<1x80xi32, #tpu.memory_space<vmem>>
        %dma_start3A_582 = tpu.memref_squeeze %dma_start3A_581 : memref<1x80xi32, #tpu.memory_space<vmem>> -> memref<80xi32, #tpu.memory_space<vmem>>
        %dma_start3A_583 = arith.constant 0 : i32
        %dma_start3A_584 = arith.constant 0 : i32
        %dma_start3A_585 = tpu.memref_slice %arg8[%dma_start3A_583, %dma_start3A_584] : memref<10000x128xf32, #tpu.memory_space<vmem_shared>> -> memref<10000x128xf32, #tpu.memory_space<vmem_shared>>
        tpu.enqueue_indirect_dma source(%arg12 : memref<80x128xf32, #tpu.memory_space<vmem>>) target(%dma_start3A_585 : memref<10000x128xf32, #tpu.memory_space<vmem_shared>>) offsets(%dma_start3A_582 : memref<80xi32, #tpu.memory_space<vmem>>) semaphore(%run_scoped3A_579 : memref<!tpu.dma_semaphore, #tpu.memory_space<semaphore_mem>>) {add = true}
        %dma_wait3A_586 = arith.constant 0 : i32
        %dma_wait3A_587 = tpu.memref_slice %arg10[%add3A_239, %dma_wait3A_586] : memref<125x80xi32, #tpu.memory_space<vmem>> -> memref<1x80xi32, #tpu.memory_space<vmem>>
        %dma_wait3A_588 = tpu.memref_squeeze %dma_wait3A_587 : memref<1x80xi32, #tpu.memory_space<vmem>> -> memref<80xi32, #tpu.memory_space<vmem>>
        %dma_wait3A_589 = arith.constant 0 : i32
        %dma_wait3A_590 = arith.constant 0 : i32
        %dma_wait3A_591 = tpu.memref_slice %arg8[%dma_wait3A_589, %dma_wait3A_590] : memref<10000x128xf32, #tpu.memory_space<vmem_shared>> -> memref<10000x128xf32, #tpu.memory_space<vmem_shared>>
        tpu.wait_indirect_dma semaphore(%run_scoped3A_579 : memref<!tpu.dma_semaphore, #tpu.memory_space<semaphore_mem>>) src(%arg12 : memref<80x128xf32, #tpu.memory_space<vmem>>) dst(%dma_wait3A_591 : memref<10000x128xf32, #tpu.memory_space<vmem_shared>>)
        tpu.yield
      }) : () -> ()
      %dma_start3A_240 = arith.constant 4 : i32
      %dma_start3A_241 = arith.constant 0 : i32
      %dma_start3A_242 = tpu.memref_slice %arg9[%dma_start3A_240, %dma_start3A_241] : memref<24x80xi32, #tpu.memory_space<vmem>> -> memref<1x80xi32, #tpu.memory_space<vmem>>
      %dma_start3A_243 = tpu.memref_squeeze %dma_start3A_242 : memref<1x80xi32, #tpu.memory_space<vmem>> -> memref<80xi32, #tpu.memory_space<vmem>>
      %dma_start3A_244 = arith.constant 0 : i32
      %dma_start3A_245 = arith.constant 0 : i32
      %dma_start3A_246 = tpu.memref_slice %arg3[%dma_start3A_244, %dma_start3A_245] : memref<10000x128xf32, #tpu.memory_space<hbm>> -> memref<10000x128xf32, #tpu.memory_space<hbm>>
      tpu.enqueue_indirect_dma source(%dma_start3A_246 : memref<10000x128xf32, #tpu.memory_space<hbm>>) target(%arg12 : memref<80x128xf32, #tpu.memory_space<vmem>>) offsets(%dma_start3A_243 : memref<80xi32, #tpu.memory_space<vmem>>) semaphore(%arg15 : memref<!tpu.dma_semaphore, #tpu.memory_space<semaphore_mem>>)
      %dma_wait3A_247 = arith.constant 0 : i32
      %dma_wait3A_248 = arith.constant 0 : i32
      %dma_wait3A_249 = tpu.memref_slice %arg9[%dma_wait3A_247, %dma_wait3A_248] : memref<24x80xi32, #tpu.memory_space<vmem>> -> memref<1x80xi32, #tpu.memory_space<vmem>>
      %dma_wait3A_250 = tpu.memref_squeeze %dma_wait3A_249 : memref<1x80xi32, #tpu.memory_space<vmem>> -> memref<80xi32, #tpu.memory_space<vmem>>
      %dma_wait3A_251 = arith.constant 0 : i32
      %dma_wait3A_252 = arith.constant 0 : i32
      %dma_wait3A_253 = tpu.memref_slice %arg3[%dma_wait3A_251, %dma_wait3A_252] : memref<10000x128xf32, #tpu.memory_space<hbm>> -> memref<10000x128xf32, #tpu.memory_space<hbm>>
      tpu.wait_indirect_dma semaphore(%arg16 : memref<!tpu.dma_semaphore, #tpu.memory_space<semaphore_mem>>) src(%dma_wait3A_253 : memref<10000x128xf32, #tpu.memory_space<hbm>>) dst(%arg13 : memref<80x128xf32, #tpu.memory_space<vmem>>)
      %add3A_254 = arith.constant 2 : i32
      %add3A_255 = arith.addi %mul3A_193, %add3A_254 : i32
      "tpu.region"() ({
        %run_scoped3A_579 = tpu.sem_alloc : memref<!tpu.dma_semaphore, #tpu.memory_space<semaphore_mem>>
        %dma_start3A_580 = arith.constant 0 : i32
        %dma_start3A_581 = tpu.memref_slice %arg10[%add3A_255, %dma_start3A_580] : memref<125x80xi32, #tpu.memory_space<vmem>> -> memref<1x80xi32, #tpu.memory_space<vmem>>
        %dma_start3A_582 = tpu.memref_squeeze %dma_start3A_581 : memref<1x80xi32, #tpu.memory_space<vmem>> -> memref<80xi32, #tpu.memory_space<vmem>>
        %dma_start3A_583 = arith.constant 0 : i32
        %dma_start3A_584 = arith.constant 0 : i32
        %dma_start3A_585 = tpu.memref_slice %arg8[%dma_start3A_583, %dma_start3A_584] : memref<10000x128xf32, #tpu.memory_space<vmem_shared>> -> memref<10000x128xf32, #tpu.memory_space<vmem_shared>>
        tpu.enqueue_indirect_dma source(%arg13 : memref<80x128xf32, #tpu.memory_space<vmem>>) target(%dma_start3A_585 : memref<10000x128xf32, #tpu.memory_space<vmem_shared>>) offsets(%dma_start3A_582 : memref<80xi32, #tpu.memory_space<vmem>>) semaphore(%run_scoped3A_579 : memref<!tpu.dma_semaphore, #tpu.memory_space<semaphore_mem>>) {add = true}
        %dma_wait3A_586 = arith.constant 0 : i32
        %dma_wait3A_587 = tpu.memref_slice %arg10[%add3A_255, %dma_wait3A_586] : memref<125x80xi32, #tpu.memory_space<vmem>> -> memref<1x80xi32, #tpu.memory_space<vmem>>
        %dma_wait3A_588 = tpu.memref_squeeze %dma_wait3A_587 : memref<1x80xi32, #tpu.memory_space<vmem>> -> memref<80xi32, #tpu.memory_space<vmem>>
        %dma_wait3A_589 = arith.constant 0 : i32
        %dma_wait3A_590 = arith.constant 0 : i32
        %dma_wait3A_591 = tpu.memref_slice %arg8[%dma_wait3A_589, %dma_wait3A_590] : memref<10000x128xf32, #tpu.memory_space<vmem_shared>> -> memref<10000x128xf32, #tpu.memory_space<vmem_shared>>
        tpu.wait_indirect_dma semaphore(%run_scoped3A_579 : memref<!tpu.dma_semaphore, #tpu.memory_space<semaphore_mem>>) src(%arg13 : memref<80x128xf32, #tpu.memory_space<vmem>>) dst(%dma_wait3A_591 : memref<10000x128xf32, #tpu.memory_space<vmem_shared>>)
        tpu.yield
      }) : () -> ()
      %dma_start3A_256 = arith.constant 5 : i32
      %dma_start3A_257 = arith.constant 0 : i32
      %dma_start3A_258 = tpu.memref_slice %arg9[%dma_start3A_256, %dma_start3A_257] : memref<24x80xi32, #tpu.memory_space<vmem>> -> memref<1x80xi32, #tpu.memory_space<vmem>>
      %dma_start3A_259 = tpu.memref_squeeze %dma_start3A_258 : memref<1x80xi32, #tpu.memory_space<vmem>> -> memref<80xi32, #tpu.memory_space<vmem>>
      %dma_start3A_260 = arith.constant 0 : i32
      %dma_start3A_261 = arith.constant 0 : i32
      %dma_start3A_262 = tpu.memref_slice %arg3[%dma_start3A_260, %dma_start3A_261] : memref<10000x128xf32, #tpu.memory_space<hbm>> -> memref<10000x128xf32, #tpu.memory_space<hbm>>
      tpu.enqueue_indirect_dma source(%dma_start3A_262 : memref<10000x128xf32, #tpu.memory_space<hbm>>) target(%arg13 : memref<80x128xf32, #tpu.memory_space<vmem>>) offsets(%dma_start3A_259 : memref<80xi32, #tpu.memory_space<vmem>>) semaphore(%arg16 : memref<!tpu.dma_semaphore, #tpu.memory_space<semaphore_mem>>)
      %dma_wait3A_263 = arith.constant 0 : i32
      %dma_wait3A_264 = arith.constant 0 : i32
      %dma_wait3A_265 = tpu.memref_slice %arg9[%dma_wait3A_263, %dma_wait3A_264] : memref<24x80xi32, #tpu.memory_space<vmem>> -> memref<1x80xi32, #tpu.memory_space<vmem>>
      %dma_wait3A_266 = tpu.memref_squeeze %dma_wait3A_265 : memref<1x80xi32, #tpu.memory_space<vmem>> -> memref<80xi32, #tpu.memory_space<vmem>>
      %dma_wait3A_267 = arith.constant 0 : i32
      %dma_wait3A_268 = arith.constant 0 : i32
      %dma_wait3A_269 = tpu.memref_slice %arg3[%dma_wait3A_267, %dma_wait3A_268] : memref<10000x128xf32, #tpu.memory_space<hbm>> -> memref<10000x128xf32, #tpu.memory_space<hbm>>
      tpu.wait_indirect_dma semaphore(%arg14 : memref<!tpu.dma_semaphore, #tpu.memory_space<semaphore_mem>>) src(%dma_wait3A_269 : memref<10000x128xf32, #tpu.memory_space<hbm>>) dst(%arg11 : memref<80x128xf32, #tpu.memory_space<vmem>>)
      %add3A_270 = arith.constant 3 : i32
      %add3A_271 = arith.addi %mul3A_193, %add3A_270 : i32
      "tpu.region"() ({
        %run_scoped3A_579 = tpu.sem_alloc : memref<!tpu.dma_semaphore, #tpu.memory_space<semaphore_mem>>
        %dma_start3A_580 = arith.constant 0 : i32
        %dma_start3A_581 = tpu.memref_slice %arg10[%add3A_271, %dma_start3A_580] : memref<125x80xi32, #tpu.memory_space<vmem>> -> memref<1x80xi32, #tpu.memory_space<vmem>>
        %dma_start3A_582 = tpu.memref_squeeze %dma_start3A_581 : memref<1x80xi32, #tpu.memory_space<vmem>> -> memref<80xi32, #tpu.memory_space<vmem>>
        %dma_start3A_583 = arith.constant 0 : i32
        %dma_start3A_584 = arith.constant 0 : i32
        %dma_start3A_585 = tpu.memref_slice %arg8[%dma_start3A_583, %dma_start3A_584] : memref<10000x128xf32, #tpu.memory_space<vmem_shared>> -> memref<10000x128xf32, #tpu.memory_space<vmem_shared>>
        tpu.enqueue_indirect_dma source(%arg11 : memref<80x128xf32, #tpu.memory_space<vmem>>) target(%dma_start3A_585 : memref<10000x128xf32, #tpu.memory_space<vmem_shared>>) offsets(%dma_start3A_582 : memref<80xi32, #tpu.memory_space<vmem>>) semaphore(%run_scoped3A_579 : memref<!tpu.dma_semaphore, #tpu.memory_space<semaphore_mem>>) {add = true}
        %dma_wait3A_586 = arith.constant 0 : i32
        %dma_wait3A_587 = tpu.memref_slice %arg10[%add3A_271, %dma_wait3A_586] : memref<125x80xi32, #tpu.memory_space<vmem>> -> memref<1x80xi32, #tpu.memory_space<vmem>>
        %dma_wait3A_588 = tpu.memref_squeeze %dma_wait3A_587 : memref<1x80xi32, #tpu.memory_space<vmem>> -> memref<80xi32, #tpu.memory_space<vmem>>
        %dma_wait3A_589 = arith.constant 0 : i32
        %dma_wait3A_590 = arith.constant 0 : i32
        %dma_wait3A_591 = tpu.memref_slice %arg8[%dma_wait3A_589, %dma_wait3A_590] : memref<10000x128xf32, #tpu.memory_space<vmem_shared>> -> memref<10000x128xf32, #tpu.memory_space<vmem_shared>>
        tpu.wait_indirect_dma semaphore(%run_scoped3A_579 : memref<!tpu.dma_semaphore, #tpu.memory_space<semaphore_mem>>) src(%arg11 : memref<80x128xf32, #tpu.memory_space<vmem>>) dst(%dma_wait3A_591 : memref<10000x128xf32, #tpu.memory_space<vmem_shared>>)
        tpu.yield
      }) : () -> ()
      %dma_start3A_272 = arith.constant 6 : i32
      %dma_start3A_273 = arith.constant 0 : i32
      %dma_start3A_274 = tpu.memref_slice %arg9[%dma_start3A_272, %dma_start3A_273] : memref<24x80xi32, #tpu.memory_space<vmem>> -> memref<1x80xi32, #tpu.memory_space<vmem>>
      %dma_start3A_275 = tpu.memref_squeeze %dma_start3A_274 : memref<1x80xi32, #tpu.memory_space<vmem>> -> memref<80xi32, #tpu.memory_space<vmem>>
      %dma_start3A_276 = arith.constant 0 : i32
      %dma_start3A_277 = arith.constant 0 : i32
      %dma_start3A_278 = tpu.memref_slice %arg3[%dma_start3A_276, %dma_start3A_277] : memref<10000x128xf32, #tpu.memory_space<hbm>> -> memref<10000x128xf32, #tpu.memory_space<hbm>>
      tpu.enqueue_indirect_dma source(%dma_start3A_278 : memref<10000x128xf32, #tpu.memory_space<hbm>>) target(%arg11 : memref<80x128xf32, #tpu.memory_space<vmem>>) offsets(%dma_start3A_275 : memref<80xi32, #tpu.memory_space<vmem>>) semaphore(%arg14 : memref<!tpu.dma_semaphore, #tpu.memory_space<semaphore_mem>>)
      %dma_wait3A_279 = arith.constant 0 : i32
      %dma_wait3A_280 = arith.constant 0 : i32
      %dma_wait3A_281 = tpu.memref_slice %arg9[%dma_wait3A_279, %dma_wait3A_280] : memref<24x80xi32, #tpu.memory_space<vmem>> -> memref<1x80xi32, #tpu.memory_space<vmem>>
      %dma_wait3A_282 = tpu.memref_squeeze %dma_wait3A_281 : memref<1x80xi32, #tpu.memory_space<vmem>> -> memref<80xi32, #tpu.memory_space<vmem>>
      %dma_wait3A_283 = arith.constant 0 : i32
      %dma_wait3A_284 = arith.constant 0 : i32
      %dma_wait3A_285 = tpu.memref_slice %arg3[%dma_wait3A_283, %dma_wait3A_284] : memref<10000x128xf32, #tpu.memory_space<hbm>> -> memref<10000x128xf32, #tpu.memory_space<hbm>>
      tpu.wait_indirect_dma semaphore(%arg15 : memref<!tpu.dma_semaphore, #tpu.memory_space<semaphore_mem>>) src(%dma_wait3A_285 : memref<10000x128xf32, #tpu.memory_space<hbm>>) dst(%arg12 : memref<80x128xf32, #tpu.memory_space<vmem>>)
      %add3A_286 = arith.constant 4 : i32
      %add3A_287 = arith.addi %mul3A_193, %add3A_286 : i32
      "tpu.region"() ({
        %run_scoped3A_579 = tpu.sem_alloc : memref<!tpu.dma_semaphore, #tpu.memory_space<semaphore_mem>>
        %dma_start3A_580 = arith.constant 0 : i32
        %dma_start3A_581 = tpu.memref_slice %arg10[%add3A_287, %dma_start3A_580] : memref<125x80xi32, #tpu.memory_space<vmem>> -> memref<1x80xi32, #tpu.memory_space<vmem>>
        %dma_start3A_582 = tpu.memref_squeeze %dma_start3A_581 : memref<1x80xi32, #tpu.memory_space<vmem>> -> memref<80xi32, #tpu.memory_space<vmem>>
        %dma_start3A_583 = arith.constant 0 : i32
        %dma_start3A_584 = arith.constant 0 : i32
        %dma_start3A_585 = tpu.memref_slice %arg8[%dma_start3A_583, %dma_start3A_584] : memref<10000x128xf32, #tpu.memory_space<vmem_shared>> -> memref<10000x128xf32, #tpu.memory_space<vmem_shared>>
        tpu.enqueue_indirect_dma source(%arg12 : memref<80x128xf32, #tpu.memory_space<vmem>>) target(%dma_start3A_585 : memref<10000x128xf32, #tpu.memory_space<vmem_shared>>) offsets(%dma_start3A_582 : memref<80xi32, #tpu.memory_space<vmem>>) semaphore(%run_scoped3A_579 : memref<!tpu.dma_semaphore, #tpu.memory_space<semaphore_mem>>) {add = true}
        %dma_wait3A_586 = arith.constant 0 : i32
        %dma_wait3A_587 = tpu.memref_slice %arg10[%add3A_287, %dma_wait3A_586] : memref<125x80xi32, #tpu.memory_space<vmem>> -> memref<1x80xi32, #tpu.memory_space<vmem>>
        %dma_wait3A_588 = tpu.memref_squeeze %dma_wait3A_587 : memref<1x80xi32, #tpu.memory_space<vmem>> -> memref<80xi32, #tpu.memory_space<vmem>>
        %dma_wait3A_589 = arith.constant 0 : i32
        %dma_wait3A_590 = arith.constant 0 : i32
        %dma_wait3A_591 = tpu.memref_slice %arg8[%dma_wait3A_589, %dma_wait3A_590] : memref<10000x128xf32, #tpu.memory_space<vmem_shared>> -> memref<10000x128xf32, #tpu.memory_space<vmem_shared>>
        tpu.wait_indirect_dma semaphore(%run_scoped3A_579 : memref<!tpu.dma_semaphore, #tpu.memory_space<semaphore_mem>>) src(%arg12 : memref<80x128xf32, #tpu.memory_space<vmem>>) dst(%dma_wait3A_591 : memref<10000x128xf32, #tpu.memory_space<vmem_shared>>)
        tpu.yield
      }) : () -> ()
      %dma_start3A_288 = arith.constant 7 : i32
      %dma_start3A_289 = arith.constant 0 : i32
      %dma_start3A_290 = tpu.memref_slice %arg9[%dma_start3A_288, %dma_start3A_289] : memref<24x80xi32, #tpu.memory_space<vmem>> -> memref<1x80xi32, #tpu.memory_space<vmem>>
      %dma_start3A_291 = tpu.memref_squeeze %dma_start3A_290 : memref<1x80xi32, #tpu.memory_space<vmem>> -> memref<80xi32, #tpu.memory_space<vmem>>
      %dma_start3A_292 = arith.constant 0 : i32
      %dma_start3A_293 = arith.constant 0 : i32
      %dma_start3A_294 = tpu.memref_slice %arg3[%dma_start3A_292, %dma_start3A_293] : memref<10000x128xf32, #tpu.memory_space<hbm>> -> memref<10000x128xf32, #tpu.memory_space<hbm>>
      tpu.enqueue_indirect_dma source(%dma_start3A_294 : memref<10000x128xf32, #tpu.memory_space<hbm>>) target(%arg12 : memref<80x128xf32, #tpu.memory_space<vmem>>) offsets(%dma_start3A_291 : memref<80xi32, #tpu.memory_space<vmem>>) semaphore(%arg15 : memref<!tpu.dma_semaphore, #tpu.memory_space<semaphore_mem>>)
      %dma_wait3A_295 = arith.constant 0 : i32
      %dma_wait3A_296 = arith.constant 0 : i32
      %dma_wait3A_297 = tpu.memref_slice %arg9[%dma_wait3A_295, %dma_wait3A_296] : memref<24x80xi32, #tpu.memory_space<vmem>> -> memref<1x80xi32, #tpu.memory_space<vmem>>
      %dma_wait3A_298 = tpu.memref_squeeze %dma_wait3A_297 : memref<1x80xi32, #tpu.memory_space<vmem>> -> memref<80xi32, #tpu.memory_space<vmem>>
      %dma_wait3A_299 = arith.constant 0 : i32
      %dma_wait3A_300 = arith.constant 0 : i32
      %dma_wait3A_301 = tpu.memref_slice %arg3[%dma_wait3A_299, %dma_wait3A_300] : memref<10000x128xf32, #tpu.memory_space<hbm>> -> memref<10000x128xf32, #tpu.memory_space<hbm>>
      tpu.wait_indirect_dma semaphore(%arg16 : memref<!tpu.dma_semaphore, #tpu.memory_space<semaphore_mem>>) src(%dma_wait3A_301 : memref<10000x128xf32, #tpu.memory_space<hbm>>) dst(%arg13 : memref<80x128xf32, #tpu.memory_space<vmem>>)
      %add3A_302 = arith.constant 5 : i32
      %add3A_303 = arith.addi %mul3A_193, %add3A_302 : i32
      "tpu.region"() ({
        %run_scoped3A_579 = tpu.sem_alloc : memref<!tpu.dma_semaphore, #tpu.memory_space<semaphore_mem>>
        %dma_start3A_580 = arith.constant 0 : i32
        %dma_start3A_581 = tpu.memref_slice %arg10[%add3A_303, %dma_start3A_580] : memref<125x80xi32, #tpu.memory_space<vmem>> -> memref<1x80xi32, #tpu.memory_space<vmem>>
        %dma_start3A_582 = tpu.memref_squeeze %dma_start3A_581 : memref<1x80xi32, #tpu.memory_space<vmem>> -> memref<80xi32, #tpu.memory_space<vmem>>
        %dma_start3A_583 = arith.constant 0 : i32
        %dma_start3A_584 = arith.constant 0 : i32
        %dma_start3A_585 = tpu.memref_slice %arg8[%dma_start3A_583, %dma_start3A_584] : memref<10000x128xf32, #tpu.memory_space<vmem_shared>> -> memref<10000x128xf32, #tpu.memory_space<vmem_shared>>
        tpu.enqueue_indirect_dma source(%arg13 : memref<80x128xf32, #tpu.memory_space<vmem>>) target(%dma_start3A_585 : memref<10000x128xf32, #tpu.memory_space<vmem_shared>>) offsets(%dma_start3A_582 : memref<80xi32, #tpu.memory_space<vmem>>) semaphore(%run_scoped3A_579 : memref<!tpu.dma_semaphore, #tpu.memory_space<semaphore_mem>>) {add = true}
        %dma_wait3A_586 = arith.constant 0 : i32
        %dma_wait3A_587 = tpu.memref_slice %arg10[%add3A_303, %dma_wait3A_586] : memref<125x80xi32, #tpu.memory_space<vmem>> -> memref<1x80xi32, #tpu.memory_space<vmem>>
        %dma_wait3A_588 = tpu.memref_squeeze %dma_wait3A_587 : memref<1x80xi32, #tpu.memory_space<vmem>> -> memref<80xi32, #tpu.memory_space<vmem>>
        %dma_wait3A_589 = arith.constant 0 : i32
        %dma_wait3A_590 = arith.constant 0 : i32
        %dma_wait3A_591 = tpu.memref_slice %arg8[%dma_wait3A_589, %dma_wait3A_590] : memref<10000x128xf32, #tpu.memory_space<vmem_shared>> -> memref<10000x128xf32, #tpu.memory_space<vmem_shared>>
        tpu.wait_indirect_dma semaphore(%run_scoped3A_579 : memref<!tpu.dma_semaphore, #tpu.memory_space<semaphore_mem>>) src(%arg13 : memref<80x128xf32, #tpu.memory_space<vmem>>) dst(%dma_wait3A_591 : memref<10000x128xf32, #tpu.memory_space<vmem_shared>>)
        tpu.yield
      }) : () -> ()
      %dma_start3A_304 = arith.constant 8 : i32
      %dma_start3A_305 = arith.constant 0 : i32
      %dma_start3A_306 = tpu.memref_slice %arg9[%dma_start3A_304, %dma_start3A_305] : memref<24x80xi32, #tpu.memory_space<vmem>> -> memref<1x80xi32, #tpu.memory_space<vmem>>
      %dma_start3A_307 = tpu.memref_squeeze %dma_start3A_306 : memref<1x80xi32, #tpu.memory_space<vmem>> -> memref<80xi32, #tpu.memory_space<vmem>>
      %dma_start3A_308 = arith.constant 0 : i32
      %dma_start3A_309 = arith.constant 0 : i32
      %dma_start3A_310 = tpu.memref_slice %arg3[%dma_start3A_308, %dma_start3A_309] : memref<10000x128xf32, #tpu.memory_space<hbm>> -> memref<10000x128xf32, #tpu.memory_space<hbm>>
      tpu.enqueue_indirect_dma source(%dma_start3A_310 : memref<10000x128xf32, #tpu.memory_space<hbm>>) target(%arg13 : memref<80x128xf32, #tpu.memory_space<vmem>>) offsets(%dma_start3A_307 : memref<80xi32, #tpu.memory_space<vmem>>) semaphore(%arg16 : memref<!tpu.dma_semaphore, #tpu.memory_space<semaphore_mem>>)
      %dma_wait3A_311 = arith.constant 0 : i32
      %dma_wait3A_312 = arith.constant 0 : i32
      %dma_wait3A_313 = tpu.memref_slice %arg9[%dma_wait3A_311, %dma_wait3A_312] : memref<24x80xi32, #tpu.memory_space<vmem>> -> memref<1x80xi32, #tpu.memory_space<vmem>>
      %dma_wait3A_314 = tpu.memref_squeeze %dma_wait3A_313 : memref<1x80xi32, #tpu.memory_space<vmem>> -> memref<80xi32, #tpu.memory_space<vmem>>
      %dma_wait3A_315 = arith.constant 0 : i32
      %dma_wait3A_316 = arith.constant 0 : i32
      %dma_wait3A_317 = tpu.memref_slice %arg3[%dma_wait3A_315, %dma_wait3A_316] : memref<10000x128xf32, #tpu.memory_space<hbm>> -> memref<10000x128xf32, #tpu.memory_space<hbm>>
      tpu.wait_indirect_dma semaphore(%arg14 : memref<!tpu.dma_semaphore, #tpu.memory_space<semaphore_mem>>) src(%dma_wait3A_317 : memref<10000x128xf32, #tpu.memory_space<hbm>>) dst(%arg11 : memref<80x128xf32, #tpu.memory_space<vmem>>)
      %add3A_318 = arith.constant 6 : i32
      %add3A_319 = arith.addi %mul3A_193, %add3A_318 : i32
      "tpu.region"() ({
        %run_scoped3A_579 = tpu.sem_alloc : memref<!tpu.dma_semaphore, #tpu.memory_space<semaphore_mem>>
        %dma_start3A_580 = arith.constant 0 : i32
        %dma_start3A_581 = tpu.memref_slice %arg10[%add3A_319, %dma_start3A_580] : memref<125x80xi32, #tpu.memory_space<vmem>> -> memref<1x80xi32, #tpu.memory_space<vmem>>
        %dma_start3A_582 = tpu.memref_squeeze %dma_start3A_581 : memref<1x80xi32, #tpu.memory_space<vmem>> -> memref<80xi32, #tpu.memory_space<vmem>>
        %dma_start3A_583 = arith.constant 0 : i32
        %dma_start3A_584 = arith.constant 0 : i32
        %dma_start3A_585 = tpu.memref_slice %arg8[%dma_start3A_583, %dma_start3A_584] : memref<10000x128xf32, #tpu.memory_space<vmem_shared>> -> memref<10000x128xf32, #tpu.memory_space<vmem_shared>>
        tpu.enqueue_indirect_dma source(%arg11 : memref<80x128xf32, #tpu.memory_space<vmem>>) target(%dma_start3A_585 : memref<10000x128xf32, #tpu.memory_space<vmem_shared>>) offsets(%dma_start3A_582 : memref<80xi32, #tpu.memory_space<vmem>>) semaphore(%run_scoped3A_579 : memref<!tpu.dma_semaphore, #tpu.memory_space<semaphore_mem>>) {add = true}
        %dma_wait3A_586 = arith.constant 0 : i32
        %dma_wait3A_587 = tpu.memref_slice %arg10[%add3A_319, %dma_wait3A_586] : memref<125x80xi32, #tpu.memory_space<vmem>> -> memref<1x80xi32, #tpu.memory_space<vmem>>
        %dma_wait3A_588 = tpu.memref_squeeze %dma_wait3A_587 : memref<1x80xi32, #tpu.memory_space<vmem>> -> memref<80xi32, #tpu.memory_space<vmem>>
        %dma_wait3A_589 = arith.constant 0 : i32
        %dma_wait3A_590 = arith.constant 0 : i32
        %dma_wait3A_591 = tpu.memref_slice %arg8[%dma_wait3A_589, %dma_wait3A_590] : memref<10000x128xf32, #tpu.memory_space<vmem_shared>> -> memref<10000x128xf32, #tpu.memory_space<vmem_shared>>
        tpu.wait_indirect_dma semaphore(%run_scoped3A_579 : memref<!tpu.dma_semaphore, #tpu.memory_space<semaphore_mem>>) src(%arg11 : memref<80x128xf32, #tpu.memory_space<vmem>>) dst(%dma_wait3A_591 : memref<10000x128xf32, #tpu.memory_space<vmem_shared>>)
        tpu.yield
      }) : () -> ()
      %dma_start3A_320 = arith.constant 9 : i32
      %dma_start3A_321 = arith.constant 0 : i32
      %dma_start3A_322 = tpu.memref_slice %arg9[%dma_start3A_320, %dma_start3A_321] : memref<24x80xi32, #tpu.memory_space<vmem>> -> memref<1x80xi32, #tpu.memory_space<vmem>>
      %dma_start3A_323 = tpu.memref_squeeze %dma_start3A_322 : memref<1x80xi32, #tpu.memory_space<vmem>> -> memref<80xi32, #tpu.memory_space<vmem>>
      %dma_start3A_324 = arith.constant 0 : i32
      %dma_start3A_325 = arith.constant 0 : i32
      %dma_start3A_326 = tpu.memref_slice %arg3[%dma_start3A_324, %dma_start3A_325] : memref<10000x128xf32, #tpu.memory_space<hbm>> -> memref<10000x128xf32, #tpu.memory_space<hbm>>
      tpu.enqueue_indirect_dma source(%dma_start3A_326 : memref<10000x128xf32, #tpu.memory_space<hbm>>) target(%arg11 : memref<80x128xf32, #tpu.memory_space<vmem>>) offsets(%dma_start3A_323 : memref<80xi32, #tpu.memory_space<vmem>>) semaphore(%arg14 : memref<!tpu.dma_semaphore, #tpu.memory_space<semaphore_mem>>)
      %dma_wait3A_327 = arith.constant 0 : i32
      %dma_wait3A_328 = arith.constant 0 : i32
      %dma_wait3A_329 = tpu.memref_slice %arg9[%dma_wait3A_327, %dma_wait3A_328] : memref<24x80xi32, #tpu.memory_space<vmem>> -> memref<1x80xi32, #tpu.memory_space<vmem>>
      %dma_wait3A_330 = tpu.memref_squeeze %dma_wait3A_329 : memref<1x80xi32, #tpu.memory_space<vmem>> -> memref<80xi32, #tpu.memory_space<vmem>>
      %dma_wait3A_331 = arith.constant 0 : i32
      %dma_wait3A_332 = arith.constant 0 : i32
      %dma_wait3A_333 = tpu.memref_slice %arg3[%dma_wait3A_331, %dma_wait3A_332] : memref<10000x128xf32, #tpu.memory_space<hbm>> -> memref<10000x128xf32, #tpu.memory_space<hbm>>
      tpu.wait_indirect_dma semaphore(%arg15 : memref<!tpu.dma_semaphore, #tpu.memory_space<semaphore_mem>>) src(%dma_wait3A_333 : memref<10000x128xf32, #tpu.memory_space<hbm>>) dst(%arg12 : memref<80x128xf32, #tpu.memory_space<vmem>>)
      %add3A_334 = arith.constant 7 : i32
      %add3A_335 = arith.addi %mul3A_193, %add3A_334 : i32
      "tpu.region"() ({
        %run_scoped3A_579 = tpu.sem_alloc : memref<!tpu.dma_semaphore, #tpu.memory_space<semaphore_mem>>
        %dma_start3A_580 = arith.constant 0 : i32
        %dma_start3A_581 = tpu.memref_slice %arg10[%add3A_335, %dma_start3A_580] : memref<125x80xi32, #tpu.memory_space<vmem>> -> memref<1x80xi32, #tpu.memory_space<vmem>>
        %dma_start3A_582 = tpu.memref_squeeze %dma_start3A_581 : memref<1x80xi32, #tpu.memory_space<vmem>> -> memref<80xi32, #tpu.memory_space<vmem>>
        %dma_start3A_583 = arith.constant 0 : i32
        %dma_start3A_584 = arith.constant 0 : i32
        %dma_start3A_585 = tpu.memref_slice %arg8[%dma_start3A_583, %dma_start3A_584] : memref<10000x128xf32, #tpu.memory_space<vmem_shared>> -> memref<10000x128xf32, #tpu.memory_space<vmem_shared>>
        tpu.enqueue_indirect_dma source(%arg12 : memref<80x128xf32, #tpu.memory_space<vmem>>) target(%dma_start3A_585 : memref<10000x128xf32, #tpu.memory_space<vmem_shared>>) offsets(%dma_start3A_582 : memref<80xi32, #tpu.memory_space<vmem>>) semaphore(%run_scoped3A_579 : memref<!tpu.dma_semaphore, #tpu.memory_space<semaphore_mem>>) {add = true}
        %dma_wait3A_586 = arith.constant 0 : i32
        %dma_wait3A_587 = tpu.memref_slice %arg10[%add3A_335, %dma_wait3A_586] : memref<125x80xi32, #tpu.memory_space<vmem>> -> memref<1x80xi32, #tpu.memory_space<vmem>>
        %dma_wait3A_588 = tpu.memref_squeeze %dma_wait3A_587 : memref<1x80xi32, #tpu.memory_space<vmem>> -> memref<80xi32, #tpu.memory_space<vmem>>
        %dma_wait3A_589 = arith.constant 0 : i32
        %dma_wait3A_590 = arith.constant 0 : i32
        %dma_wait3A_591 = tpu.memref_slice %arg8[%dma_wait3A_589, %dma_wait3A_590] : memref<10000x128xf32, #tpu.memory_space<vmem_shared>> -> memref<10000x128xf32, #tpu.memory_space<vmem_shared>>
        tpu.wait_indirect_dma semaphore(%run_scoped3A_579 : memref<!tpu.dma_semaphore, #tpu.memory_space<semaphore_mem>>) src(%arg12 : memref<80x128xf32, #tpu.memory_space<vmem>>) dst(%dma_wait3A_591 : memref<10000x128xf32, #tpu.memory_space<vmem_shared>>)
        tpu.yield
      }) : () -> ()
      %dma_start3A_336 = arith.constant 10 : i32
      %dma_start3A_337 = arith.constant 0 : i32
      %dma_start3A_338 = tpu.memref_slice %arg9[%dma_start3A_336, %dma_start3A_337] : memref<24x80xi32, #tpu.memory_space<vmem>> -> memref<1x80xi32, #tpu.memory_space<vmem>>
      %dma_start3A_339 = tpu.memref_squeeze %dma_start3A_338 : memref<1x80xi32, #tpu.memory_space<vmem>> -> memref<80xi32, #tpu.memory_space<vmem>>
      %dma_start3A_340 = arith.constant 0 : i32
      %dma_start3A_341 = arith.constant 0 : i32
      %dma_start3A_342 = tpu.memref_slice %arg3[%dma_start3A_340, %dma_start3A_341] : memref<10000x128xf32, #tpu.memory_space<hbm>> -> memref<10000x128xf32, #tpu.memory_space<hbm>>
      tpu.enqueue_indirect_dma source(%dma_start3A_342 : memref<10000x128xf32, #tpu.memory_space<hbm>>) target(%arg12 : memref<80x128xf32, #tpu.memory_space<vmem>>) offsets(%dma_start3A_339 : memref<80xi32, #tpu.memory_space<vmem>>) semaphore(%arg15 : memref<!tpu.dma_semaphore, #tpu.memory_space<semaphore_mem>>)
      %dma_wait3A_343 = arith.constant 0 : i32
      %dma_wait3A_344 = arith.constant 0 : i32
      %dma_wait3A_345 = tpu.memref_slice %arg9[%dma_wait3A_343, %dma_wait3A_344] : memref<24x80xi32, #tpu.memory_space<vmem>> -> memref<1x80xi32, #tpu.memory_space<vmem>>
      %dma_wait3A_346 = tpu.memref_squeeze %dma_wait3A_345 : memref<1x80xi32, #tpu.memory_space<vmem>> -> memref<80xi32, #tpu.memory_space<vmem>>
      %dma_wait3A_347 = arith.constant 0 : i32
      %dma_wait3A_348 = arith.constant 0 : i32
      %dma_wait3A_349 = tpu.memref_slice %arg3[%dma_wait3A_347, %dma_wait3A_348] : memref<10000x128xf32, #tpu.memory_space<hbm>> -> memref<10000x128xf32, #tpu.memory_space<hbm>>
      tpu.wait_indirect_dma semaphore(%arg16 : memref<!tpu.dma_semaphore, #tpu.memory_space<semaphore_mem>>) src(%dma_wait3A_349 : memref<10000x128xf32, #tpu.memory_space<hbm>>) dst(%arg13 : memref<80x128xf32, #tpu.memory_space<vmem>>)
      %add3A_350 = arith.constant 8 : i32
      %add3A_351 = arith.addi %mul3A_193, %add3A_350 : i32
      "tpu.region"() ({
        %run_scoped3A_579 = tpu.sem_alloc : memref<!tpu.dma_semaphore, #tpu.memory_space<semaphore_mem>>
        %dma_start3A_580 = arith.constant 0 : i32
        %dma_start3A_581 = tpu.memref_slice %arg10[%add3A_351, %dma_start3A_580] : memref<125x80xi32, #tpu.memory_space<vmem>> -> memref<1x80xi32, #tpu.memory_space<vmem>>
        %dma_start3A_582 = tpu.memref_squeeze %dma_start3A_581 : memref<1x80xi32, #tpu.memory_space<vmem>> -> memref<80xi32, #tpu.memory_space<vmem>>
        %dma_start3A_583 = arith.constant 0 : i32
        %dma_start3A_584 = arith.constant 0 : i32
        %dma_start3A_585 = tpu.memref_slice %arg8[%dma_start3A_583, %dma_start3A_584] : memref<10000x128xf32, #tpu.memory_space<vmem_shared>> -> memref<10000x128xf32, #tpu.memory_space<vmem_shared>>
        tpu.enqueue_indirect_dma source(%arg13 : memref<80x128xf32, #tpu.memory_space<vmem>>) target(%dma_start3A_585 : memref<10000x128xf32, #tpu.memory_space<vmem_shared>>) offsets(%dma_start3A_582 : memref<80xi32, #tpu.memory_space<vmem>>) semaphore(%run_scoped3A_579 : memref<!tpu.dma_semaphore, #tpu.memory_space<semaphore_mem>>) {add = true}
        %dma_wait3A_586 = arith.constant 0 : i32
        %dma_wait3A_587 = tpu.memref_slice %arg10[%add3A_351, %dma_wait3A_586] : memref<125x80xi32, #tpu.memory_space<vmem>> -> memref<1x80xi32, #tpu.memory_space<vmem>>
        %dma_wait3A_588 = tpu.memref_squeeze %dma_wait3A_587 : memref<1x80xi32, #tpu.memory_space<vmem>> -> memref<80xi32, #tpu.memory_space<vmem>>
        %dma_wait3A_589 = arith.constant 0 : i32
        %dma_wait3A_590 = arith.constant 0 : i32
        %dma_wait3A_591 = tpu.memref_slice %arg8[%dma_wait3A_589, %dma_wait3A_590] : memref<10000x128xf32, #tpu.memory_space<vmem_shared>> -> memref<10000x128xf32, #tpu.memory_space<vmem_shared>>
        tpu.wait_indirect_dma semaphore(%run_scoped3A_579 : memref<!tpu.dma_semaphore, #tpu.memory_space<semaphore_mem>>) src(%arg13 : memref<80x128xf32, #tpu.memory_space<vmem>>) dst(%dma_wait3A_591 : memref<10000x128xf32, #tpu.memory_space<vmem_shared>>)
        tpu.yield
      }) : () -> ()
      %dma_start3A_352 = arith.constant 11 : i32
      %dma_start3A_353 = arith.constant 0 : i32
      %dma_start3A_354 = tpu.memref_slice %arg9[%dma_start3A_352, %dma_start3A_353] : memref<24x80xi32, #tpu.memory_space<vmem>> -> memref<1x80xi32, #tpu.memory_space<vmem>>
      %dma_start3A_355 = tpu.memref_squeeze %dma_start3A_354 : memref<1x80xi32, #tpu.memory_space<vmem>> -> memref<80xi32, #tpu.memory_space<vmem>>
      %dma_start3A_356 = arith.constant 0 : i32
      %dma_start3A_357 = arith.constant 0 : i32
      %dma_start3A_358 = tpu.memref_slice %arg3[%dma_start3A_356, %dma_start3A_357] : memref<10000x128xf32, #tpu.memory_space<hbm>> -> memref<10000x128xf32, #tpu.memory_space<hbm>>
      tpu.enqueue_indirect_dma source(%dma_start3A_358 : memref<10000x128xf32, #tpu.memory_space<hbm>>) target(%arg13 : memref<80x128xf32, #tpu.memory_space<vmem>>) offsets(%dma_start3A_355 : memref<80xi32, #tpu.memory_space<vmem>>) semaphore(%arg16 : memref<!tpu.dma_semaphore, #tpu.memory_space<semaphore_mem>>)
      %dma_wait3A_359 = arith.constant 0 : i32
      %dma_wait3A_360 = arith.constant 0 : i32
      %dma_wait3A_361 = tpu.memref_slice %arg9[%dma_wait3A_359, %dma_wait3A_360] : memref<24x80xi32, #tpu.memory_space<vmem>> -> memref<1x80xi32, #tpu.memory_space<vmem>>
      %dma_wait3A_362 = tpu.memref_squeeze %dma_wait3A_361 : memref<1x80xi32, #tpu.memory_space<vmem>> -> memref<80xi32, #tpu.memory_space<vmem>>
      %dma_wait3A_363 = arith.constant 0 : i32
      %dma_wait3A_364 = arith.constant 0 : i32
      %dma_wait3A_365 = tpu.memref_slice %arg3[%dma_wait3A_363, %dma_wait3A_364] : memref<10000x128xf32, #tpu.memory_space<hbm>> -> memref<10000x128xf32, #tpu.memory_space<hbm>>
      tpu.wait_indirect_dma semaphore(%arg14 : memref<!tpu.dma_semaphore, #tpu.memory_space<semaphore_mem>>) src(%dma_wait3A_365 : memref<10000x128xf32, #tpu.memory_space<hbm>>) dst(%arg11 : memref<80x128xf32, #tpu.memory_space<vmem>>)
      %add3A_366 = arith.constant 9 : i32
      %add3A_367 = arith.addi %mul3A_193, %add3A_366 : i32
      "tpu.region"() ({
        %run_scoped3A_579 = tpu.sem_alloc : memref<!tpu.dma_semaphore, #tpu.memory_space<semaphore_mem>>
        %dma_start3A_580 = arith.constant 0 : i32
        %dma_start3A_581 = tpu.memref_slice %arg10[%add3A_367, %dma_start3A_580] : memref<125x80xi32, #tpu.memory_space<vmem>> -> memref<1x80xi32, #tpu.memory_space<vmem>>
        %dma_start3A_582 = tpu.memref_squeeze %dma_start3A_581 : memref<1x80xi32, #tpu.memory_space<vmem>> -> memref<80xi32, #tpu.memory_space<vmem>>
        %dma_start3A_583 = arith.constant 0 : i32
        %dma_start3A_584 = arith.constant 0 : i32
        %dma_start3A_585 = tpu.memref_slice %arg8[%dma_start3A_583, %dma_start3A_584] : memref<10000x128xf32, #tpu.memory_space<vmem_shared>> -> memref<10000x128xf32, #tpu.memory_space<vmem_shared>>
        tpu.enqueue_indirect_dma source(%arg11 : memref<80x128xf32, #tpu.memory_space<vmem>>) target(%dma_start3A_585 : memref<10000x128xf32, #tpu.memory_space<vmem_shared>>) offsets(%dma_start3A_582 : memref<80xi32, #tpu.memory_space<vmem>>) semaphore(%run_scoped3A_579 : memref<!tpu.dma_semaphore, #tpu.memory_space<semaphore_mem>>) {add = true}
        %dma_wait3A_586 = arith.constant 0 : i32
        %dma_wait3A_587 = tpu.memref_slice %arg10[%add3A_367, %dma_wait3A_586] : memref<125x80xi32, #tpu.memory_space<vmem>> -> memref<1x80xi32, #tpu.memory_space<vmem>>
        %dma_wait3A_588 = tpu.memref_squeeze %dma_wait3A_587 : memref<1x80xi32, #tpu.memory_space<vmem>> -> memref<80xi32, #tpu.memory_space<vmem>>
        %dma_wait3A_589 = arith.constant 0 : i32
        %dma_wait3A_590 = arith.constant 0 : i32
        %dma_wait3A_591 = tpu.memref_slice %arg8[%dma_wait3A_589, %dma_wait3A_590] : memref<10000x128xf32, #tpu.memory_space<vmem_shared>> -> memref<10000x128xf32, #tpu.memory_space<vmem_shared>>
        tpu.wait_indirect_dma semaphore(%run_scoped3A_579 : memref<!tpu.dma_semaphore, #tpu.memory_space<semaphore_mem>>) src(%arg11 : memref<80x128xf32, #tpu.memory_space<vmem>>) dst(%dma_wait3A_591 : memref<10000x128xf32, #tpu.memory_space<vmem_shared>>)
        tpu.yield
      }) : () -> ()
      %dma_start3A_368 = arith.constant 12 : i32
      %dma_start3A_369 = arith.constant 0 : i32
      %dma_start3A_370 = tpu.memref_slice %arg9[%dma_start3A_368, %dma_start3A_369] : memref<24x80xi32, #tpu.memory_space<vmem>> -> memref<1x80xi32, #tpu.memory_space<vmem>>
      %dma_start3A_371 = tpu.memref_squeeze %dma_start3A_370 : memref<1x80xi32, #tpu.memory_space<vmem>> -> memref<80xi32, #tpu.memory_space<vmem>>
      %dma_start3A_372 = arith.constant 0 : i32
      %dma_start3A_373 = arith.constant 0 : i32
      %dma_start3A_374 = tpu.memref_slice %arg3[%dma_start3A_372, %dma_start3A_373] : memref<10000x128xf32, #tpu.memory_space<hbm>> -> memref<10000x128xf32, #tpu.memory_space<hbm>>
      tpu.enqueue_indirect_dma source(%dma_start3A_374 : memref<10000x128xf32, #tpu.memory_space<hbm>>) target(%arg11 : memref<80x128xf32, #tpu.memory_space<vmem>>) offsets(%dma_start3A_371 : memref<80xi32, #tpu.memory_space<vmem>>) semaphore(%arg14 : memref<!tpu.dma_semaphore, #tpu.memory_space<semaphore_mem>>)
      %dma_wait3A_375 = arith.constant 0 : i32
      %dma_wait3A_376 = arith.constant 0 : i32
      %dma_wait3A_377 = tpu.memref_slice %arg9[%dma_wait3A_375, %dma_wait3A_376] : memref<24x80xi32, #tpu.memory_space<vmem>> -> memref<1x80xi32, #tpu.memory_space<vmem>>
      %dma_wait3A_378 = tpu.memref_squeeze %dma_wait3A_377 : memref<1x80xi32, #tpu.memory_space<vmem>> -> memref<80xi32, #tpu.memory_space<vmem>>
      %dma_wait3A_379 = arith.constant 0 : i32
      %dma_wait3A_380 = arith.constant 0 : i32
      %dma_wait3A_381 = tpu.memref_slice %arg3[%dma_wait3A_379, %dma_wait3A_380] : memref<10000x128xf32, #tpu.memory_space<hbm>> -> memref<10000x128xf32, #tpu.memory_space<hbm>>
      tpu.wait_indirect_dma semaphore(%arg15 : memref<!tpu.dma_semaphore, #tpu.memory_space<semaphore_mem>>) src(%dma_wait3A_381 : memref<10000x128xf32, #tpu.memory_space<hbm>>) dst(%arg12 : memref<80x128xf32, #tpu.memory_space<vmem>>)
      %add3A_382 = arith.constant 10 : i32
      %add3A_383 = arith.addi %mul3A_193, %add3A_382 : i32
      "tpu.region"() ({
        %run_scoped3A_579 = tpu.sem_alloc : memref<!tpu.dma_semaphore, #tpu.memory_space<semaphore_mem>>
        %dma_start3A_580 = arith.constant 0 : i32
        %dma_start3A_581 = tpu.memref_slice %arg10[%add3A_383, %dma_start3A_580] : memref<125x80xi32, #tpu.memory_space<vmem>> -> memref<1x80xi32, #tpu.memory_space<vmem>>
        %dma_start3A_582 = tpu.memref_squeeze %dma_start3A_581 : memref<1x80xi32, #tpu.memory_space<vmem>> -> memref<80xi32, #tpu.memory_space<vmem>>
        %dma_start3A_583 = arith.constant 0 : i32
        %dma_start3A_584 = arith.constant 0 : i32
        %dma_start3A_585 = tpu.memref_slice %arg8[%dma_start3A_583, %dma_start3A_584] : memref<10000x128xf32, #tpu.memory_space<vmem_shared>> -> memref<10000x128xf32, #tpu.memory_space<vmem_shared>>
        tpu.enqueue_indirect_dma source(%arg12 : memref<80x128xf32, #tpu.memory_space<vmem>>) target(%dma_start3A_585 : memref<10000x128xf32, #tpu.memory_space<vmem_shared>>) offsets(%dma_start3A_582 : memref<80xi32, #tpu.memory_space<vmem>>) semaphore(%run_scoped3A_579 : memref<!tpu.dma_semaphore, #tpu.memory_space<semaphore_mem>>) {add = true}
        %dma_wait3A_586 = arith.constant 0 : i32
        %dma_wait3A_587 = tpu.memref_slice %arg10[%add3A_383, %dma_wait3A_586] : memref<125x80xi32, #tpu.memory_space<vmem>> -> memref<1x80xi32, #tpu.memory_space<vmem>>
        %dma_wait3A_588 = tpu.memref_squeeze %dma_wait3A_587 : memref<1x80xi32, #tpu.memory_space<vmem>> -> memref<80xi32, #tpu.memory_space<vmem>>
        %dma_wait3A_589 = arith.constant 0 : i32
        %dma_wait3A_590 = arith.constant 0 : i32
        %dma_wait3A_591 = tpu.memref_slice %arg8[%dma_wait3A_589, %dma_wait3A_590] : memref<10000x128xf32, #tpu.memory_space<vmem_shared>> -> memref<10000x128xf32, #tpu.memory_space<vmem_shared>>
        tpu.wait_indirect_dma semaphore(%run_scoped3A_579 : memref<!tpu.dma_semaphore, #tpu.memory_space<semaphore_mem>>) src(%arg12 : memref<80x128xf32, #tpu.memory_space<vmem>>) dst(%dma_wait3A_591 : memref<10000x128xf32, #tpu.memory_space<vmem_shared>>)
        tpu.yield
      }) : () -> ()
      %dma_start3A_384 = arith.constant 13 : i32
      %dma_start3A_385 = arith.constant 0 : i32
      %dma_start3A_386 = tpu.memref_slice %arg9[%dma_start3A_384, %dma_start3A_385] : memref<24x80xi32, #tpu.memory_space<vmem>> -> memref<1x80xi32, #tpu.memory_space<vmem>>
      %dma_start3A_387 = tpu.memref_squeeze %dma_start3A_386 : memref<1x80xi32, #tpu.memory_space<vmem>> -> memref<80xi32, #tpu.memory_space<vmem>>
      %dma_start3A_388 = arith.constant 0 : i32
      %dma_start3A_389 = arith.constant 0 : i32
      %dma_start3A_390 = tpu.memref_slice %arg3[%dma_start3A_388, %dma_start3A_389] : memref<10000x128xf32, #tpu.memory_space<hbm>> -> memref<10000x128xf32, #tpu.memory_space<hbm>>
      tpu.enqueue_indirect_dma source(%dma_start3A_390 : memref<10000x128xf32, #tpu.memory_space<hbm>>) target(%arg12 : memref<80x128xf32, #tpu.memory_space<vmem>>) offsets(%dma_start3A_387 : memref<80xi32, #tpu.memory_space<vmem>>) semaphore(%arg15 : memref<!tpu.dma_semaphore, #tpu.memory_space<semaphore_mem>>)
      %dma_wait3A_391 = arith.constant 0 : i32
      %dma_wait3A_392 = arith.constant 0 : i32
      %dma_wait3A_393 = tpu.memref_slice %arg9[%dma_wait3A_391, %dma_wait3A_392] : memref<24x80xi32, #tpu.memory_space<vmem>> -> memref<1x80xi32, #tpu.memory_space<vmem>>
      %dma_wait3A_394 = tpu.memref_squeeze %dma_wait3A_393 : memref<1x80xi32, #tpu.memory_space<vmem>> -> memref<80xi32, #tpu.memory_space<vmem>>
      %dma_wait3A_395 = arith.constant 0 : i32
      %dma_wait3A_396 = arith.constant 0 : i32
      %dma_wait3A_397 = tpu.memref_slice %arg3[%dma_wait3A_395, %dma_wait3A_396] : memref<10000x128xf32, #tpu.memory_space<hbm>> -> memref<10000x128xf32, #tpu.memory_space<hbm>>
      tpu.wait_indirect_dma semaphore(%arg16 : memref<!tpu.dma_semaphore, #tpu.memory_space<semaphore_mem>>) src(%dma_wait3A_397 : memref<10000x128xf32, #tpu.memory_space<hbm>>) dst(%arg13 : memref<80x128xf32, #tpu.memory_space<vmem>>)
      %add3A_398 = arith.constant 11 : i32
      %add3A_399 = arith.addi %mul3A_193, %add3A_398 : i32
      "tpu.region"() ({
        %run_scoped3A_579 = tpu.sem_alloc : memref<!tpu.dma_semaphore, #tpu.memory_space<semaphore_mem>>
        %dma_start3A_580 = arith.constant 0 : i32
        %dma_start3A_581 = tpu.memref_slice %arg10[%add3A_399, %dma_start3A_580] : memref<125x80xi32, #tpu.memory_space<vmem>> -> memref<1x80xi32, #tpu.memory_space<vmem>>
        %dma_start3A_582 = tpu.memref_squeeze %dma_start3A_581 : memref<1x80xi32, #tpu.memory_space<vmem>> -> memref<80xi32, #tpu.memory_space<vmem>>
        %dma_start3A_583 = arith.constant 0 : i32
        %dma_start3A_584 = arith.constant 0 : i32
        %dma_start3A_585 = tpu.memref_slice %arg8[%dma_start3A_583, %dma_start3A_584] : memref<10000x128xf32, #tpu.memory_space<vmem_shared>> -> memref<10000x128xf32, #tpu.memory_space<vmem_shared>>
        tpu.enqueue_indirect_dma source(%arg13 : memref<80x128xf32, #tpu.memory_space<vmem>>) target(%dma_start3A_585 : memref<10000x128xf32, #tpu.memory_space<vmem_shared>>) offsets(%dma_start3A_582 : memref<80xi32, #tpu.memory_space<vmem>>) semaphore(%run_scoped3A_579 : memref<!tpu.dma_semaphore, #tpu.memory_space<semaphore_mem>>) {add = true}
        %dma_wait3A_586 = arith.constant 0 : i32
        %dma_wait3A_587 = tpu.memref_slice %arg10[%add3A_399, %dma_wait3A_586] : memref<125x80xi32, #tpu.memory_space<vmem>> -> memref<1x80xi32, #tpu.memory_space<vmem>>
        %dma_wait3A_588 = tpu.memref_squeeze %dma_wait3A_587 : memref<1x80xi32, #tpu.memory_space<vmem>> -> memref<80xi32, #tpu.memory_space<vmem>>
        %dma_wait3A_589 = arith.constant 0 : i32
        %dma_wait3A_590 = arith.constant 0 : i32
        %dma_wait3A_591 = tpu.memref_slice %arg8[%dma_wait3A_589, %dma_wait3A_590] : memref<10000x128xf32, #tpu.memory_space<vmem_shared>> -> memref<10000x128xf32, #tpu.memory_space<vmem_shared>>
        tpu.wait_indirect_dma semaphore(%run_scoped3A_579 : memref<!tpu.dma_semaphore, #tpu.memory_space<semaphore_mem>>) src(%arg13 : memref<80x128xf32, #tpu.memory_space<vmem>>) dst(%dma_wait3A_591 : memref<10000x128xf32, #tpu.memory_space<vmem_shared>>)
        tpu.yield
      }) : () -> ()
      %dma_start3A_400 = arith.constant 14 : i32
      %dma_start3A_401 = arith.constant 0 : i32
      %dma_start3A_402 = tpu.memref_slice %arg9[%dma_start3A_400, %dma_start3A_401] : memref<24x80xi32, #tpu.memory_space<vmem>> -> memref<1x80xi32, #tpu.memory_space<vmem>>
      %dma_start3A_403 = tpu.memref_squeeze %dma_start3A_402 : memref<1x80xi32, #tpu.memory_space<vmem>> -> memref<80xi32, #tpu.memory_space<vmem>>
      %dma_start3A_404 = arith.constant 0 : i32
      %dma_start3A_405 = arith.constant 0 : i32
      %dma_start3A_406 = tpu.memref_slice %arg3[%dma_start3A_404, %dma_start3A_405] : memref<10000x128xf32, #tpu.memory_space<hbm>> -> memref<10000x128xf32, #tpu.memory_space<hbm>>
      tpu.enqueue_indirect_dma source(%dma_start3A_406 : memref<10000x128xf32, #tpu.memory_space<hbm>>) target(%arg13 : memref<80x128xf32, #tpu.memory_space<vmem>>) offsets(%dma_start3A_403 : memref<80xi32, #tpu.memory_space<vmem>>) semaphore(%arg16 : memref<!tpu.dma_semaphore, #tpu.memory_space<semaphore_mem>>)
      %dma_wait3A_407 = arith.constant 0 : i32
      %dma_wait3A_408 = arith.constant 0 : i32
      %dma_wait3A_409 = tpu.memref_slice %arg9[%dma_wait3A_407, %dma_wait3A_408] : memref<24x80xi32, #tpu.memory_space<vmem>> -> memref<1x80xi32, #tpu.memory_space<vmem>>
      %dma_wait3A_410 = tpu.memref_squeeze %dma_wait3A_409 : memref<1x80xi32, #tpu.memory_space<vmem>> -> memref<80xi32, #tpu.memory_space<vmem>>
      %dma_wait3A_411 = arith.constant 0 : i32
      %dma_wait3A_412 = arith.constant 0 : i32
      %dma_wait3A_413 = tpu.memref_slice %arg3[%dma_wait3A_411, %dma_wait3A_412] : memref<10000x128xf32, #tpu.memory_space<hbm>> -> memref<10000x128xf32, #tpu.memory_space<hbm>>
      tpu.wait_indirect_dma semaphore(%arg14 : memref<!tpu.dma_semaphore, #tpu.memory_space<semaphore_mem>>) src(%dma_wait3A_413 : memref<10000x128xf32, #tpu.memory_space<hbm>>) dst(%arg11 : memref<80x128xf32, #tpu.memory_space<vmem>>)
      %add3A_414 = arith.constant 12 : i32
      %add3A_415 = arith.addi %mul3A_193, %add3A_414 : i32
      "tpu.region"() ({
        %run_scoped3A_579 = tpu.sem_alloc : memref<!tpu.dma_semaphore, #tpu.memory_space<semaphore_mem>>
        %dma_start3A_580 = arith.constant 0 : i32
        %dma_start3A_581 = tpu.memref_slice %arg10[%add3A_415, %dma_start3A_580] : memref<125x80xi32, #tpu.memory_space<vmem>> -> memref<1x80xi32, #tpu.memory_space<vmem>>
        %dma_start3A_582 = tpu.memref_squeeze %dma_start3A_581 : memref<1x80xi32, #tpu.memory_space<vmem>> -> memref<80xi32, #tpu.memory_space<vmem>>
        %dma_start3A_583 = arith.constant 0 : i32
        %dma_start3A_584 = arith.constant 0 : i32
        %dma_start3A_585 = tpu.memref_slice %arg8[%dma_start3A_583, %dma_start3A_584] : memref<10000x128xf32, #tpu.memory_space<vmem_shared>> -> memref<10000x128xf32, #tpu.memory_space<vmem_shared>>
        tpu.enqueue_indirect_dma source(%arg11 : memref<80x128xf32, #tpu.memory_space<vmem>>) target(%dma_start3A_585 : memref<10000x128xf32, #tpu.memory_space<vmem_shared>>) offsets(%dma_start3A_582 : memref<80xi32, #tpu.memory_space<vmem>>) semaphore(%run_scoped3A_579 : memref<!tpu.dma_semaphore, #tpu.memory_space<semaphore_mem>>) {add = true}
        %dma_wait3A_586 = arith.constant 0 : i32
        %dma_wait3A_587 = tpu.memref_slice %arg10[%add3A_415, %dma_wait3A_586] : memref<125x80xi32, #tpu.memory_space<vmem>> -> memref<1x80xi32, #tpu.memory_space<vmem>>
        %dma_wait3A_588 = tpu.memref_squeeze %dma_wait3A_587 : memref<1x80xi32, #tpu.memory_space<vmem>> -> memref<80xi32, #tpu.memory_space<vmem>>
        %dma_wait3A_589 = arith.constant 0 : i32
        %dma_wait3A_590 = arith.constant 0 : i32
        %dma_wait3A_591 = tpu.memref_slice %arg8[%dma_wait3A_589, %dma_wait3A_590] : memref<10000x128xf32, #tpu.memory_space<vmem_shared>> -> memref<10000x128xf32, #tpu.memory_space<vmem_shared>>
        tpu.wait_indirect_dma semaphore(%run_scoped3A_579 : memref<!tpu.dma_semaphore, #tpu.memory_space<semaphore_mem>>) src(%arg11 : memref<80x128xf32, #tpu.memory_space<vmem>>) dst(%dma_wait3A_591 : memref<10000x128xf32, #tpu.memory_space<vmem_shared>>)
        tpu.yield
      }) : () -> ()
      %dma_start3A_416 = arith.constant 15 : i32
      %dma_start3A_417 = arith.constant 0 : i32
      %dma_start3A_418 = tpu.memref_slice %arg9[%dma_start3A_416, %dma_start3A_417] : memref<24x80xi32, #tpu.memory_space<vmem>> -> memref<1x80xi32, #tpu.memory_space<vmem>>
      %dma_start3A_419 = tpu.memref_squeeze %dma_start3A_418 : memref<1x80xi32, #tpu.memory_space<vmem>> -> memref<80xi32, #tpu.memory_space<vmem>>
      %dma_start3A_420 = arith.constant 0 : i32
      %dma_start3A_421 = arith.constant 0 : i32
      %dma_start3A_422 = tpu.memref_slice %arg3[%dma_start3A_420, %dma_start3A_421] : memref<10000x128xf32, #tpu.memory_space<hbm>> -> memref<10000x128xf32, #tpu.memory_space<hbm>>
      tpu.enqueue_indirect_dma source(%dma_start3A_422 : memref<10000x128xf32, #tpu.memory_space<hbm>>) target(%arg11 : memref<80x128xf32, #tpu.memory_space<vmem>>) offsets(%dma_start3A_419 : memref<80xi32, #tpu.memory_space<vmem>>) semaphore(%arg14 : memref<!tpu.dma_semaphore, #tpu.memory_space<semaphore_mem>>)
      %dma_wait3A_423 = arith.constant 0 : i32
      %dma_wait3A_424 = arith.constant 0 : i32
      %dma_wait3A_425 = tpu.memref_slice %arg9[%dma_wait3A_423, %dma_wait3A_424] : memref<24x80xi32, #tpu.memory_space<vmem>> -> memref<1x80xi32, #tpu.memory_space<vmem>>
      %dma_wait3A_426 = tpu.memref_squeeze %dma_wait3A_425 : memref<1x80xi32, #tpu.memory_space<vmem>> -> memref<80xi32, #tpu.memory_space<vmem>>
      %dma_wait3A_427 = arith.constant 0 : i32
      %dma_wait3A_428 = arith.constant 0 : i32
      %dma_wait3A_429 = tpu.memref_slice %arg3[%dma_wait3A_427, %dma_wait3A_428] : memref<10000x128xf32, #tpu.memory_space<hbm>> -> memref<10000x128xf32, #tpu.memory_space<hbm>>
      tpu.wait_indirect_dma semaphore(%arg15 : memref<!tpu.dma_semaphore, #tpu.memory_space<semaphore_mem>>) src(%dma_wait3A_429 : memref<10000x128xf32, #tpu.memory_space<hbm>>) dst(%arg12 : memref<80x128xf32, #tpu.memory_space<vmem>>)
      %add3A_430 = arith.constant 13 : i32
      %add3A_431 = arith.addi %mul3A_193, %add3A_430 : i32
      "tpu.region"() ({
        %run_scoped3A_579 = tpu.sem_alloc : memref<!tpu.dma_semaphore, #tpu.memory_space<semaphore_mem>>
        %dma_start3A_580 = arith.constant 0 : i32
        %dma_start3A_581 = tpu.memref_slice %arg10[%add3A_431, %dma_start3A_580] : memref<125x80xi32, #tpu.memory_space<vmem>> -> memref<1x80xi32, #tpu.memory_space<vmem>>
        %dma_start3A_582 = tpu.memref_squeeze %dma_start3A_581 : memref<1x80xi32, #tpu.memory_space<vmem>> -> memref<80xi32, #tpu.memory_space<vmem>>
        %dma_start3A_583 = arith.constant 0 : i32
        %dma_start3A_584 = arith.constant 0 : i32
        %dma_start3A_585 = tpu.memref_slice %arg8[%dma_start3A_583, %dma_start3A_584] : memref<10000x128xf32, #tpu.memory_space<vmem_shared>> -> memref<10000x128xf32, #tpu.memory_space<vmem_shared>>
        tpu.enqueue_indirect_dma source(%arg12 : memref<80x128xf32, #tpu.memory_space<vmem>>) target(%dma_start3A_585 : memref<10000x128xf32, #tpu.memory_space<vmem_shared>>) offsets(%dma_start3A_582 : memref<80xi32, #tpu.memory_space<vmem>>) semaphore(%run_scoped3A_579 : memref<!tpu.dma_semaphore, #tpu.memory_space<semaphore_mem>>) {add = true}
        %dma_wait3A_586 = arith.constant 0 : i32
        %dma_wait3A_587 = tpu.memref_slice %arg10[%add3A_431, %dma_wait3A_586] : memref<125x80xi32, #tpu.memory_space<vmem>> -> memref<1x80xi32, #tpu.memory_space<vmem>>
        %dma_wait3A_588 = tpu.memref_squeeze %dma_wait3A_587 : memref<1x80xi32, #tpu.memory_space<vmem>> -> memref<80xi32, #tpu.memory_space<vmem>>
        %dma_wait3A_589 = arith.constant 0 : i32
        %dma_wait3A_590 = arith.constant 0 : i32
        %dma_wait3A_591 = tpu.memref_slice %arg8[%dma_wait3A_589, %dma_wait3A_590] : memref<10000x128xf32, #tpu.memory_space<vmem_shared>> -> memref<10000x128xf32, #tpu.memory_space<vmem_shared>>
        tpu.wait_indirect_dma semaphore(%run_scoped3A_579 : memref<!tpu.dma_semaphore, #tpu.memory_space<semaphore_mem>>) src(%arg12 : memref<80x128xf32, #tpu.memory_space<vmem>>) dst(%dma_wait3A_591 : memref<10000x128xf32, #tpu.memory_space<vmem_shared>>)
        tpu.yield
      }) : () -> ()
      %dma_start3A_432 = arith.constant 16 : i32
      %dma_start3A_433 = arith.constant 0 : i32
      %dma_start3A_434 = tpu.memref_slice %arg9[%dma_start3A_432, %dma_start3A_433] : memref<24x80xi32, #tpu.memory_space<vmem>> -> memref<1x80xi32, #tpu.memory_space<vmem>>
      %dma_start3A_435 = tpu.memref_squeeze %dma_start3A_434 : memref<1x80xi32, #tpu.memory_space<vmem>> -> memref<80xi32, #tpu.memory_space<vmem>>
      %dma_start3A_436 = arith.constant 0 : i32
      %dma_start3A_437 = arith.constant 0 : i32
      %dma_start3A_438 = tpu.memref_slice %arg3[%dma_start3A_436, %dma_start3A_437] : memref<10000x128xf32, #tpu.memory_space<hbm>> -> memref<10000x128xf32, #tpu.memory_space<hbm>>
      tpu.enqueue_indirect_dma source(%dma_start3A_438 : memref<10000x128xf32, #tpu.memory_space<hbm>>) target(%arg12 : memref<80x128xf32, #tpu.memory_space<vmem>>) offsets(%dma_start3A_435 : memref<80xi32, #tpu.memory_space<vmem>>) semaphore(%arg15 : memref<!tpu.dma_semaphore, #tpu.memory_space<semaphore_mem>>)
      %dma_wait3A_439 = arith.constant 0 : i32
      %dma_wait3A_440 = arith.constant 0 : i32
      %dma_wait3A_441 = tpu.memref_slice %arg9[%dma_wait3A_439, %dma_wait3A_440] : memref<24x80xi32, #tpu.memory_space<vmem>> -> memref<1x80xi32, #tpu.memory_space<vmem>>
      %dma_wait3A_442 = tpu.memref_squeeze %dma_wait3A_441 : memref<1x80xi32, #tpu.memory_space<vmem>> -> memref<80xi32, #tpu.memory_space<vmem>>
      %dma_wait3A_443 = arith.constant 0 : i32
      %dma_wait3A_444 = arith.constant 0 : i32
      %dma_wait3A_445 = tpu.memref_slice %arg3[%dma_wait3A_443, %dma_wait3A_444] : memref<10000x128xf32, #tpu.memory_space<hbm>> -> memref<10000x128xf32, #tpu.memory_space<hbm>>
      tpu.wait_indirect_dma semaphore(%arg16 : memref<!tpu.dma_semaphore, #tpu.memory_space<semaphore_mem>>) src(%dma_wait3A_445 : memref<10000x128xf32, #tpu.memory_space<hbm>>) dst(%arg13 : memref<80x128xf32, #tpu.memory_space<vmem>>)
      %add3A_446 = arith.constant 14 : i32
      %add3A_447 = arith.addi %mul3A_193, %add3A_446 : i32
      "tpu.region"() ({
        %run_scoped3A_579 = tpu.sem_alloc : memref<!tpu.dma_semaphore, #tpu.memory_space<semaphore_mem>>
        %dma_start3A_580 = arith.constant 0 : i32
        %dma_start3A_581 = tpu.memref_slice %arg10[%add3A_447, %dma_start3A_580] : memref<125x80xi32, #tpu.memory_space<vmem>> -> memref<1x80xi32, #tpu.memory_space<vmem>>
        %dma_start3A_582 = tpu.memref_squeeze %dma_start3A_581 : memref<1x80xi32, #tpu.memory_space<vmem>> -> memref<80xi32, #tpu.memory_space<vmem>>
        %dma_start3A_583 = arith.constant 0 : i32
        %dma_start3A_584 = arith.constant 0 : i32
        %dma_start3A_585 = tpu.memref_slice %arg8[%dma_start3A_583, %dma_start3A_584] : memref<10000x128xf32, #tpu.memory_space<vmem_shared>> -> memref<10000x128xf32, #tpu.memory_space<vmem_shared>>
        tpu.enqueue_indirect_dma source(%arg13 : memref<80x128xf32, #tpu.memory_space<vmem>>) target(%dma_start3A_585 : memref<10000x128xf32, #tpu.memory_space<vmem_shared>>) offsets(%dma_start3A_582 : memref<80xi32, #tpu.memory_space<vmem>>) semaphore(%run_scoped3A_579 : memref<!tpu.dma_semaphore, #tpu.memory_space<semaphore_mem>>) {add = true}
        %dma_wait3A_586 = arith.constant 0 : i32
        %dma_wait3A_587 = tpu.memref_slice %arg10[%add3A_447, %dma_wait3A_586] : memref<125x80xi32, #tpu.memory_space<vmem>> -> memref<1x80xi32, #tpu.memory_space<vmem>>
        %dma_wait3A_588 = tpu.memref_squeeze %dma_wait3A_587 : memref<1x80xi32, #tpu.memory_space<vmem>> -> memref<80xi32, #tpu.memory_space<vmem>>
        %dma_wait3A_589 = arith.constant 0 : i32
        %dma_wait3A_590 = arith.constant 0 : i32
        %dma_wait3A_591 = tpu.memref_slice %arg8[%dma_wait3A_589, %dma_wait3A_590] : memref<10000x128xf32, #tpu.memory_space<vmem_shared>> -> memref<10000x128xf32, #tpu.memory_space<vmem_shared>>
        tpu.wait_indirect_dma semaphore(%run_scoped3A_579 : memref<!tpu.dma_semaphore, #tpu.memory_space<semaphore_mem>>) src(%arg13 : memref<80x128xf32, #tpu.memory_space<vmem>>) dst(%dma_wait3A_591 : memref<10000x128xf32, #tpu.memory_space<vmem_shared>>)
        tpu.yield
      }) : () -> ()
      %dma_start3A_448 = arith.constant 17 : i32
      %dma_start3A_449 = arith.constant 0 : i32
      %dma_start3A_450 = tpu.memref_slice %arg9[%dma_start3A_448, %dma_start3A_449] : memref<24x80xi32, #tpu.memory_space<vmem>> -> memref<1x80xi32, #tpu.memory_space<vmem>>
      %dma_start3A_451 = tpu.memref_squeeze %dma_start3A_450 : memref<1x80xi32, #tpu.memory_space<vmem>> -> memref<80xi32, #tpu.memory_space<vmem>>
      %dma_start3A_452 = arith.constant 0 : i32
      %dma_start3A_453 = arith.constant 0 : i32
      %dma_start3A_454 = tpu.memref_slice %arg3[%dma_start3A_452, %dma_start3A_453] : memref<10000x128xf32, #tpu.memory_space<hbm>> -> memref<10000x128xf32, #tpu.memory_space<hbm>>
      tpu.enqueue_indirect_dma source(%dma_start3A_454 : memref<10000x128xf32, #tpu.memory_space<hbm>>) target(%arg13 : memref<80x128xf32, #tpu.memory_space<vmem>>) offsets(%dma_start3A_451 : memref<80xi32, #tpu.memory_space<vmem>>) semaphore(%arg16 : memref<!tpu.dma_semaphore, #tpu.memory_space<semaphore_mem>>)
      %dma_wait3A_455 = arith.constant 0 : i32
      %dma_wait3A_456 = arith.constant 0 : i32
      %dma_wait3A_457 = tpu.memref_slice %arg9[%dma_wait3A_455, %dma_wait3A_456] : memref<24x80xi32, #tpu.memory_space<vmem>> -> memref<1x80xi32, #tpu.memory_space<vmem>>
      %dma_wait3A_458 = tpu.memref_squeeze %dma_wait3A_457 : memref<1x80xi32, #tpu.memory_space<vmem>> -> memref<80xi32, #tpu.memory_space<vmem>>
      %dma_wait3A_459 = arith.constant 0 : i32
      %dma_wait3A_460 = arith.constant 0 : i32
      %dma_wait3A_461 = tpu.memref_slice %arg3[%dma_wait3A_459, %dma_wait3A_460] : memref<10000x128xf32, #tpu.memory_space<hbm>> -> memref<10000x128xf32, #tpu.memory_space<hbm>>
      tpu.wait_indirect_dma semaphore(%arg14 : memref<!tpu.dma_semaphore, #tpu.memory_space<semaphore_mem>>) src(%dma_wait3A_461 : memref<10000x128xf32, #tpu.memory_space<hbm>>) dst(%arg11 : memref<80x128xf32, #tpu.memory_space<vmem>>)
      %add3A_462 = arith.constant 15 : i32
      %add3A_463 = arith.addi %mul3A_193, %add3A_462 : i32
      "tpu.region"() ({
        %run_scoped3A_579 = tpu.sem_alloc : memref<!tpu.dma_semaphore, #tpu.memory_space<semaphore_mem>>
        %dma_start3A_580 = arith.constant 0 : i32
        %dma_start3A_581 = tpu.memref_slice %arg10[%add3A_463, %dma_start3A_580] : memref<125x80xi32, #tpu.memory_space<vmem>> -> memref<1x80xi32, #tpu.memory_space<vmem>>
        %dma_start3A_582 = tpu.memref_squeeze %dma_start3A_581 : memref<1x80xi32, #tpu.memory_space<vmem>> -> memref<80xi32, #tpu.memory_space<vmem>>
        %dma_start3A_583 = arith.constant 0 : i32
        %dma_start3A_584 = arith.constant 0 : i32
        %dma_start3A_585 = tpu.memref_slice %arg8[%dma_start3A_583, %dma_start3A_584] : memref<10000x128xf32, #tpu.memory_space<vmem_shared>> -> memref<10000x128xf32, #tpu.memory_space<vmem_shared>>
        tpu.enqueue_indirect_dma source(%arg11 : memref<80x128xf32, #tpu.memory_space<vmem>>) target(%dma_start3A_585 : memref<10000x128xf32, #tpu.memory_space<vmem_shared>>) offsets(%dma_start3A_582 : memref<80xi32, #tpu.memory_space<vmem>>) semaphore(%run_scoped3A_579 : memref<!tpu.dma_semaphore, #tpu.memory_space<semaphore_mem>>) {add = true}
        %dma_wait3A_586 = arith.constant 0 : i32
        %dma_wait3A_587 = tpu.memref_slice %arg10[%add3A_463, %dma_wait3A_586] : memref<125x80xi32, #tpu.memory_space<vmem>> -> memref<1x80xi32, #tpu.memory_space<vmem>>
        %dma_wait3A_588 = tpu.memref_squeeze %dma_wait3A_587 : memref<1x80xi32, #tpu.memory_space<vmem>> -> memref<80xi32, #tpu.memory_space<vmem>>
        %dma_wait3A_589 = arith.constant 0 : i32
        %dma_wait3A_590 = arith.constant 0 : i32
        %dma_wait3A_591 = tpu.memref_slice %arg8[%dma_wait3A_589, %dma_wait3A_590] : memref<10000x128xf32, #tpu.memory_space<vmem_shared>> -> memref<10000x128xf32, #tpu.memory_space<vmem_shared>>
        tpu.wait_indirect_dma semaphore(%run_scoped3A_579 : memref<!tpu.dma_semaphore, #tpu.memory_space<semaphore_mem>>) src(%arg11 : memref<80x128xf32, #tpu.memory_space<vmem>>) dst(%dma_wait3A_591 : memref<10000x128xf32, #tpu.memory_space<vmem_shared>>)
        tpu.yield
      }) : () -> ()
      %dma_start3A_464 = arith.constant 18 : i32
      %dma_start3A_465 = arith.constant 0 : i32
      %dma_start3A_466 = tpu.memref_slice %arg9[%dma_start3A_464, %dma_start3A_465] : memref<24x80xi32, #tpu.memory_space<vmem>> -> memref<1x80xi32, #tpu.memory_space<vmem>>
      %dma_start3A_467 = tpu.memref_squeeze %dma_start3A_466 : memref<1x80xi32, #tpu.memory_space<vmem>> -> memref<80xi32, #tpu.memory_space<vmem>>
      %dma_start3A_468 = arith.constant 0 : i32
      %dma_start3A_469 = arith.constant 0 : i32
      %dma_start3A_470 = tpu.memref_slice %arg3[%dma_start3A_468, %dma_start3A_469] : memref<10000x128xf32, #tpu.memory_space<hbm>> -> memref<10000x128xf32, #tpu.memory_space<hbm>>
      tpu.enqueue_indirect_dma source(%dma_start3A_470 : memref<10000x128xf32, #tpu.memory_space<hbm>>) target(%arg11 : memref<80x128xf32, #tpu.memory_space<vmem>>) offsets(%dma_start3A_467 : memref<80xi32, #tpu.memory_space<vmem>>) semaphore(%arg14 : memref<!tpu.dma_semaphore, #tpu.memory_space<semaphore_mem>>)
      %dma_wait3A_471 = arith.constant 0 : i32
      %dma_wait3A_472 = arith.constant 0 : i32
      %dma_wait3A_473 = tpu.memref_slice %arg9[%dma_wait3A_471, %dma_wait3A_472] : memref<24x80xi32, #tpu.memory_space<vmem>> -> memref<1x80xi32, #tpu.memory_space<vmem>>
      %dma_wait3A_474 = tpu.memref_squeeze %dma_wait3A_473 : memref<1x80xi32, #tpu.memory_space<vmem>> -> memref<80xi32, #tpu.memory_space<vmem>>
      %dma_wait3A_475 = arith.constant 0 : i32
      %dma_wait3A_476 = arith.constant 0 : i32
      %dma_wait3A_477 = tpu.memref_slice %arg3[%dma_wait3A_475, %dma_wait3A_476] : memref<10000x128xf32, #tpu.memory_space<hbm>> -> memref<10000x128xf32, #tpu.memory_space<hbm>>
      tpu.wait_indirect_dma semaphore(%arg15 : memref<!tpu.dma_semaphore, #tpu.memory_space<semaphore_mem>>) src(%dma_wait3A_477 : memref<10000x128xf32, #tpu.memory_space<hbm>>) dst(%arg12 : memref<80x128xf32, #tpu.memory_space<vmem>>)
      %add3A_478 = arith.constant 16 : i32
      %add3A_479 = arith.addi %mul3A_193, %add3A_478 : i32
      "tpu.region"() ({
        %run_scoped3A_579 = tpu.sem_alloc : memref<!tpu.dma_semaphore, #tpu.memory_space<semaphore_mem>>
        %dma_start3A_580 = arith.constant 0 : i32
        %dma_start3A_581 = tpu.memref_slice %arg10[%add3A_479, %dma_start3A_580] : memref<125x80xi32, #tpu.memory_space<vmem>> -> memref<1x80xi32, #tpu.memory_space<vmem>>
        %dma_start3A_582 = tpu.memref_squeeze %dma_start3A_581 : memref<1x80xi32, #tpu.memory_space<vmem>> -> memref<80xi32, #tpu.memory_space<vmem>>
        %dma_start3A_583 = arith.constant 0 : i32
        %dma_start3A_584 = arith.constant 0 : i32
        %dma_start3A_585 = tpu.memref_slice %arg8[%dma_start3A_583, %dma_start3A_584] : memref<10000x128xf32, #tpu.memory_space<vmem_shared>> -> memref<10000x128xf32, #tpu.memory_space<vmem_shared>>
        tpu.enqueue_indirect_dma source(%arg12 : memref<80x128xf32, #tpu.memory_space<vmem>>) target(%dma_start3A_585 : memref<10000x128xf32, #tpu.memory_space<vmem_shared>>) offsets(%dma_start3A_582 : memref<80xi32, #tpu.memory_space<vmem>>) semaphore(%run_scoped3A_579 : memref<!tpu.dma_semaphore, #tpu.memory_space<semaphore_mem>>) {add = true}
        %dma_wait3A_586 = arith.constant 0 : i32
        %dma_wait3A_587 = tpu.memref_slice %arg10[%add3A_479, %dma_wait3A_586] : memref<125x80xi32, #tpu.memory_space<vmem>> -> memref<1x80xi32, #tpu.memory_space<vmem>>
        %dma_wait3A_588 = tpu.memref_squeeze %dma_wait3A_587 : memref<1x80xi32, #tpu.memory_space<vmem>> -> memref<80xi32, #tpu.memory_space<vmem>>
        %dma_wait3A_589 = arith.constant 0 : i32
        %dma_wait3A_590 = arith.constant 0 : i32
        %dma_wait3A_591 = tpu.memref_slice %arg8[%dma_wait3A_589, %dma_wait3A_590] : memref<10000x128xf32, #tpu.memory_space<vmem_shared>> -> memref<10000x128xf32, #tpu.memory_space<vmem_shared>>
        tpu.wait_indirect_dma semaphore(%run_scoped3A_579 : memref<!tpu.dma_semaphore, #tpu.memory_space<semaphore_mem>>) src(%arg12 : memref<80x128xf32, #tpu.memory_space<vmem>>) dst(%dma_wait3A_591 : memref<10000x128xf32, #tpu.memory_space<vmem_shared>>)
        tpu.yield
      }) : () -> ()
      %dma_start3A_480 = arith.constant 19 : i32
      %dma_start3A_481 = arith.constant 0 : i32
      %dma_start3A_482 = tpu.memref_slice %arg9[%dma_start3A_480, %dma_start3A_481] : memref<24x80xi32, #tpu.memory_space<vmem>> -> memref<1x80xi32, #tpu.memory_space<vmem>>
      %dma_start3A_483 = tpu.memref_squeeze %dma_start3A_482 : memref<1x80xi32, #tpu.memory_space<vmem>> -> memref<80xi32, #tpu.memory_space<vmem>>
      %dma_start3A_484 = arith.constant 0 : i32
      %dma_start3A_485 = arith.constant 0 : i32
      %dma_start3A_486 = tpu.memref_slice %arg3[%dma_start3A_484, %dma_start3A_485] : memref<10000x128xf32, #tpu.memory_space<hbm>> -> memref<10000x128xf32, #tpu.memory_space<hbm>>
      tpu.enqueue_indirect_dma source(%dma_start3A_486 : memref<10000x128xf32, #tpu.memory_space<hbm>>) target(%arg12 : memref<80x128xf32, #tpu.memory_space<vmem>>) offsets(%dma_start3A_483 : memref<80xi32, #tpu.memory_space<vmem>>) semaphore(%arg15 : memref<!tpu.dma_semaphore, #tpu.memory_space<semaphore_mem>>)
      %dma_wait3A_487 = arith.constant 0 : i32
      %dma_wait3A_488 = arith.constant 0 : i32
      %dma_wait3A_489 = tpu.memref_slice %arg9[%dma_wait3A_487, %dma_wait3A_488] : memref<24x80xi32, #tpu.memory_space<vmem>> -> memref<1x80xi32, #tpu.memory_space<vmem>>
      %dma_wait3A_490 = tpu.memref_squeeze %dma_wait3A_489 : memref<1x80xi32, #tpu.memory_space<vmem>> -> memref<80xi32, #tpu.memory_space<vmem>>
      %dma_wait3A_491 = arith.constant 0 : i32
      %dma_wait3A_492 = arith.constant 0 : i32
      %dma_wait3A_493 = tpu.memref_slice %arg3[%dma_wait3A_491, %dma_wait3A_492] : memref<10000x128xf32, #tpu.memory_space<hbm>> -> memref<10000x128xf32, #tpu.memory_space<hbm>>
      tpu.wait_indirect_dma semaphore(%arg16 : memref<!tpu.dma_semaphore, #tpu.memory_space<semaphore_mem>>) src(%dma_wait3A_493 : memref<10000x128xf32, #tpu.memory_space<hbm>>) dst(%arg13 : memref<80x128xf32, #tpu.memory_space<vmem>>)
      %add3A_494 = arith.constant 17 : i32
      %add3A_495 = arith.addi %mul3A_193, %add3A_494 : i32
      "tpu.region"() ({
        %run_scoped3A_579 = tpu.sem_alloc : memref<!tpu.dma_semaphore, #tpu.memory_space<semaphore_mem>>
        %dma_start3A_580 = arith.constant 0 : i32
        %dma_start3A_581 = tpu.memref_slice %arg10[%add3A_495, %dma_start3A_580] : memref<125x80xi32, #tpu.memory_space<vmem>> -> memref<1x80xi32, #tpu.memory_space<vmem>>
        %dma_start3A_582 = tpu.memref_squeeze %dma_start3A_581 : memref<1x80xi32, #tpu.memory_space<vmem>> -> memref<80xi32, #tpu.memory_space<vmem>>
        %dma_start3A_583 = arith.constant 0 : i32
        %dma_start3A_584 = arith.constant 0 : i32
        %dma_start3A_585 = tpu.memref_slice %arg8[%dma_start3A_583, %dma_start3A_584] : memref<10000x128xf32, #tpu.memory_space<vmem_shared>> -> memref<10000x128xf32, #tpu.memory_space<vmem_shared>>
        tpu.enqueue_indirect_dma source(%arg13 : memref<80x128xf32, #tpu.memory_space<vmem>>) target(%dma_start3A_585 : memref<10000x128xf32, #tpu.memory_space<vmem_shared>>) offsets(%dma_start3A_582 : memref<80xi32, #tpu.memory_space<vmem>>) semaphore(%run_scoped3A_579 : memref<!tpu.dma_semaphore, #tpu.memory_space<semaphore_mem>>) {add = true}
        %dma_wait3A_586 = arith.constant 0 : i32
        %dma_wait3A_587 = tpu.memref_slice %arg10[%add3A_495, %dma_wait3A_586] : memref<125x80xi32, #tpu.memory_space<vmem>> -> memref<1x80xi32, #tpu.memory_space<vmem>>
        %dma_wait3A_588 = tpu.memref_squeeze %dma_wait3A_587 : memref<1x80xi32, #tpu.memory_space<vmem>> -> memref<80xi32, #tpu.memory_space<vmem>>
        %dma_wait3A_589 = arith.constant 0 : i32
        %dma_wait3A_590 = arith.constant 0 : i32
        %dma_wait3A_591 = tpu.memref_slice %arg8[%dma_wait3A_589, %dma_wait3A_590] : memref<10000x128xf32, #tpu.memory_space<vmem_shared>> -> memref<10000x128xf32, #tpu.memory_space<vmem_shared>>
        tpu.wait_indirect_dma semaphore(%run_scoped3A_579 : memref<!tpu.dma_semaphore, #tpu.memory_space<semaphore_mem>>) src(%arg13 : memref<80x128xf32, #tpu.memory_space<vmem>>) dst(%dma_wait3A_591 : memref<10000x128xf32, #tpu.memory_space<vmem_shared>>)
        tpu.yield
      }) : () -> ()
      %dma_start3A_496 = arith.constant 20 : i32
      %dma_start3A_497 = arith.constant 0 : i32
      %dma_start3A_498 = tpu.memref_slice %arg9[%dma_start3A_496, %dma_start3A_497] : memref<24x80xi32, #tpu.memory_space<vmem>> -> memref<1x80xi32, #tpu.memory_space<vmem>>
      %dma_start3A_499 = tpu.memref_squeeze %dma_start3A_498 : memref<1x80xi32, #tpu.memory_space<vmem>> -> memref<80xi32, #tpu.memory_space<vmem>>
      %dma_start3A_500 = arith.constant 0 : i32
      %dma_start3A_501 = arith.constant 0 : i32
      %dma_start3A_502 = tpu.memref_slice %arg3[%dma_start3A_500, %dma_start3A_501] : memref<10000x128xf32, #tpu.memory_space<hbm>> -> memref<10000x128xf32, #tpu.memory_space<hbm>>
      tpu.enqueue_indirect_dma source(%dma_start3A_502 : memref<10000x128xf32, #tpu.memory_space<hbm>>) target(%arg13 : memref<80x128xf32, #tpu.memory_space<vmem>>) offsets(%dma_start3A_499 : memref<80xi32, #tpu.memory_space<vmem>>) semaphore(%arg16 : memref<!tpu.dma_semaphore, #tpu.memory_space<semaphore_mem>>)
      %dma_wait3A_503 = arith.constant 0 : i32
      %dma_wait3A_504 = arith.constant 0 : i32
      %dma_wait3A_505 = tpu.memref_slice %arg9[%dma_wait3A_503, %dma_wait3A_504] : memref<24x80xi32, #tpu.memory_space<vmem>> -> memref<1x80xi32, #tpu.memory_space<vmem>>
      %dma_wait3A_506 = tpu.memref_squeeze %dma_wait3A_505 : memref<1x80xi32, #tpu.memory_space<vmem>> -> memref<80xi32, #tpu.memory_space<vmem>>
      %dma_wait3A_507 = arith.constant 0 : i32
      %dma_wait3A_508 = arith.constant 0 : i32
      %dma_wait3A_509 = tpu.memref_slice %arg3[%dma_wait3A_507, %dma_wait3A_508] : memref<10000x128xf32, #tpu.memory_space<hbm>> -> memref<10000x128xf32, #tpu.memory_space<hbm>>
      tpu.wait_indirect_dma semaphore(%arg14 : memref<!tpu.dma_semaphore, #tpu.memory_space<semaphore_mem>>) src(%dma_wait3A_509 : memref<10000x128xf32, #tpu.memory_space<hbm>>) dst(%arg11 : memref<80x128xf32, #tpu.memory_space<vmem>>)
      %add3A_510 = arith.constant 18 : i32
      %add3A_511 = arith.addi %mul3A_193, %add3A_510 : i32
      "tpu.region"() ({
        %run_scoped3A_579 = tpu.sem_alloc : memref<!tpu.dma_semaphore, #tpu.memory_space<semaphore_mem>>
        %dma_start3A_580 = arith.constant 0 : i32
        %dma_start3A_581 = tpu.memref_slice %arg10[%add3A_511, %dma_start3A_580] : memref<125x80xi32, #tpu.memory_space<vmem>> -> memref<1x80xi32, #tpu.memory_space<vmem>>
        %dma_start3A_582 = tpu.memref_squeeze %dma_start3A_581 : memref<1x80xi32, #tpu.memory_space<vmem>> -> memref<80xi32, #tpu.memory_space<vmem>>
        %dma_start3A_583 = arith.constant 0 : i32
        %dma_start3A_584 = arith.constant 0 : i32
        %dma_start3A_585 = tpu.memref_slice %arg8[%dma_start3A_583, %dma_start3A_584] : memref<10000x128xf32, #tpu.memory_space<vmem_shared>> -> memref<10000x128xf32, #tpu.memory_space<vmem_shared>>
        tpu.enqueue_indirect_dma source(%arg11 : memref<80x128xf32, #tpu.memory_space<vmem>>) target(%dma_start3A_585 : memref<10000x128xf32, #tpu.memory_space<vmem_shared>>) offsets(%dma_start3A_582 : memref<80xi32, #tpu.memory_space<vmem>>) semaphore(%run_scoped3A_579 : memref<!tpu.dma_semaphore, #tpu.memory_space<semaphore_mem>>) {add = true}
        %dma_wait3A_586 = arith.constant 0 : i32
        %dma_wait3A_587 = tpu.memref_slice %arg10[%add3A_511, %dma_wait3A_586] : memref<125x80xi32, #tpu.memory_space<vmem>> -> memref<1x80xi32, #tpu.memory_space<vmem>>
        %dma_wait3A_588 = tpu.memref_squeeze %dma_wait3A_587 : memref<1x80xi32, #tpu.memory_space<vmem>> -> memref<80xi32, #tpu.memory_space<vmem>>
        %dma_wait3A_589 = arith.constant 0 : i32
        %dma_wait3A_590 = arith.constant 0 : i32
        %dma_wait3A_591 = tpu.memref_slice %arg8[%dma_wait3A_589, %dma_wait3A_590] : memref<10000x128xf32, #tpu.memory_space<vmem_shared>> -> memref<10000x128xf32, #tpu.memory_space<vmem_shared>>
        tpu.wait_indirect_dma semaphore(%run_scoped3A_579 : memref<!tpu.dma_semaphore, #tpu.memory_space<semaphore_mem>>) src(%arg11 : memref<80x128xf32, #tpu.memory_space<vmem>>) dst(%dma_wait3A_591 : memref<10000x128xf32, #tpu.memory_space<vmem_shared>>)
        tpu.yield
      }) : () -> ()
      %dma_start3A_512 = arith.constant 21 : i32
      %dma_start3A_513 = arith.constant 0 : i32
      %dma_start3A_514 = tpu.memref_slice %arg9[%dma_start3A_512, %dma_start3A_513] : memref<24x80xi32, #tpu.memory_space<vmem>> -> memref<1x80xi32, #tpu.memory_space<vmem>>
      %dma_start3A_515 = tpu.memref_squeeze %dma_start3A_514 : memref<1x80xi32, #tpu.memory_space<vmem>> -> memref<80xi32, #tpu.memory_space<vmem>>
      %dma_start3A_516 = arith.constant 0 : i32
      %dma_start3A_517 = arith.constant 0 : i32
      %dma_start3A_518 = tpu.memref_slice %arg3[%dma_start3A_516, %dma_start3A_517] : memref<10000x128xf32, #tpu.memory_space<hbm>> -> memref<10000x128xf32, #tpu.memory_space<hbm>>
      tpu.enqueue_indirect_dma source(%dma_start3A_518 : memref<10000x128xf32, #tpu.memory_space<hbm>>) target(%arg11 : memref<80x128xf32, #tpu.memory_space<vmem>>) offsets(%dma_start3A_515 : memref<80xi32, #tpu.memory_space<vmem>>) semaphore(%arg14 : memref<!tpu.dma_semaphore, #tpu.memory_space<semaphore_mem>>)
      %dma_wait3A_519 = arith.constant 0 : i32
      %dma_wait3A_520 = arith.constant 0 : i32
      %dma_wait3A_521 = tpu.memref_slice %arg9[%dma_wait3A_519, %dma_wait3A_520] : memref<24x80xi32, #tpu.memory_space<vmem>> -> memref<1x80xi32, #tpu.memory_space<vmem>>
      %dma_wait3A_522 = tpu.memref_squeeze %dma_wait3A_521 : memref<1x80xi32, #tpu.memory_space<vmem>> -> memref<80xi32, #tpu.memory_space<vmem>>
      %dma_wait3A_523 = arith.constant 0 : i32
      %dma_wait3A_524 = arith.constant 0 : i32
      %dma_wait3A_525 = tpu.memref_slice %arg3[%dma_wait3A_523, %dma_wait3A_524] : memref<10000x128xf32, #tpu.memory_space<hbm>> -> memref<10000x128xf32, #tpu.memory_space<hbm>>
      tpu.wait_indirect_dma semaphore(%arg15 : memref<!tpu.dma_semaphore, #tpu.memory_space<semaphore_mem>>) src(%dma_wait3A_525 : memref<10000x128xf32, #tpu.memory_space<hbm>>) dst(%arg12 : memref<80x128xf32, #tpu.memory_space<vmem>>)
      %add3A_526 = arith.constant 19 : i32
      %add3A_527 = arith.addi %mul3A_193, %add3A_526 : i32
      "tpu.region"() ({
        %run_scoped3A_579 = tpu.sem_alloc : memref<!tpu.dma_semaphore, #tpu.memory_space<semaphore_mem>>
        %dma_start3A_580 = arith.constant 0 : i32
        %dma_start3A_581 = tpu.memref_slice %arg10[%add3A_527, %dma_start3A_580] : memref<125x80xi32, #tpu.memory_space<vmem>> -> memref<1x80xi32, #tpu.memory_space<vmem>>
        %dma_start3A_582 = tpu.memref_squeeze %dma_start3A_581 : memref<1x80xi32, #tpu.memory_space<vmem>> -> memref<80xi32, #tpu.memory_space<vmem>>
        %dma_start3A_583 = arith.constant 0 : i32
        %dma_start3A_584 = arith.constant 0 : i32
        %dma_start3A_585 = tpu.memref_slice %arg8[%dma_start3A_583, %dma_start3A_584] : memref<10000x128xf32, #tpu.memory_space<vmem_shared>> -> memref<10000x128xf32, #tpu.memory_space<vmem_shared>>
        tpu.enqueue_indirect_dma source(%arg12 : memref<80x128xf32, #tpu.memory_space<vmem>>) target(%dma_start3A_585 : memref<10000x128xf32, #tpu.memory_space<vmem_shared>>) offsets(%dma_start3A_582 : memref<80xi32, #tpu.memory_space<vmem>>) semaphore(%run_scoped3A_579 : memref<!tpu.dma_semaphore, #tpu.memory_space<semaphore_mem>>) {add = true}
        %dma_wait3A_586 = arith.constant 0 : i32
        %dma_wait3A_587 = tpu.memref_slice %arg10[%add3A_527, %dma_wait3A_586] : memref<125x80xi32, #tpu.memory_space<vmem>> -> memref<1x80xi32, #tpu.memory_space<vmem>>
        %dma_wait3A_588 = tpu.memref_squeeze %dma_wait3A_587 : memref<1x80xi32, #tpu.memory_space<vmem>> -> memref<80xi32, #tpu.memory_space<vmem>>
        %dma_wait3A_589 = arith.constant 0 : i32
        %dma_wait3A_590 = arith.constant 0 : i32
        %dma_wait3A_591 = tpu.memref_slice %arg8[%dma_wait3A_589, %dma_wait3A_590] : memref<10000x128xf32, #tpu.memory_space<vmem_shared>> -> memref<10000x128xf32, #tpu.memory_space<vmem_shared>>
        tpu.wait_indirect_dma semaphore(%run_scoped3A_579 : memref<!tpu.dma_semaphore, #tpu.memory_space<semaphore_mem>>) src(%arg12 : memref<80x128xf32, #tpu.memory_space<vmem>>) dst(%dma_wait3A_591 : memref<10000x128xf32, #tpu.memory_space<vmem_shared>>)
        tpu.yield
      }) : () -> ()
      %dma_start3A_528 = arith.constant 22 : i32
      %dma_start3A_529 = arith.constant 0 : i32
      %dma_start3A_530 = tpu.memref_slice %arg9[%dma_start3A_528, %dma_start3A_529] : memref<24x80xi32, #tpu.memory_space<vmem>> -> memref<1x80xi32, #tpu.memory_space<vmem>>
      %dma_start3A_531 = tpu.memref_squeeze %dma_start3A_530 : memref<1x80xi32, #tpu.memory_space<vmem>> -> memref<80xi32, #tpu.memory_space<vmem>>
      %dma_start3A_532 = arith.constant 0 : i32
      %dma_start3A_533 = arith.constant 0 : i32
      %dma_start3A_534 = tpu.memref_slice %arg3[%dma_start3A_532, %dma_start3A_533] : memref<10000x128xf32, #tpu.memory_space<hbm>> -> memref<10000x128xf32, #tpu.memory_space<hbm>>
      tpu.enqueue_indirect_dma source(%dma_start3A_534 : memref<10000x128xf32, #tpu.memory_space<hbm>>) target(%arg12 : memref<80x128xf32, #tpu.memory_space<vmem>>) offsets(%dma_start3A_531 : memref<80xi32, #tpu.memory_space<vmem>>) semaphore(%arg15 : memref<!tpu.dma_semaphore, #tpu.memory_space<semaphore_mem>>)
      %dma_wait3A_535 = arith.constant 0 : i32
      %dma_wait3A_536 = arith.constant 0 : i32
      %dma_wait3A_537 = tpu.memref_slice %arg9[%dma_wait3A_535, %dma_wait3A_536] : memref<24x80xi32, #tpu.memory_space<vmem>> -> memref<1x80xi32, #tpu.memory_space<vmem>>
      %dma_wait3A_538 = tpu.memref_squeeze %dma_wait3A_537 : memref<1x80xi32, #tpu.memory_space<vmem>> -> memref<80xi32, #tpu.memory_space<vmem>>
      %dma_wait3A_539 = arith.constant 0 : i32
      %dma_wait3A_540 = arith.constant 0 : i32
      %dma_wait3A_541 = tpu.memref_slice %arg3[%dma_wait3A_539, %dma_wait3A_540] : memref<10000x128xf32, #tpu.memory_space<hbm>> -> memref<10000x128xf32, #tpu.memory_space<hbm>>
      tpu.wait_indirect_dma semaphore(%arg16 : memref<!tpu.dma_semaphore, #tpu.memory_space<semaphore_mem>>) src(%dma_wait3A_541 : memref<10000x128xf32, #tpu.memory_space<hbm>>) dst(%arg13 : memref<80x128xf32, #tpu.memory_space<vmem>>)
      %add3A_542 = arith.constant 20 : i32
      %add3A_543 = arith.addi %mul3A_193, %add3A_542 : i32
      "tpu.region"() ({
        %run_scoped3A_579 = tpu.sem_alloc : memref<!tpu.dma_semaphore, #tpu.memory_space<semaphore_mem>>
        %dma_start3A_580 = arith.constant 0 : i32
        %dma_start3A_581 = tpu.memref_slice %arg10[%add3A_543, %dma_start3A_580] : memref<125x80xi32, #tpu.memory_space<vmem>> -> memref<1x80xi32, #tpu.memory_space<vmem>>
        %dma_start3A_582 = tpu.memref_squeeze %dma_start3A_581 : memref<1x80xi32, #tpu.memory_space<vmem>> -> memref<80xi32, #tpu.memory_space<vmem>>
        %dma_start3A_583 = arith.constant 0 : i32
        %dma_start3A_584 = arith.constant 0 : i32
        %dma_start3A_585 = tpu.memref_slice %arg8[%dma_start3A_583, %dma_start3A_584] : memref<10000x128xf32, #tpu.memory_space<vmem_shared>> -> memref<10000x128xf32, #tpu.memory_space<vmem_shared>>
        tpu.enqueue_indirect_dma source(%arg13 : memref<80x128xf32, #tpu.memory_space<vmem>>) target(%dma_start3A_585 : memref<10000x128xf32, #tpu.memory_space<vmem_shared>>) offsets(%dma_start3A_582 : memref<80xi32, #tpu.memory_space<vmem>>) semaphore(%run_scoped3A_579 : memref<!tpu.dma_semaphore, #tpu.memory_space<semaphore_mem>>) {add = true}
        %dma_wait3A_586 = arith.constant 0 : i32
        %dma_wait3A_587 = tpu.memref_slice %arg10[%add3A_543, %dma_wait3A_586] : memref<125x80xi32, #tpu.memory_space<vmem>> -> memref<1x80xi32, #tpu.memory_space<vmem>>
        %dma_wait3A_588 = tpu.memref_squeeze %dma_wait3A_587 : memref<1x80xi32, #tpu.memory_space<vmem>> -> memref<80xi32, #tpu.memory_space<vmem>>
        %dma_wait3A_589 = arith.constant 0 : i32
        %dma_wait3A_590 = arith.constant 0 : i32
        %dma_wait3A_591 = tpu.memref_slice %arg8[%dma_wait3A_589, %dma_wait3A_590] : memref<10000x128xf32, #tpu.memory_space<vmem_shared>> -> memref<10000x128xf32, #tpu.memory_space<vmem_shared>>
        tpu.wait_indirect_dma semaphore(%run_scoped3A_579 : memref<!tpu.dma_semaphore, #tpu.memory_space<semaphore_mem>>) src(%arg13 : memref<80x128xf32, #tpu.memory_space<vmem>>) dst(%dma_wait3A_591 : memref<10000x128xf32, #tpu.memory_space<vmem_shared>>)
        tpu.yield
      }) : () -> ()
      %dma_start3A_544 = arith.constant 23 : i32
      %dma_start3A_545 = arith.constant 0 : i32
      %dma_start3A_546 = tpu.memref_slice %arg9[%dma_start3A_544, %dma_start3A_545] : memref<24x80xi32, #tpu.memory_space<vmem>> -> memref<1x80xi32, #tpu.memory_space<vmem>>
      %dma_start3A_547 = tpu.memref_squeeze %dma_start3A_546 : memref<1x80xi32, #tpu.memory_space<vmem>> -> memref<80xi32, #tpu.memory_space<vmem>>
      %dma_start3A_548 = arith.constant 0 : i32
      %dma_start3A_549 = arith.constant 0 : i32
      %dma_start3A_550 = tpu.memref_slice %arg3[%dma_start3A_548, %dma_start3A_549] : memref<10000x128xf32, #tpu.memory_space<hbm>> -> memref<10000x128xf32, #tpu.memory_space<hbm>>
      tpu.enqueue_indirect_dma source(%dma_start3A_550 : memref<10000x128xf32, #tpu.memory_space<hbm>>) target(%arg13 : memref<80x128xf32, #tpu.memory_space<vmem>>) offsets(%dma_start3A_547 : memref<80xi32, #tpu.memory_space<vmem>>) semaphore(%arg16 : memref<!tpu.dma_semaphore, #tpu.memory_space<semaphore_mem>>)
      %dma_wait3A_551 = arith.constant 0 : i32
      %dma_wait3A_552 = arith.constant 0 : i32
      %dma_wait3A_553 = tpu.memref_slice %arg9[%dma_wait3A_551, %dma_wait3A_552] : memref<24x80xi32, #tpu.memory_space<vmem>> -> memref<1x80xi32, #tpu.memory_space<vmem>>
      %dma_wait3A_554 = tpu.memref_squeeze %dma_wait3A_553 : memref<1x80xi32, #tpu.memory_space<vmem>> -> memref<80xi32, #tpu.memory_space<vmem>>
      %dma_wait3A_555 = arith.constant 0 : i32
      %dma_wait3A_556 = arith.constant 0 : i32
      %dma_wait3A_557 = tpu.memref_slice %arg3[%dma_wait3A_555, %dma_wait3A_556] : memref<10000x128xf32, #tpu.memory_space<hbm>> -> memref<10000x128xf32, #tpu.memory_space<hbm>>
      tpu.wait_indirect_dma semaphore(%arg14 : memref<!tpu.dma_semaphore, #tpu.memory_space<semaphore_mem>>) src(%dma_wait3A_557 : memref<10000x128xf32, #tpu.memory_space<hbm>>) dst(%arg11 : memref<80x128xf32, #tpu.memory_space<vmem>>)
      %add3A_558 = arith.constant 21 : i32
      %add3A_559 = arith.addi %mul3A_193, %add3A_558 : i32
      "tpu.region"() ({
        %run_scoped3A_579 = tpu.sem_alloc : memref<!tpu.dma_semaphore, #tpu.memory_space<semaphore_mem>>
        %dma_start3A_580 = arith.constant 0 : i32
        %dma_start3A_581 = tpu.memref_slice %arg10[%add3A_559, %dma_start3A_580] : memref<125x80xi32, #tpu.memory_space<vmem>> -> memref<1x80xi32, #tpu.memory_space<vmem>>
        %dma_start3A_582 = tpu.memref_squeeze %dma_start3A_581 : memref<1x80xi32, #tpu.memory_space<vmem>> -> memref<80xi32, #tpu.memory_space<vmem>>
        %dma_start3A_583 = arith.constant 0 : i32
        %dma_start3A_584 = arith.constant 0 : i32
        %dma_start3A_585 = tpu.memref_slice %arg8[%dma_start3A_583, %dma_start3A_584] : memref<10000x128xf32, #tpu.memory_space<vmem_shared>> -> memref<10000x128xf32, #tpu.memory_space<vmem_shared>>
        tpu.enqueue_indirect_dma source(%arg11 : memref<80x128xf32, #tpu.memory_space<vmem>>) target(%dma_start3A_585 : memref<10000x128xf32, #tpu.memory_space<vmem_shared>>) offsets(%dma_start3A_582 : memref<80xi32, #tpu.memory_space<vmem>>) semaphore(%run_scoped3A_579 : memref<!tpu.dma_semaphore, #tpu.memory_space<semaphore_mem>>) {add = true}
        %dma_wait3A_586 = arith.constant 0 : i32
        %dma_wait3A_587 = tpu.memref_slice %arg10[%add3A_559, %dma_wait3A_586] : memref<125x80xi32, #tpu.memory_space<vmem>> -> memref<1x80xi32, #tpu.memory_space<vmem>>
        %dma_wait3A_588 = tpu.memref_squeeze %dma_wait3A_587 : memref<1x80xi32, #tpu.memory_space<vmem>> -> memref<80xi32, #tpu.memory_space<vmem>>
        %dma_wait3A_589 = arith.constant 0 : i32
        %dma_wait3A_590 = arith.constant 0 : i32
        %dma_wait3A_591 = tpu.memref_slice %arg8[%dma_wait3A_589, %dma_wait3A_590] : memref<10000x128xf32, #tpu.memory_space<vmem_shared>> -> memref<10000x128xf32, #tpu.memory_space<vmem_shared>>
        tpu.wait_indirect_dma semaphore(%run_scoped3A_579 : memref<!tpu.dma_semaphore, #tpu.memory_space<semaphore_mem>>) src(%arg11 : memref<80x128xf32, #tpu.memory_space<vmem>>) dst(%dma_wait3A_591 : memref<10000x128xf32, #tpu.memory_space<vmem_shared>>)
        tpu.yield
      }) : () -> ()
      %dma_wait3A_560 = arith.constant 0 : i32
      %dma_wait3A_561 = arith.constant 0 : i32
      %dma_wait3A_562 = tpu.memref_slice %arg9[%dma_wait3A_560, %dma_wait3A_561] : memref<24x80xi32, #tpu.memory_space<vmem>> -> memref<1x80xi32, #tpu.memory_space<vmem>>
      %dma_wait3A_563 = tpu.memref_squeeze %dma_wait3A_562 : memref<1x80xi32, #tpu.memory_space<vmem>> -> memref<80xi32, #tpu.memory_space<vmem>>
      %dma_wait3A_564 = arith.constant 0 : i32
      %dma_wait3A_565 = arith.constant 0 : i32
      %dma_wait3A_566 = tpu.memref_slice %arg3[%dma_wait3A_564, %dma_wait3A_565] : memref<10000x128xf32, #tpu.memory_space<hbm>> -> memref<10000x128xf32, #tpu.memory_space<hbm>>
      tpu.wait_indirect_dma semaphore(%arg15 : memref<!tpu.dma_semaphore, #tpu.memory_space<semaphore_mem>>) src(%dma_wait3A_566 : memref<10000x128xf32, #tpu.memory_space<hbm>>) dst(%arg12 : memref<80x128xf32, #tpu.memory_space<vmem>>)
      %add3A_567 = arith.constant 22 : i32
      %add3A_568 = arith.addi %mul3A_193, %add3A_567 : i32
      "tpu.region"() ({
        %run_scoped3A_579 = tpu.sem_alloc : memref<!tpu.dma_semaphore, #tpu.memory_space<semaphore_mem>>
        %dma_start3A_580 = arith.constant 0 : i32
        %dma_start3A_581 = tpu.memref_slice %arg10[%add3A_568, %dma_start3A_580] : memref<125x80xi32, #tpu.memory_space<vmem>> -> memref<1x80xi32, #tpu.memory_space<vmem>>
        %dma_start3A_582 = tpu.memref_squeeze %dma_start3A_581 : memref<1x80xi32, #tpu.memory_space<vmem>> -> memref<80xi32, #tpu.memory_space<vmem>>
        %dma_start3A_583 = arith.constant 0 : i32
        %dma_start3A_584 = arith.constant 0 : i32
        %dma_start3A_585 = tpu.memref_slice %arg8[%dma_start3A_583, %dma_start3A_584] : memref<10000x128xf32, #tpu.memory_space<vmem_shared>> -> memref<10000x128xf32, #tpu.memory_space<vmem_shared>>
        tpu.enqueue_indirect_dma source(%arg12 : memref<80x128xf32, #tpu.memory_space<vmem>>) target(%dma_start3A_585 : memref<10000x128xf32, #tpu.memory_space<vmem_shared>>) offsets(%dma_start3A_582 : memref<80xi32, #tpu.memory_space<vmem>>) semaphore(%run_scoped3A_579 : memref<!tpu.dma_semaphore, #tpu.memory_space<semaphore_mem>>) {add = true}
        %dma_wait3A_586 = arith.constant 0 : i32
        %dma_wait3A_587 = tpu.memref_slice %arg10[%add3A_568, %dma_wait3A_586] : memref<125x80xi32, #tpu.memory_space<vmem>> -> memref<1x80xi32, #tpu.memory_space<vmem>>
        %dma_wait3A_588 = tpu.memref_squeeze %dma_wait3A_587 : memref<1x80xi32, #tpu.memory_space<vmem>> -> memref<80xi32, #tpu.memory_space<vmem>>
        %dma_wait3A_589 = arith.constant 0 : i32
        %dma_wait3A_590 = arith.constant 0 : i32
        %dma_wait3A_591 = tpu.memref_slice %arg8[%dma_wait3A_589, %dma_wait3A_590] : memref<10000x128xf32, #tpu.memory_space<vmem_shared>> -> memref<10000x128xf32, #tpu.memory_space<vmem_shared>>
        tpu.wait_indirect_dma semaphore(%run_scoped3A_579 : memref<!tpu.dma_semaphore, #tpu.memory_space<semaphore_mem>>) src(%arg12 : memref<80x128xf32, #tpu.memory_space<vmem>>) dst(%dma_wait3A_591 : memref<10000x128xf32, #tpu.memory_space<vmem_shared>>)
        tpu.yield
      }) : () -> ()
      %dma_wait3A_569 = arith.constant 0 : i32
      %dma_wait3A_570 = arith.constant 0 : i32
      %dma_wait3A_571 = tpu.memref_slice %arg9[%dma_wait3A_569, %dma_wait3A_570] : memref<24x80xi32, #tpu.memory_space<vmem>> -> memref<1x80xi32, #tpu.memory_space<vmem>>
      %dma_wait3A_572 = tpu.memref_squeeze %dma_wait3A_571 : memref<1x80xi32, #tpu.memory_space<vmem>> -> memref<80xi32, #tpu.memory_space<vmem>>
      %dma_wait3A_573 = arith.constant 0 : i32
      %dma_wait3A_574 = arith.constant 0 : i32
      %dma_wait3A_575 = tpu.memref_slice %arg3[%dma_wait3A_573, %dma_wait3A_574] : memref<10000x128xf32, #tpu.memory_space<hbm>> -> memref<10000x128xf32, #tpu.memory_space<hbm>>
      tpu.wait_indirect_dma semaphore(%arg16 : memref<!tpu.dma_semaphore, #tpu.memory_space<semaphore_mem>>) src(%dma_wait3A_575 : memref<10000x128xf32, #tpu.memory_space<hbm>>) dst(%arg13 : memref<80x128xf32, #tpu.memory_space<vmem>>)
      %add3A_576 = arith.constant 23 : i32
      %add3A_577 = arith.addi %mul3A_193, %add3A_576 : i32
      "tpu.region"() ({
        %run_scoped3A_579 = tpu.sem_alloc : memref<!tpu.dma_semaphore, #tpu.memory_space<semaphore_mem>>
        %dma_start3A_580 = arith.constant 0 : i32
        %dma_start3A_581 = tpu.memref_slice %arg10[%add3A_577, %dma_start3A_580] : memref<125x80xi32, #tpu.memory_space<vmem>> -> memref<1x80xi32, #tpu.memory_space<vmem>>
        %dma_start3A_582 = tpu.memref_squeeze %dma_start3A_581 : memref<1x80xi32, #tpu.memory_space<vmem>> -> memref<80xi32, #tpu.memory_space<vmem>>
        %dma_start3A_583 = arith.constant 0 : i32
        %dma_start3A_584 = arith.constant 0 : i32
        %dma_start3A_585 = tpu.memref_slice %arg8[%dma_start3A_583, %dma_start3A_584] : memref<10000x128xf32, #tpu.memory_space<vmem_shared>> -> memref<10000x128xf32, #tpu.memory_space<vmem_shared>>
        tpu.enqueue_indirect_dma source(%arg13 : memref<80x128xf32, #tpu.memory_space<vmem>>) target(%dma_start3A_585 : memref<10000x128xf32, #tpu.memory_space<vmem_shared>>) offsets(%dma_start3A_582 : memref<80xi32, #tpu.memory_space<vmem>>) semaphore(%run_scoped3A_579 : memref<!tpu.dma_semaphore, #tpu.memory_space<semaphore_mem>>) {add = true}
        %dma_wait3A_586 = arith.constant 0 : i32
        %dma_wait3A_587 = tpu.memref_slice %arg10[%add3A_577, %dma_wait3A_586] : memref<125x80xi32, #tpu.memory_space<vmem>> -> memref<1x80xi32, #tpu.memory_space<vmem>>
        %dma_wait3A_588 = tpu.memref_squeeze %dma_wait3A_587 : memref<1x80xi32, #tpu.memory_space<vmem>> -> memref<80xi32, #tpu.memory_space<vmem>>
        %dma_wait3A_589 = arith.constant 0 : i32
        %dma_wait3A_590 = arith.constant 0 : i32
        %dma_wait3A_591 = tpu.memref_slice %arg8[%dma_wait3A_589, %dma_wait3A_590] : memref<10000x128xf32, #tpu.memory_space<vmem_shared>> -> memref<10000x128xf32, #tpu.memory_space<vmem_shared>>
        tpu.wait_indirect_dma semaphore(%run_scoped3A_579 : memref<!tpu.dma_semaphore, #tpu.memory_space<semaphore_mem>>) src(%arg13 : memref<80x128xf32, #tpu.memory_space<vmem>>) dst(%dma_wait3A_591 : memref<10000x128xf32, #tpu.memory_space<vmem_shared>>)
        tpu.yield
      }) : () -> ()
      %scan3A_578 = arith.constant 0 : i32
      scf.yield %scan3A_578 : i32
    }
    %scan3A_65 = arith.constant 5 : i32
    %run_scoped3A_66 = arith.constant 0 : i32
    "tpu.region"() ({
      %run_scoped3A_187 = tpu.sem_alloc : memref<!tpu.dma_semaphore, #tpu.memory_space<semaphore_mem>>
      %dma_start3A_188 = arith.constant 0 : i32
      %dma_start3A_189 = arith.constant 0 : i32
      %dma_start3A_190 = tpu.memref_slice %arg9[%dma_start3A_188, %dma_start3A_189] : memref<24x80xi32, #tpu.memory_space<vmem>> -> memref<5x80xi32, #tpu.memory_space<vmem>>
      %dma_start3A_191 = arith.constant 120 : i32
      %dma_start3A_192 = arith.constant 0 : i32
      %dma_start3A_193 = tpu.memref_slice %arg5[%run_scoped3A_66, %add3A, %dma_start3A_191, %dma_start3A_192] : memref<2x32x125x80xi32, #tpu.memory_space<hbm>> -> memref<1x1x5x80xi32, #tpu.memory_space<hbm>>
      %dma_start3A_194 = tpu.memref_squeeze %dma_start3A_193 : memref<1x1x5x80xi32, #tpu.memory_space<hbm>> -> memref<5x80xi32, #tpu.memory_space<hbm>>
      %dma_start3A_195 = arith.constant 0 : i32
      %dma_start3A_196 = arith.constant 0 : i32
      %dma_start3A_197 = tpu.memref_slice %arg9[%dma_start3A_195, %dma_start3A_196] : memref<24x80xi32, #tpu.memory_space<vmem>> -> memref<5x80xi32, #tpu.memory_space<vmem>>
      %dma_start3A_198 = arith.constant 120 : i32
      %dma_start3A_199 = arith.constant 0 : i32
      %dma_start3A_200 = tpu.memref_slice %arg5[%run_scoped3A_66, %add3A, %dma_start3A_198, %dma_start3A_199] : memref<2x32x125x80xi32, #tpu.memory_space<hbm>> -> memref<1x1x5x80xi32, #tpu.memory_space<hbm>>
      %dma_start3A_201 = tpu.memref_squeeze %dma_start3A_200 : memref<1x1x5x80xi32, #tpu.memory_space<hbm>> -> memref<5x80xi32, #tpu.memory_space<hbm>>
      tpu.enqueue_dma source(%dma_start3A_201 : memref<5x80xi32, #tpu.memory_space<hbm>>) target(%dma_start3A_197 : memref<5x80xi32, #tpu.memory_space<vmem>>) target_semaphore(%run_scoped3A_187 : memref<!tpu.dma_semaphore, #tpu.memory_space<semaphore_mem>>)
      %dma_wait3A_202 = arith.constant 0 : i32
      %dma_wait3A_203 = arith.constant 0 : i32
      %dma_wait3A_204 = tpu.memref_slice %arg9[%dma_wait3A_202, %dma_wait3A_203] : memref<24x80xi32, #tpu.memory_space<vmem>> -> memref<5x80xi32, #tpu.memory_space<vmem>>
      %dma_wait3A_205 = arith.constant 120 : i32
      %dma_wait3A_206 = arith.constant 0 : i32
      %dma_wait3A_207 = tpu.memref_slice %arg5[%run_scoped3A_66, %add3A, %dma_wait3A_205, %dma_wait3A_206] : memref<2x32x125x80xi32, #tpu.memory_space<hbm>> -> memref<1x1x5x80xi32, #tpu.memory_space<hbm>>
      %dma_wait3A_208 = tpu.memref_squeeze %dma_wait3A_207 : memref<1x1x5x80xi32, #tpu.memory_space<hbm>> -> memref<5x80xi32, #tpu.memory_space<hbm>>
      %dma_wait3A_209 = arith.constant 0 : i32
      %dma_wait3A_210 = arith.constant 0 : i32
      %dma_wait3A_211 = tpu.memref_slice %arg9[%dma_wait3A_209, %dma_wait3A_210] : memref<24x80xi32, #tpu.memory_space<vmem>> -> memref<5x80xi32, #tpu.memory_space<vmem>>
      %dma_wait3A_212 = arith.constant 120 : i32
      %dma_wait3A_213 = arith.constant 0 : i32
      %dma_wait3A_214 = tpu.memref_slice %arg5[%run_scoped3A_66, %add3A, %dma_wait3A_212, %dma_wait3A_213] : memref<2x32x125x80xi32, #tpu.memory_space<hbm>> -> memref<1x1x5x80xi32, #tpu.memory_space<hbm>>
      %dma_wait3A_215 = tpu.memref_squeeze %dma_wait3A_214 : memref<1x1x5x80xi32, #tpu.memory_space<hbm>> -> memref<5x80xi32, #tpu.memory_space<hbm>>
      tpu.wait_dma2 semaphore(%run_scoped3A_187 : memref<!tpu.dma_semaphore, #tpu.memory_space<semaphore_mem>>) src(%dma_wait3A_215 : memref<5x80xi32, #tpu.memory_space<hbm>>) dst(%dma_wait3A_211 : memref<5x80xi32, #tpu.memory_space<vmem>>)
      tpu.yield
    }) : () -> ()
    %dma_start3A_67 = arith.constant 0 : i32
    %dma_start3A_68 = arith.constant 0 : i32
    %dma_start3A_69 = tpu.memref_slice %arg9[%dma_start3A_67, %dma_start3A_68] : memref<24x80xi32, #tpu.memory_space<vmem>> -> memref<1x80xi32, #tpu.memory_space<vmem>>
    %dma_start3A_70 = tpu.memref_squeeze %dma_start3A_69 : memref<1x80xi32, #tpu.memory_space<vmem>> -> memref<80xi32, #tpu.memory_space<vmem>>
    %dma_start3A_71 = arith.constant 0 : i32
    %dma_start3A_72 = arith.constant 0 : i32
    %dma_start3A_73 = tpu.memref_slice %arg3[%dma_start3A_71, %dma_start3A_72] : memref<10000x128xf32, #tpu.memory_space<hbm>> -> memref<10000x128xf32, #tpu.memory_space<hbm>>
    tpu.enqueue_indirect_dma source(%dma_start3A_73 : memref<10000x128xf32, #tpu.memory_space<hbm>>) target(%arg11 : memref<80x128xf32, #tpu.memory_space<vmem>>) offsets(%dma_start3A_70 : memref<80xi32, #tpu.memory_space<vmem>>) semaphore(%arg14 : memref<!tpu.dma_semaphore, #tpu.memory_space<semaphore_mem>>)
    %dma_start3A_74 = arith.constant 1 : i32
    %dma_start3A_75 = arith.constant 0 : i32
    %dma_start3A_76 = tpu.memref_slice %arg9[%dma_start3A_74, %dma_start3A_75] : memref<24x80xi32, #tpu.memory_space<vmem>> -> memref<1x80xi32, #tpu.memory_space<vmem>>
    %dma_start3A_77 = tpu.memref_squeeze %dma_start3A_76 : memref<1x80xi32, #tpu.memory_space<vmem>> -> memref<80xi32, #tpu.memory_space<vmem>>
    %dma_start3A_78 = arith.constant 0 : i32
    %dma_start3A_79 = arith.constant 0 : i32
    %dma_start3A_80 = tpu.memref_slice %arg3[%dma_start3A_78, %dma_start3A_79] : memref<10000x128xf32, #tpu.memory_space<hbm>> -> memref<10000x128xf32, #tpu.memory_space<hbm>>
    tpu.enqueue_indirect_dma source(%dma_start3A_80 : memref<10000x128xf32, #tpu.memory_space<hbm>>) target(%arg12 : memref<80x128xf32, #tpu.memory_space<vmem>>) offsets(%dma_start3A_77 : memref<80xi32, #tpu.memory_space<vmem>>) semaphore(%arg15 : memref<!tpu.dma_semaphore, #tpu.memory_space<semaphore_mem>>)
    %dma_start3A_81 = arith.constant 2 : i32
    %dma_start3A_82 = arith.constant 0 : i32
    %dma_start3A_83 = tpu.memref_slice %arg9[%dma_start3A_81, %dma_start3A_82] : memref<24x80xi32, #tpu.memory_space<vmem>> -> memref<1x80xi32, #tpu.memory_space<vmem>>
    %dma_start3A_84 = tpu.memref_squeeze %dma_start3A_83 : memref<1x80xi32, #tpu.memory_space<vmem>> -> memref<80xi32, #tpu.memory_space<vmem>>
    %dma_start3A_85 = arith.constant 0 : i32
    %dma_start3A_86 = arith.constant 0 : i32
    %dma_start3A_87 = tpu.memref_slice %arg3[%dma_start3A_85, %dma_start3A_86] : memref<10000x128xf32, #tpu.memory_space<hbm>> -> memref<10000x128xf32, #tpu.memory_space<hbm>>
    tpu.enqueue_indirect_dma source(%dma_start3A_87 : memref<10000x128xf32, #tpu.memory_space<hbm>>) target(%arg13 : memref<80x128xf32, #tpu.memory_space<vmem>>) offsets(%dma_start3A_84 : memref<80xi32, #tpu.memory_space<vmem>>) semaphore(%arg16 : memref<!tpu.dma_semaphore, #tpu.memory_space<semaphore_mem>>)
    %dma_wait3A_88 = arith.constant 0 : i32
    %dma_wait3A_89 = arith.constant 0 : i32
    %dma_wait3A_90 = tpu.memref_slice %arg9[%dma_wait3A_88, %dma_wait3A_89] : memref<24x80xi32, #tpu.memory_space<vmem>> -> memref<1x80xi32, #tpu.memory_space<vmem>>
    %dma_wait3A_91 = tpu.memref_squeeze %dma_wait3A_90 : memref<1x80xi32, #tpu.memory_space<vmem>> -> memref<80xi32, #tpu.memory_space<vmem>>
    %dma_wait3A_92 = arith.constant 0 : i32
    %dma_wait3A_93 = arith.constant 0 : i32
    %dma_wait3A_94 = tpu.memref_slice %arg3[%dma_wait3A_92, %dma_wait3A_93] : memref<10000x128xf32, #tpu.memory_space<hbm>> -> memref<10000x128xf32, #tpu.memory_space<hbm>>
    tpu.wait_indirect_dma semaphore(%arg14 : memref<!tpu.dma_semaphore, #tpu.memory_space<semaphore_mem>>) src(%dma_wait3A_94 : memref<10000x128xf32, #tpu.memory_space<hbm>>) dst(%arg11 : memref<80x128xf32, #tpu.memory_space<vmem>>)
    %run_scoped3A_95 = arith.constant 120 : i32
    "tpu.region"() ({
      %run_scoped3A_187 = tpu.sem_alloc : memref<!tpu.dma_semaphore, #tpu.memory_space<semaphore_mem>>
      %dma_start3A_188 = arith.constant 0 : i32
      %dma_start3A_189 = tpu.memref_slice %arg10[%run_scoped3A_95, %dma_start3A_188] : memref<125x80xi32, #tpu.memory_space<vmem>> -> memref<1x80xi32, #tpu.memory_space<vmem>>
      %dma_start3A_190 = tpu.memref_squeeze %dma_start3A_189 : memref<1x80xi32, #tpu.memory_space<vmem>> -> memref<80xi32, #tpu.memory_space<vmem>>
      %dma_start3A_191 = arith.constant 0 : i32
      %dma_start3A_192 = arith.constant 0 : i32
      %dma_start3A_193 = tpu.memref_slice %arg8[%dma_start3A_191, %dma_start3A_192] : memref<10000x128xf32, #tpu.memory_space<vmem_shared>> -> memref<10000x128xf32, #tpu.memory_space<vmem_shared>>
      tpu.enqueue_indirect_dma source(%arg11 : memref<80x128xf32, #tpu.memory_space<vmem>>) target(%dma_start3A_193 : memref<10000x128xf32, #tpu.memory_space<vmem_shared>>) offsets(%dma_start3A_190 : memref<80xi32, #tpu.memory_space<vmem>>) semaphore(%run_scoped3A_187 : memref<!tpu.dma_semaphore, #tpu.memory_space<semaphore_mem>>) {add = true}
      %dma_wait3A_194 = arith.constant 0 : i32
      %dma_wait3A_195 = tpu.memref_slice %arg10[%run_scoped3A_95, %dma_wait3A_194] : memref<125x80xi32, #tpu.memory_space<vmem>> -> memref<1x80xi32, #tpu.memory_space<vmem>>
      %dma_wait3A_196 = tpu.memref_squeeze %dma_wait3A_195 : memref<1x80xi32, #tpu.memory_space<vmem>> -> memref<80xi32, #tpu.memory_space<vmem>>
      %dma_wait3A_197 = arith.constant 0 : i32
      %dma_wait3A_198 = arith.constant 0 : i32
      %dma_wait3A_199 = tpu.memref_slice %arg8[%dma_wait3A_197, %dma_wait3A_198] : memref<10000x128xf32, #tpu.memory_space<vmem_shared>> -> memref<10000x128xf32, #tpu.memory_space<vmem_shared>>
      tpu.wait_indirect_dma semaphore(%run_scoped3A_187 : memref<!tpu.dma_semaphore, #tpu.memory_space<semaphore_mem>>) src(%arg11 : memref<80x128xf32, #tpu.memory_space<vmem>>) dst(%dma_wait3A_199 : memref<10000x128xf32, #tpu.memory_space<vmem_shared>>)
      tpu.yield
    }) : () -> ()
    %dma_start3A_96 = arith.constant 3 : i32
    %dma_start3A_97 = arith.constant 0 : i32
    %dma_start3A_98 = tpu.memref_slice %arg9[%dma_start3A_96, %dma_start3A_97] : memref<24x80xi32, #tpu.memory_space<vmem>> -> memref<1x80xi32, #tpu.memory_space<vmem>>
    %dma_start3A_99 = tpu.memref_squeeze %dma_start3A_98 : memref<1x80xi32, #tpu.memory_space<vmem>> -> memref<80xi32, #tpu.memory_space<vmem>>
    %dma_start3A_100 = arith.constant 0 : i32
    %dma_start3A_101 = arith.constant 0 : i32
    %dma_start3A_102 = tpu.memref_slice %arg3[%dma_start3A_100, %dma_start3A_101] : memref<10000x128xf32, #tpu.memory_space<hbm>> -> memref<10000x128xf32, #tpu.memory_space<hbm>>
    tpu.enqueue_indirect_dma source(%dma_start3A_102 : memref<10000x128xf32, #tpu.memory_space<hbm>>) target(%arg11 : memref<80x128xf32, #tpu.memory_space<vmem>>) offsets(%dma_start3A_99 : memref<80xi32, #tpu.memory_space<vmem>>) semaphore(%arg14 : memref<!tpu.dma_semaphore, #tpu.memory_space<semaphore_mem>>)
    %dma_wait3A_103 = arith.constant 0 : i32
    %dma_wait3A_104 = arith.constant 0 : i32
    %dma_wait3A_105 = tpu.memref_slice %arg9[%dma_wait3A_103, %dma_wait3A_104] : memref<24x80xi32, #tpu.memory_space<vmem>> -> memref<1x80xi32, #tpu.memory_space<vmem>>
    %dma_wait3A_106 = tpu.memref_squeeze %dma_wait3A_105 : memref<1x80xi32, #tpu.memory_space<vmem>> -> memref<80xi32, #tpu.memory_space<vmem>>
    %dma_wait3A_107 = arith.constant 0 : i32
    %dma_wait3A_108 = arith.constant 0 : i32
    %dma_wait3A_109 = tpu.memref_slice %arg3[%dma_wait3A_107, %dma_wait3A_108] : memref<10000x128xf32, #tpu.memory_space<hbm>> -> memref<10000x128xf32, #tpu.memory_space<hbm>>
    tpu.wait_indirect_dma semaphore(%arg15 : memref<!tpu.dma_semaphore, #tpu.memory_space<semaphore_mem>>) src(%dma_wait3A_109 : memref<10000x128xf32, #tpu.memory_space<hbm>>) dst(%arg12 : memref<80x128xf32, #tpu.memory_space<vmem>>)
    %run_scoped3A_110 = arith.constant 121 : i32
    "tpu.region"() ({
      %run_scoped3A_187 = tpu.sem_alloc : memref<!tpu.dma_semaphore, #tpu.memory_space<semaphore_mem>>
      %dma_start3A_188 = arith.constant 0 : i32
      %dma_start3A_189 = tpu.memref_slice %arg10[%run_scoped3A_110, %dma_start3A_188] : memref<125x80xi32, #tpu.memory_space<vmem>> -> memref<1x80xi32, #tpu.memory_space<vmem>>
      %dma_start3A_190 = tpu.memref_squeeze %dma_start3A_189 : memref<1x80xi32, #tpu.memory_space<vmem>> -> memref<80xi32, #tpu.memory_space<vmem>>
      %dma_start3A_191 = arith.constant 0 : i32
      %dma_start3A_192 = arith.constant 0 : i32
      %dma_start3A_193 = tpu.memref_slice %arg8[%dma_start3A_191, %dma_start3A_192] : memref<10000x128xf32, #tpu.memory_space<vmem_shared>> -> memref<10000x128xf32, #tpu.memory_space<vmem_shared>>
      tpu.enqueue_indirect_dma source(%arg12 : memref<80x128xf32, #tpu.memory_space<vmem>>) target(%dma_start3A_193 : memref<10000x128xf32, #tpu.memory_space<vmem_shared>>) offsets(%dma_start3A_190 : memref<80xi32, #tpu.memory_space<vmem>>) semaphore(%run_scoped3A_187 : memref<!tpu.dma_semaphore, #tpu.memory_space<semaphore_mem>>) {add = true}
      %dma_wait3A_194 = arith.constant 0 : i32
      %dma_wait3A_195 = tpu.memref_slice %arg10[%run_scoped3A_110, %dma_wait3A_194] : memref<125x80xi32, #tpu.memory_space<vmem>> -> memref<1x80xi32, #tpu.memory_space<vmem>>
      %dma_wait3A_196 = tpu.memref_squeeze %dma_wait3A_195 : memref<1x80xi32, #tpu.memory_space<vmem>> -> memref<80xi32, #tpu.memory_space<vmem>>
      %dma_wait3A_197 = arith.constant 0 : i32
      %dma_wait3A_198 = arith.constant 0 : i32
      %dma_wait3A_199 = tpu.memref_slice %arg8[%dma_wait3A_197, %dma_wait3A_198] : memref<10000x128xf32, #tpu.memory_space<vmem_shared>> -> memref<10000x128xf32, #tpu.memory_space<vmem_shared>>
      tpu.wait_indirect_dma semaphore(%run_scoped3A_187 : memref<!tpu.dma_semaphore, #tpu.memory_space<semaphore_mem>>) src(%arg12 : memref<80x128xf32, #tpu.memory_space<vmem>>) dst(%dma_wait3A_199 : memref<10000x128xf32, #tpu.memory_space<vmem_shared>>)
      tpu.yield
    }) : () -> ()
    %dma_start3A_111 = arith.constant 4 : i32
    %dma_start3A_112 = arith.constant 0 : i32
    %dma_start3A_113 = tpu.memref_slice %arg9[%dma_start3A_111, %dma_start3A_112] : memref<24x80xi32, #tpu.memory_space<vmem>> -> memref<1x80xi32, #tpu.memory_space<vmem>>
    %dma_start3A_114 = tpu.memref_squeeze %dma_start3A_113 : memref<1x80xi32, #tpu.memory_space<vmem>> -> memref<80xi32, #tpu.memory_space<vmem>>
    %dma_start3A_115 = arith.constant 0 : i32
    %dma_start3A_116 = arith.constant 0 : i32
    %dma_start3A_117 = tpu.memref_slice %arg3[%dma_start3A_115, %dma_start3A_116] : memref<10000x128xf32, #tpu.memory_space<hbm>> -> memref<10000x128xf32, #tpu.memory_space<hbm>>
    tpu.enqueue_indirect_dma source(%dma_start3A_117 : memref<10000x128xf32, #tpu.memory_space<hbm>>) target(%arg12 : memref<80x128xf32, #tpu.memory_space<vmem>>) offsets(%dma_start3A_114 : memref<80xi32, #tpu.memory_space<vmem>>) semaphore(%arg15 : memref<!tpu.dma_semaphore, #tpu.memory_space<semaphore_mem>>)
    %dma_wait3A_118 = arith.constant 0 : i32
    %dma_wait3A_119 = arith.constant 0 : i32
    %dma_wait3A_120 = tpu.memref_slice %arg9[%dma_wait3A_118, %dma_wait3A_119] : memref<24x80xi32, #tpu.memory_space<vmem>> -> memref<1x80xi32, #tpu.memory_space<vmem>>
    %dma_wait3A_121 = tpu.memref_squeeze %dma_wait3A_120 : memref<1x80xi32, #tpu.memory_space<vmem>> -> memref<80xi32, #tpu.memory_space<vmem>>
    %dma_wait3A_122 = arith.constant 0 : i32
    %dma_wait3A_123 = arith.constant 0 : i32
    %dma_wait3A_124 = tpu.memref_slice %arg3[%dma_wait3A_122, %dma_wait3A_123] : memref<10000x128xf32, #tpu.memory_space<hbm>> -> memref<10000x128xf32, #tpu.memory_space<hbm>>
    tpu.wait_indirect_dma semaphore(%arg16 : memref<!tpu.dma_semaphore, #tpu.memory_space<semaphore_mem>>) src(%dma_wait3A_124 : memref<10000x128xf32, #tpu.memory_space<hbm>>) dst(%arg13 : memref<80x128xf32, #tpu.memory_space<vmem>>)
    %run_scoped3A_125 = arith.constant 122 : i32
    "tpu.region"() ({
      %run_scoped3A_187 = tpu.sem_alloc : memref<!tpu.dma_semaphore, #tpu.memory_space<semaphore_mem>>
      %dma_start3A_188 = arith.constant 0 : i32
      %dma_start3A_189 = tpu.memref_slice %arg10[%run_scoped3A_125, %dma_start3A_188] : memref<125x80xi32, #tpu.memory_space<vmem>> -> memref<1x80xi32, #tpu.memory_space<vmem>>
      %dma_start3A_190 = tpu.memref_squeeze %dma_start3A_189 : memref<1x80xi32, #tpu.memory_space<vmem>> -> memref<80xi32, #tpu.memory_space<vmem>>
      %dma_start3A_191 = arith.constant 0 : i32
      %dma_start3A_192 = arith.constant 0 : i32
      %dma_start3A_193 = tpu.memref_slice %arg8[%dma_start3A_191, %dma_start3A_192] : memref<10000x128xf32, #tpu.memory_space<vmem_shared>> -> memref<10000x128xf32, #tpu.memory_space<vmem_shared>>
      tpu.enqueue_indirect_dma source(%arg13 : memref<80x128xf32, #tpu.memory_space<vmem>>) target(%dma_start3A_193 : memref<10000x128xf32, #tpu.memory_space<vmem_shared>>) offsets(%dma_start3A_190 : memref<80xi32, #tpu.memory_space<vmem>>) semaphore(%run_scoped3A_187 : memref<!tpu.dma_semaphore, #tpu.memory_space<semaphore_mem>>) {add = true}
      %dma_wait3A_194 = arith.constant 0 : i32
      %dma_wait3A_195 = tpu.memref_slice %arg10[%run_scoped3A_125, %dma_wait3A_194] : memref<125x80xi32, #tpu.memory_space<vmem>> -> memref<1x80xi32, #tpu.memory_space<vmem>>
      %dma_wait3A_196 = tpu.memref_squeeze %dma_wait3A_195 : memref<1x80xi32, #tpu.memory_space<vmem>> -> memref<80xi32, #tpu.memory_space<vmem>>
      %dma_wait3A_197 = arith.constant 0 : i32
      %dma_wait3A_198 = arith.constant 0 : i32
      %dma_wait3A_199 = tpu.memref_slice %arg8[%dma_wait3A_197, %dma_wait3A_198] : memref<10000x128xf32, #tpu.memory_space<vmem_shared>> -> memref<10000x128xf32, #tpu.memory_space<vmem_shared>>
      tpu.wait_indirect_dma semaphore(%run_scoped3A_187 : memref<!tpu.dma_semaphore, #tpu.memory_space<semaphore_mem>>) src(%arg13 : memref<80x128xf32, #tpu.memory_space<vmem>>) dst(%dma_wait3A_199 : memref<10000x128xf32, #tpu.memory_space<vmem_shared>>)
      tpu.yield
    }) : () -> ()
    %dma_wait3A_126 = arith.constant 0 : i32
    %dma_wait3A_127 = arith.constant 0 : i32
    %dma_wait3A_128 = tpu.memref_slice %arg9[%dma_wait3A_126, %dma_wait3A_127] : memref<24x80xi32, #tpu.memory_space<vmem>> -> memref<1x80xi32, #tpu.memory_space<vmem>>
    %dma_wait3A_129 = tpu.memref_squeeze %dma_wait3A_128 : memref<1x80xi32, #tpu.memory_space<vmem>> -> memref<80xi32, #tpu.memory_space<vmem>>
    %dma_wait3A_130 = arith.constant 0 : i32
    %dma_wait3A_131 = arith.constant 0 : i32
    %dma_wait3A_132 = tpu.memref_slice %arg3[%dma_wait3A_130, %dma_wait3A_131] : memref<10000x128xf32, #tpu.memory_space<hbm>> -> memref<10000x128xf32, #tpu.memory_space<hbm>>
    tpu.wait_indirect_dma semaphore(%arg14 : memref<!tpu.dma_semaphore, #tpu.memory_space<semaphore_mem>>) src(%dma_wait3A_132 : memref<10000x128xf32, #tpu.memory_space<hbm>>) dst(%arg11 : memref<80x128xf32, #tpu.memory_space<vmem>>)
    %run_scoped3A_133 = arith.constant 123 : i32
    "tpu.region"() ({
      %run_scoped3A_187 = tpu.sem_alloc : memref<!tpu.dma_semaphore, #tpu.memory_space<semaphore_mem>>
      %dma_start3A_188 = arith.constant 0 : i32
      %dma_start3A_189 = tpu.memref_slice %arg10[%run_scoped3A_133, %dma_start3A_188] : memref<125x80xi32, #tpu.memory_space<vmem>> -> memref<1x80xi32, #tpu.memory_space<vmem>>
      %dma_start3A_190 = tpu.memref_squeeze %dma_start3A_189 : memref<1x80xi32, #tpu.memory_space<vmem>> -> memref<80xi32, #tpu.memory_space<vmem>>
      %dma_start3A_191 = arith.constant 0 : i32
      %dma_start3A_192 = arith.constant 0 : i32
      %dma_start3A_193 = tpu.memref_slice %arg8[%dma_start3A_191, %dma_start3A_192] : memref<10000x128xf32, #tpu.memory_space<vmem_shared>> -> memref<10000x128xf32, #tpu.memory_space<vmem_shared>>
      tpu.enqueue_indirect_dma source(%arg11 : memref<80x128xf32, #tpu.memory_space<vmem>>) target(%dma_start3A_193 : memref<10000x128xf32, #tpu.memory_space<vmem_shared>>) offsets(%dma_start3A_190 : memref<80xi32, #tpu.memory_space<vmem>>) semaphore(%run_scoped3A_187 : memref<!tpu.dma_semaphore, #tpu.memory_space<semaphore_mem>>) {add = true}
      %dma_wait3A_194 = arith.constant 0 : i32
      %dma_wait3A_195 = tpu.memref_slice %arg10[%run_scoped3A_133, %dma_wait3A_194] : memref<125x80xi32, #tpu.memory_space<vmem>> -> memref<1x80xi32, #tpu.memory_space<vmem>>
      %dma_wait3A_196 = tpu.memref_squeeze %dma_wait3A_195 : memref<1x80xi32, #tpu.memory_space<vmem>> -> memref<80xi32, #tpu.memory_space<vmem>>
      %dma_wait3A_197 = arith.constant 0 : i32
      %dma_wait3A_198 = arith.constant 0 : i32
      %dma_wait3A_199 = tpu.memref_slice %arg8[%dma_wait3A_197, %dma_wait3A_198] : memref<10000x128xf32, #tpu.memory_space<vmem_shared>> -> memref<10000x128xf32, #tpu.memory_space<vmem_shared>>
      tpu.wait_indirect_dma semaphore(%run_scoped3A_187 : memref<!tpu.dma_semaphore, #tpu.memory_space<semaphore_mem>>) src(%arg11 : memref<80x128xf32, #tpu.memory_space<vmem>>) dst(%dma_wait3A_199 : memref<10000x128xf32, #tpu.memory_space<vmem_shared>>)
      tpu.yield
    }) : () -> ()
    %dma_wait3A_134 = arith.constant 0 : i32
    %dma_wait3A_135 = arith.constant 0 : i32
    %dma_wait3A_136 = tpu.memref_slice %arg9[%dma_wait3A_134, %dma_wait3A_135] : memref<24x80xi32, #tpu.memory_space<vmem>> -> memref<1x80xi32, #tpu.memory_space<vmem>>
    %dma_wait3A_137 = tpu.memref_squeeze %dma_wait3A_136 : memref<1x80xi32, #tpu.memory_space<vmem>> -> memref<80xi32, #tpu.memory_space<vmem>>
    %dma_wait3A_138 = arith.constant 0 : i32
    %dma_wait3A_139 = arith.constant 0 : i32
    %dma_wait3A_140 = tpu.memref_slice %arg3[%dma_wait3A_138, %dma_wait3A_139] : memref<10000x128xf32, #tpu.memory_space<hbm>> -> memref<10000x128xf32, #tpu.memory_space<hbm>>
    tpu.wait_indirect_dma semaphore(%arg15 : memref<!tpu.dma_semaphore, #tpu.memory_space<semaphore_mem>>) src(%dma_wait3A_140 : memref<10000x128xf32, #tpu.memory_space<hbm>>) dst(%arg12 : memref<80x128xf32, #tpu.memory_space<vmem>>)
    %run_scoped3A_141 = arith.constant 124 : i32
    "tpu.region"() ({
      %run_scoped3A_187 = tpu.sem_alloc : memref<!tpu.dma_semaphore, #tpu.memory_space<semaphore_mem>>
      %dma_start3A_188 = arith.constant 0 : i32
      %dma_start3A_189 = tpu.memref_slice %arg10[%run_scoped3A_141, %dma_start3A_188] : memref<125x80xi32, #tpu.memory_space<vmem>> -> memref<1x80xi32, #tpu.memory_space<vmem>>
      %dma_start3A_190 = tpu.memref_squeeze %dma_start3A_189 : memref<1x80xi32, #tpu.memory_space<vmem>> -> memref<80xi32, #tpu.memory_space<vmem>>
      %dma_start3A_191 = arith.constant 0 : i32
      %dma_start3A_192 = arith.constant 0 : i32
      %dma_start3A_193 = tpu.memref_slice %arg8[%dma_start3A_191, %dma_start3A_192] : memref<10000x128xf32, #tpu.memory_space<vmem_shared>> -> memref<10000x128xf32, #tpu.memory_space<vmem_shared>>
      tpu.enqueue_indirect_dma source(%arg12 : memref<80x128xf32, #tpu.memory_space<vmem>>) target(%dma_start3A_193 : memref<10000x128xf32, #tpu.memory_space<vmem_shared>>) offsets(%dma_start3A_190 : memref<80xi32, #tpu.memory_space<vmem>>) semaphore(%run_scoped3A_187 : memref<!tpu.dma_semaphore, #tpu.memory_space<semaphore_mem>>) {add = true}
      %dma_wait3A_194 = arith.constant 0 : i32
      %dma_wait3A_195 = tpu.memref_slice %arg10[%run_scoped3A_141, %dma_wait3A_194] : memref<125x80xi32, #tpu.memory_space<vmem>> -> memref<1x80xi32, #tpu.memory_space<vmem>>
      %dma_wait3A_196 = tpu.memref_squeeze %dma_wait3A_195 : memref<1x80xi32, #tpu.memory_space<vmem>> -> memref<80xi32, #tpu.memory_space<vmem>>
      %dma_wait3A_197 = arith.constant 0 : i32
      %dma_wait3A_198 = arith.constant 0 : i32
      %dma_wait3A_199 = tpu.memref_slice %arg8[%dma_wait3A_197, %dma_wait3A_198] : memref<10000x128xf32, #tpu.memory_space<vmem_shared>> -> memref<10000x128xf32, #tpu.memory_space<vmem_shared>>
      tpu.wait_indirect_dma semaphore(%run_scoped3A_187 : memref<!tpu.dma_semaphore, #tpu.memory_space<semaphore_mem>>) src(%arg12 : memref<80x128xf32, #tpu.memory_space<vmem>>) dst(%dma_wait3A_199 : memref<10000x128xf32, #tpu.memory_space<vmem_shared>>)
      tpu.yield
    }) : () -> ()
    %dma_start3A_142 = arith.constant 0 : i32
    %dma_start3A_143 = arith.constant 0 : i32
    %dma_start3A_144 = tpu.memref_slice %arg10[%dma_start3A_142, %dma_start3A_143] : memref<125x80xi32, #tpu.memory_space<vmem>> -> memref<1x80xi32, #tpu.memory_space<vmem>>
    %dma_start3A_145 = tpu.memref_squeeze %dma_start3A_144 : memref<1x80xi32, #tpu.memory_space<vmem>> -> memref<80xi32, #tpu.memory_space<vmem>>
    %dma_start3A_146 = arith.constant 0 : i32
    %dma_start3A_147 = arith.constant 0 : i32
    %dma_start3A_148 = tpu.memref_slice %arg4[%dma_start3A_146, %dma_start3A_147] : memref<10000x128xf32, #tpu.memory_space<hbm>> -> memref<10000x128xf32, #tpu.memory_space<hbm>>
    tpu.enqueue_indirect_dma source(%dma_start3A_148 : memref<10000x128xf32, #tpu.memory_space<hbm>>) target(%arg11 : memref<80x128xf32, #tpu.memory_space<vmem>>) offsets(%dma_start3A_145 : memref<80xi32, #tpu.memory_space<vmem>>) semaphore(%arg14 : memref<!tpu.dma_semaphore, #tpu.memory_space<semaphore_mem>>)
    %dma_start3A_149 = arith.constant 1 : i32
    %dma_start3A_150 = arith.constant 0 : i32
    %dma_start3A_151 = tpu.memref_slice %arg10[%dma_start3A_149, %dma_start3A_150] : memref<125x80xi32, #tpu.memory_space<vmem>> -> memref<1x80xi32, #tpu.memory_space<vmem>>
    %dma_start3A_152 = tpu.memref_squeeze %dma_start3A_151 : memref<1x80xi32, #tpu.memory_space<vmem>> -> memref<80xi32, #tpu.memory_space<vmem>>
    %dma_start3A_153 = arith.constant 0 : i32
    %dma_start3A_154 = arith.constant 0 : i32
    %dma_start3A_155 = tpu.memref_slice %arg4[%dma_start3A_153, %dma_start3A_154] : memref<10000x128xf32, #tpu.memory_space<hbm>> -> memref<10000x128xf32, #tpu.memory_space<hbm>>
    tpu.enqueue_indirect_dma source(%dma_start3A_155 : memref<10000x128xf32, #tpu.memory_space<hbm>>) target(%arg12 : memref<80x128xf32, #tpu.memory_space<vmem>>) offsets(%dma_start3A_152 : memref<80xi32, #tpu.memory_space<vmem>>) semaphore(%arg15 : memref<!tpu.dma_semaphore, #tpu.memory_space<semaphore_mem>>)
    %scan3A_156 = arith.constant 0 : i32
    %scan3A_157 = arith.constant 0 : i32
    %scan3A_158 = arith.constant 41 : i32
    %scan3A_159 = arith.addi %scan3A_157, %scan3A_158 : i32
    %scan3A_160 = arith.constant 1 : i32
    %scan3A_161 = scf.for %scan3A_187 = %scan3A_157 to %scan3A_159 step %scan3A_160 iter_args(%scan3A_188 = %scan3A_156) -> (i32)  : i32 {
      %mul3A_189 = arith.constant 3 : i32
      %mul3A_190 = arith.muli %mul3A_189, %scan3A_187 : i32
      %add3A_191 = arith.constant 2 : i32
      %add3A_192 = arith.addi %mul3A_190, %add3A_191 : i32
      %dma_start3A_193 = arith.constant 0 : i32
      %dma_start3A_194 = tpu.memref_slice %arg10[%add3A_192, %dma_start3A_193] : memref<125x80xi32, #tpu.memory_space<vmem>> -> memref<1x80xi32, #tpu.memory_space<vmem>>
      %dma_start3A_195 = tpu.memref_squeeze %dma_start3A_194 : memref<1x80xi32, #tpu.memory_space<vmem>> -> memref<80xi32, #tpu.memory_space<vmem>>
      %dma_start3A_196 = arith.constant 0 : i32
      %dma_start3A_197 = arith.constant 0 : i32
      %dma_start3A_198 = tpu.memref_slice %arg4[%dma_start3A_196, %dma_start3A_197] : memref<10000x128xf32, #tpu.memory_space<hbm>> -> memref<10000x128xf32, #tpu.memory_space<hbm>>
      tpu.enqueue_indirect_dma source(%dma_start3A_198 : memref<10000x128xf32, #tpu.memory_space<hbm>>) target(%arg13 : memref<80x128xf32, #tpu.memory_space<vmem>>) offsets(%dma_start3A_195 : memref<80xi32, #tpu.memory_space<vmem>>) semaphore(%arg16 : memref<!tpu.dma_semaphore, #tpu.memory_space<semaphore_mem>>)
      %dma_wait3A_199 = arith.constant 0 : i32
      %dma_wait3A_200 = arith.constant 0 : i32
      %dma_wait3A_201 = tpu.memref_slice %arg10[%dma_wait3A_199, %dma_wait3A_200] : memref<125x80xi32, #tpu.memory_space<vmem>> -> memref<1x80xi32, #tpu.memory_space<vmem>>
      %dma_wait3A_202 = tpu.memref_squeeze %dma_wait3A_201 : memref<1x80xi32, #tpu.memory_space<vmem>> -> memref<80xi32, #tpu.memory_space<vmem>>
      %dma_wait3A_203 = arith.constant 0 : i32
      %dma_wait3A_204 = arith.constant 0 : i32
      %dma_wait3A_205 = tpu.memref_slice %arg4[%dma_wait3A_203, %dma_wait3A_204] : memref<10000x128xf32, #tpu.memory_space<hbm>> -> memref<10000x128xf32, #tpu.memory_space<hbm>>
      tpu.wait_indirect_dma semaphore(%arg14 : memref<!tpu.dma_semaphore, #tpu.memory_space<semaphore_mem>>) src(%dma_wait3A_205 : memref<10000x128xf32, #tpu.memory_space<hbm>>) dst(%arg11 : memref<80x128xf32, #tpu.memory_space<vmem>>)
      "tpu.region"() ({
        %run_scoped3A_241 = tpu.sem_alloc : memref<!tpu.dma_semaphore, #tpu.memory_space<semaphore_mem>>
        %dma_start3A_242 = arith.constant 0 : i32
        %dma_start3A_243 = tpu.memref_slice %arg10[%mul3A_190, %dma_start3A_242] : memref<125x80xi32, #tpu.memory_space<vmem>> -> memref<1x80xi32, #tpu.memory_space<vmem>>
        %dma_start3A_244 = tpu.memref_squeeze %dma_start3A_243 : memref<1x80xi32, #tpu.memory_space<vmem>> -> memref<80xi32, #tpu.memory_space<vmem>>
        %dma_start3A_245 = arith.constant 0 : i32
        %dma_start3A_246 = arith.constant 0 : i32
        %dma_start3A_247 = tpu.memref_slice %arg8[%dma_start3A_245, %dma_start3A_246] : memref<10000x128xf32, #tpu.memory_space<vmem_shared>> -> memref<10000x128xf32, #tpu.memory_space<vmem_shared>>
        tpu.enqueue_indirect_dma source(%arg11 : memref<80x128xf32, #tpu.memory_space<vmem>>) target(%dma_start3A_247 : memref<10000x128xf32, #tpu.memory_space<vmem_shared>>) offsets(%dma_start3A_244 : memref<80xi32, #tpu.memory_space<vmem>>) semaphore(%run_scoped3A_241 : memref<!tpu.dma_semaphore, #tpu.memory_space<semaphore_mem>>) {add = true}
        %dma_wait3A_248 = arith.constant 0 : i32
        %dma_wait3A_249 = tpu.memref_slice %arg10[%mul3A_190, %dma_wait3A_248] : memref<125x80xi32, #tpu.memory_space<vmem>> -> memref<1x80xi32, #tpu.memory_space<vmem>>
        %dma_wait3A_250 = tpu.memref_squeeze %dma_wait3A_249 : memref<1x80xi32, #tpu.memory_space<vmem>> -> memref<80xi32, #tpu.memory_space<vmem>>
        %dma_wait3A_251 = arith.constant 0 : i32
        %dma_wait3A_252 = arith.constant 0 : i32
        %dma_wait3A_253 = tpu.memref_slice %arg8[%dma_wait3A_251, %dma_wait3A_252] : memref<10000x128xf32, #tpu.memory_space<vmem_shared>> -> memref<10000x128xf32, #tpu.memory_space<vmem_shared>>
        tpu.wait_indirect_dma semaphore(%run_scoped3A_241 : memref<!tpu.dma_semaphore, #tpu.memory_space<semaphore_mem>>) src(%arg11 : memref<80x128xf32, #tpu.memory_space<vmem>>) dst(%dma_wait3A_253 : memref<10000x128xf32, #tpu.memory_space<vmem_shared>>)
        tpu.yield
      }) : () -> ()
      %add3A_206 = arith.constant 3 : i32
      %add3A_207 = arith.addi %mul3A_190, %add3A_206 : i32
      %dma_start3A_208 = arith.constant 0 : i32
      %dma_start3A_209 = tpu.memref_slice %arg10[%add3A_207, %dma_start3A_208] : memref<125x80xi32, #tpu.memory_space<vmem>> -> memref<1x80xi32, #tpu.memory_space<vmem>>
      %dma_start3A_210 = tpu.memref_squeeze %dma_start3A_209 : memref<1x80xi32, #tpu.memory_space<vmem>> -> memref<80xi32, #tpu.memory_space<vmem>>
      %dma_start3A_211 = arith.constant 0 : i32
      %dma_start3A_212 = arith.constant 0 : i32
      %dma_start3A_213 = tpu.memref_slice %arg4[%dma_start3A_211, %dma_start3A_212] : memref<10000x128xf32, #tpu.memory_space<hbm>> -> memref<10000x128xf32, #tpu.memory_space<hbm>>
      tpu.enqueue_indirect_dma source(%dma_start3A_213 : memref<10000x128xf32, #tpu.memory_space<hbm>>) target(%arg11 : memref<80x128xf32, #tpu.memory_space<vmem>>) offsets(%dma_start3A_210 : memref<80xi32, #tpu.memory_space<vmem>>) semaphore(%arg14 : memref<!tpu.dma_semaphore, #tpu.memory_space<semaphore_mem>>)
      %add3A_214 = arith.constant 1 : i32
      %add3A_215 = arith.addi %mul3A_190, %add3A_214 : i32
      %dma_wait3A_216 = arith.constant 0 : i32
      %dma_wait3A_217 = arith.constant 0 : i32
      %dma_wait3A_218 = tpu.memref_slice %arg10[%dma_wait3A_216, %dma_wait3A_217] : memref<125x80xi32, #tpu.memory_space<vmem>> -> memref<1x80xi32, #tpu.memory_space<vmem>>
      %dma_wait3A_219 = tpu.memref_squeeze %dma_wait3A_218 : memref<1x80xi32, #tpu.memory_space<vmem>> -> memref<80xi32, #tpu.memory_space<vmem>>
      %dma_wait3A_220 = arith.constant 0 : i32
      %dma_wait3A_221 = arith.constant 0 : i32
      %dma_wait3A_222 = tpu.memref_slice %arg4[%dma_wait3A_220, %dma_wait3A_221] : memref<10000x128xf32, #tpu.memory_space<hbm>> -> memref<10000x128xf32, #tpu.memory_space<hbm>>
      tpu.wait_indirect_dma semaphore(%arg15 : memref<!tpu.dma_semaphore, #tpu.memory_space<semaphore_mem>>) src(%dma_wait3A_222 : memref<10000x128xf32, #tpu.memory_space<hbm>>) dst(%arg12 : memref<80x128xf32, #tpu.memory_space<vmem>>)
      "tpu.region"() ({
        %run_scoped3A_241 = tpu.sem_alloc : memref<!tpu.dma_semaphore, #tpu.memory_space<semaphore_mem>>
        %dma_start3A_242 = arith.constant 0 : i32
        %dma_start3A_243 = tpu.memref_slice %arg10[%add3A_215, %dma_start3A_242] : memref<125x80xi32, #tpu.memory_space<vmem>> -> memref<1x80xi32, #tpu.memory_space<vmem>>
        %dma_start3A_244 = tpu.memref_squeeze %dma_start3A_243 : memref<1x80xi32, #tpu.memory_space<vmem>> -> memref<80xi32, #tpu.memory_space<vmem>>
        %dma_start3A_245 = arith.constant 0 : i32
        %dma_start3A_246 = arith.constant 0 : i32
        %dma_start3A_247 = tpu.memref_slice %arg8[%dma_start3A_245, %dma_start3A_246] : memref<10000x128xf32, #tpu.memory_space<vmem_shared>> -> memref<10000x128xf32, #tpu.memory_space<vmem_shared>>
        tpu.enqueue_indirect_dma source(%arg12 : memref<80x128xf32, #tpu.memory_space<vmem>>) target(%dma_start3A_247 : memref<10000x128xf32, #tpu.memory_space<vmem_shared>>) offsets(%dma_start3A_244 : memref<80xi32, #tpu.memory_space<vmem>>) semaphore(%run_scoped3A_241 : memref<!tpu.dma_semaphore, #tpu.memory_space<semaphore_mem>>) {add = true}
        %dma_wait3A_248 = arith.constant 0 : i32
        %dma_wait3A_249 = tpu.memref_slice %arg10[%add3A_215, %dma_wait3A_248] : memref<125x80xi32, #tpu.memory_space<vmem>> -> memref<1x80xi32, #tpu.memory_space<vmem>>
        %dma_wait3A_250 = tpu.memref_squeeze %dma_wait3A_249 : memref<1x80xi32, #tpu.memory_space<vmem>> -> memref<80xi32, #tpu.memory_space<vmem>>
        %dma_wait3A_251 = arith.constant 0 : i32
        %dma_wait3A_252 = arith.constant 0 : i32
        %dma_wait3A_253 = tpu.memref_slice %arg8[%dma_wait3A_251, %dma_wait3A_252] : memref<10000x128xf32, #tpu.memory_space<vmem_shared>> -> memref<10000x128xf32, #tpu.memory_space<vmem_shared>>
        tpu.wait_indirect_dma semaphore(%run_scoped3A_241 : memref<!tpu.dma_semaphore, #tpu.memory_space<semaphore_mem>>) src(%arg12 : memref<80x128xf32, #tpu.memory_space<vmem>>) dst(%dma_wait3A_253 : memref<10000x128xf32, #tpu.memory_space<vmem_shared>>)
        tpu.yield
      }) : () -> ()
      %add3A_223 = arith.constant 4 : i32
      %add3A_224 = arith.addi %mul3A_190, %add3A_223 : i32
      %dma_start3A_225 = arith.constant 0 : i32
      %dma_start3A_226 = tpu.memref_slice %arg10[%add3A_224, %dma_start3A_225] : memref<125x80xi32, #tpu.memory_space<vmem>> -> memref<1x80xi32, #tpu.memory_space<vmem>>
      %dma_start3A_227 = tpu.memref_squeeze %dma_start3A_226 : memref<1x80xi32, #tpu.memory_space<vmem>> -> memref<80xi32, #tpu.memory_space<vmem>>
      %dma_start3A_228 = arith.constant 0 : i32
      %dma_start3A_229 = arith.constant 0 : i32
      %dma_start3A_230 = tpu.memref_slice %arg4[%dma_start3A_228, %dma_start3A_229] : memref<10000x128xf32, #tpu.memory_space<hbm>> -> memref<10000x128xf32, #tpu.memory_space<hbm>>
      tpu.enqueue_indirect_dma source(%dma_start3A_230 : memref<10000x128xf32, #tpu.memory_space<hbm>>) target(%arg12 : memref<80x128xf32, #tpu.memory_space<vmem>>) offsets(%dma_start3A_227 : memref<80xi32, #tpu.memory_space<vmem>>) semaphore(%arg15 : memref<!tpu.dma_semaphore, #tpu.memory_space<semaphore_mem>>)
      %add3A_231 = arith.constant 2 : i32
      %add3A_232 = arith.addi %mul3A_190, %add3A_231 : i32
      %dma_wait3A_233 = arith.constant 0 : i32
      %dma_wait3A_234 = arith.constant 0 : i32
      %dma_wait3A_235 = tpu.memref_slice %arg10[%dma_wait3A_233, %dma_wait3A_234] : memref<125x80xi32, #tpu.memory_space<vmem>> -> memref<1x80xi32, #tpu.memory_space<vmem>>
      %dma_wait3A_236 = tpu.memref_squeeze %dma_wait3A_235 : memref<1x80xi32, #tpu.memory_space<vmem>> -> memref<80xi32, #tpu.memory_space<vmem>>
      %dma_wait3A_237 = arith.constant 0 : i32
      %dma_wait3A_238 = arith.constant 0 : i32
      %dma_wait3A_239 = tpu.memref_slice %arg4[%dma_wait3A_237, %dma_wait3A_238] : memref<10000x128xf32, #tpu.memory_space<hbm>> -> memref<10000x128xf32, #tpu.memory_space<hbm>>
      tpu.wait_indirect_dma semaphore(%arg16 : memref<!tpu.dma_semaphore, #tpu.memory_space<semaphore_mem>>) src(%dma_wait3A_239 : memref<10000x128xf32, #tpu.memory_space<hbm>>) dst(%arg13 : memref<80x128xf32, #tpu.memory_space<vmem>>)
      "tpu.region"() ({
        %run_scoped3A_241 = tpu.sem_alloc : memref<!tpu.dma_semaphore, #tpu.memory_space<semaphore_mem>>
        %dma_start3A_242 = arith.constant 0 : i32
        %dma_start3A_243 = tpu.memref_slice %arg10[%add3A_232, %dma_start3A_242] : memref<125x80xi32, #tpu.memory_space<vmem>> -> memref<1x80xi32, #tpu.memory_space<vmem>>
        %dma_start3A_244 = tpu.memref_squeeze %dma_start3A_243 : memref<1x80xi32, #tpu.memory_space<vmem>> -> memref<80xi32, #tpu.memory_space<vmem>>
        %dma_start3A_245 = arith.constant 0 : i32
        %dma_start3A_246 = arith.constant 0 : i32
        %dma_start3A_247 = tpu.memref_slice %arg8[%dma_start3A_245, %dma_start3A_246] : memref<10000x128xf32, #tpu.memory_space<vmem_shared>> -> memref<10000x128xf32, #tpu.memory_space<vmem_shared>>
        tpu.enqueue_indirect_dma source(%arg13 : memref<80x128xf32, #tpu.memory_space<vmem>>) target(%dma_start3A_247 : memref<10000x128xf32, #tpu.memory_space<vmem_shared>>) offsets(%dma_start3A_244 : memref<80xi32, #tpu.memory_space<vmem>>) semaphore(%run_scoped3A_241 : memref<!tpu.dma_semaphore, #tpu.memory_space<semaphore_mem>>) {add = true}
        %dma_wait3A_248 = arith.constant 0 : i32
        %dma_wait3A_249 = tpu.memref_slice %arg10[%add3A_232, %dma_wait3A_248] : memref<125x80xi32, #tpu.memory_space<vmem>> -> memref<1x80xi32, #tpu.memory_space<vmem>>
        %dma_wait3A_250 = tpu.memref_squeeze %dma_wait3A_249 : memref<1x80xi32, #tpu.memory_space<vmem>> -> memref<80xi32, #tpu.memory_space<vmem>>
        %dma_wait3A_251 = arith.constant 0 : i32
        %dma_wait3A_252 = arith.constant 0 : i32
        %dma_wait3A_253 = tpu.memref_slice %arg8[%dma_wait3A_251, %dma_wait3A_252] : memref<10000x128xf32, #tpu.memory_space<vmem_shared>> -> memref<10000x128xf32, #tpu.memory_space<vmem_shared>>
        tpu.wait_indirect_dma semaphore(%run_scoped3A_241 : memref<!tpu.dma_semaphore, #tpu.memory_space<semaphore_mem>>) src(%arg13 : memref<80x128xf32, #tpu.memory_space<vmem>>) dst(%dma_wait3A_253 : memref<10000x128xf32, #tpu.memory_space<vmem_shared>>)
        tpu.yield
      }) : () -> ()
      %scan3A_240 = arith.constant 0 : i32
      scf.yield %scan3A_240 : i32
    }
    %scan3A_162 = arith.constant 41 : i32
    %dma_wait3A_163 = arith.constant 0 : i32
    %dma_wait3A_164 = arith.constant 0 : i32
    %dma_wait3A_165 = tpu.memref_slice %arg10[%dma_wait3A_163, %dma_wait3A_164] : memref<125x80xi32, #tpu.memory_space<vmem>> -> memref<1x80xi32, #tpu.memory_space<vmem>>
    %dma_wait3A_166 = tpu.memref_squeeze %dma_wait3A_165 : memref<1x80xi32, #tpu.memory_space<vmem>> -> memref<80xi32, #tpu.memory_space<vmem>>
    %dma_wait3A_167 = arith.constant 0 : i32
    %dma_wait3A_168 = arith.constant 0 : i32
    %dma_wait3A_169 = tpu.memref_slice %arg4[%dma_wait3A_167, %dma_wait3A_168] : memref<10000x128xf32, #tpu.memory_space<hbm>> -> memref<10000x128xf32, #tpu.memory_space<hbm>>
    tpu.wait_indirect_dma semaphore(%arg14 : memref<!tpu.dma_semaphore, #tpu.memory_space<semaphore_mem>>) src(%dma_wait3A_169 : memref<10000x128xf32, #tpu.memory_space<hbm>>) dst(%arg11 : memref<80x128xf32, #tpu.memory_space<vmem>>)
    %run_scoped3A_170 = arith.constant 123 : i32
    "tpu.region"() ({
      %run_scoped3A_187 = tpu.sem_alloc : memref<!tpu.dma_semaphore, #tpu.memory_space<semaphore_mem>>
      %dma_start3A_188 = arith.constant 0 : i32
      %dma_start3A_189 = tpu.memref_slice %arg10[%run_scoped3A_170, %dma_start3A_188] : memref<125x80xi32, #tpu.memory_space<vmem>> -> memref<1x80xi32, #tpu.memory_space<vmem>>
      %dma_start3A_190 = tpu.memref_squeeze %dma_start3A_189 : memref<1x80xi32, #tpu.memory_space<vmem>> -> memref<80xi32, #tpu.memory_space<vmem>>
      %dma_start3A_191 = arith.constant 0 : i32
      %dma_start3A_192 = arith.constant 0 : i32
      %dma_start3A_193 = tpu.memref_slice %arg8[%dma_start3A_191, %dma_start3A_192] : memref<10000x128xf32, #tpu.memory_space<vmem_shared>> -> memref<10000x128xf32, #tpu.memory_space<vmem_shared>>
      tpu.enqueue_indirect_dma source(%arg11 : memref<80x128xf32, #tpu.memory_space<vmem>>) target(%dma_start3A_193 : memref<10000x128xf32, #tpu.memory_space<vmem_shared>>) offsets(%dma_start3A_190 : memref<80xi32, #tpu.memory_space<vmem>>) semaphore(%run_scoped3A_187 : memref<!tpu.dma_semaphore, #tpu.memory_space<semaphore_mem>>) {add = true}
      %dma_wait3A_194 = arith.constant 0 : i32
      %dma_wait3A_195 = tpu.memref_slice %arg10[%run_scoped3A_170, %dma_wait3A_194] : memref<125x80xi32, #tpu.memory_space<vmem>> -> memref<1x80xi32, #tpu.memory_space<vmem>>
      %dma_wait3A_196 = tpu.memref_squeeze %dma_wait3A_195 : memref<1x80xi32, #tpu.memory_space<vmem>> -> memref<80xi32, #tpu.memory_space<vmem>>
      %dma_wait3A_197 = arith.constant 0 : i32
      %dma_wait3A_198 = arith.constant 0 : i32
      %dma_wait3A_199 = tpu.memref_slice %arg8[%dma_wait3A_197, %dma_wait3A_198] : memref<10000x128xf32, #tpu.memory_space<vmem_shared>> -> memref<10000x128xf32, #tpu.memory_space<vmem_shared>>
      tpu.wait_indirect_dma semaphore(%run_scoped3A_187 : memref<!tpu.dma_semaphore, #tpu.memory_space<semaphore_mem>>) src(%arg11 : memref<80x128xf32, #tpu.memory_space<vmem>>) dst(%dma_wait3A_199 : memref<10000x128xf32, #tpu.memory_space<vmem_shared>>)
      tpu.yield
    }) : () -> ()
    %dma_wait3A_171 = arith.constant 0 : i32
    %dma_wait3A_172 = arith.constant 0 : i32
    %dma_wait3A_173 = tpu.memref_slice %arg10[%dma_wait3A_171, %dma_wait3A_172] : memref<125x80xi32, #tpu.memory_space<vmem>> -> memref<1x80xi32, #tpu.memory_space<vmem>>
    %dma_wait3A_174 = tpu.memref_squeeze %dma_wait3A_173 : memref<1x80xi32, #tpu.memory_space<vmem>> -> memref<80xi32, #tpu.memory_space<vmem>>
    %dma_wait3A_175 = arith.constant 0 : i32
    %dma_wait3A_176 = arith.constant 0 : i32
    %dma_wait3A_177 = tpu.memref_slice %arg4[%dma_wait3A_175, %dma_wait3A_176] : memref<10000x128xf32, #tpu.memory_space<hbm>> -> memref<10000x128xf32, #tpu.memory_space<hbm>>
    tpu.wait_indirect_dma semaphore(%arg15 : memref<!tpu.dma_semaphore, #tpu.memory_space<semaphore_mem>>) src(%dma_wait3A_177 : memref<10000x128xf32, #tpu.memory_space<hbm>>) dst(%arg12 : memref<80x128xf32, #tpu.memory_space<vmem>>)
    %run_scoped3A_178 = arith.constant 124 : i32
    "tpu.region"() ({
      %run_scoped3A_187 = tpu.sem_alloc : memref<!tpu.dma_semaphore, #tpu.memory_space<semaphore_mem>>
      %dma_start3A_188 = arith.constant 0 : i32
      %dma_start3A_189 = tpu.memref_slice %arg10[%run_scoped3A_178, %dma_start3A_188] : memref<125x80xi32, #tpu.memory_space<vmem>> -> memref<1x80xi32, #tpu.memory_space<vmem>>
      %dma_start3A_190 = tpu.memref_squeeze %dma_start3A_189 : memref<1x80xi32, #tpu.memory_space<vmem>> -> memref<80xi32, #tpu.memory_space<vmem>>
      %dma_start3A_191 = arith.constant 0 : i32
      %dma_start3A_192 = arith.constant 0 : i32
      %dma_start3A_193 = tpu.memref_slice %arg8[%dma_start3A_191, %dma_start3A_192] : memref<10000x128xf32, #tpu.memory_space<vmem_shared>> -> memref<10000x128xf32, #tpu.memory_space<vmem_shared>>
      tpu.enqueue_indirect_dma source(%arg12 : memref<80x128xf32, #tpu.memory_space<vmem>>) target(%dma_start3A_193 : memref<10000x128xf32, #tpu.memory_space<vmem_shared>>) offsets(%dma_start3A_190 : memref<80xi32, #tpu.memory_space<vmem>>) semaphore(%run_scoped3A_187 : memref<!tpu.dma_semaphore, #tpu.memory_space<semaphore_mem>>) {add = true}
      %dma_wait3A_194 = arith.constant 0 : i32
      %dma_wait3A_195 = tpu.memref_slice %arg10[%run_scoped3A_178, %dma_wait3A_194] : memref<125x80xi32, #tpu.memory_space<vmem>> -> memref<1x80xi32, #tpu.memory_space<vmem>>
      %dma_wait3A_196 = tpu.memref_squeeze %dma_wait3A_195 : memref<1x80xi32, #tpu.memory_space<vmem>> -> memref<80xi32, #tpu.memory_space<vmem>>
      %dma_wait3A_197 = arith.constant 0 : i32
      %dma_wait3A_198 = arith.constant 0 : i32
      %dma_wait3A_199 = tpu.memref_slice %arg8[%dma_wait3A_197, %dma_wait3A_198] : memref<10000x128xf32, #tpu.memory_space<vmem_shared>> -> memref<10000x128xf32, #tpu.memory_space<vmem_shared>>
      tpu.wait_indirect_dma semaphore(%run_scoped3A_187 : memref<!tpu.dma_semaphore, #tpu.memory_space<semaphore_mem>>) src(%arg12 : memref<80x128xf32, #tpu.memory_space<vmem>>) dst(%dma_wait3A_199 : memref<10000x128xf32, #tpu.memory_space<vmem_shared>>)
      tpu.yield
    }) : () -> ()
    %barrier3A_179 = arith.constant 0 : index
    tpu.barrier barrier_id(%barrier3A_179)
    %scan3A_180 = arith.constant 0 : i32
    %scan3A_181 = arith.constant 0 : i32
    %scan3A_182 = arith.constant 8 : i32
    %scan3A_183 = arith.addi %scan3A_181, %scan3A_182 : i32
    %scan3A_184 = arith.constant 1 : i32
    %scan3A_185 = scf.for %scan3A_187 = %scan3A_181 to %scan3A_183 step %scan3A_184 iter_args(%scan3A_188 = %scan3A_180) -> (i32)  : i32 {
      %mul3A_189 = arith.constant 16 : i32
      %mul3A_190 = arith.muli %scan3A_187, %mul3A_189 : i32
      %add3A_191 = arith.addi %arg1, %mul3A_190 : i32
      %lt3A = arith.constant 125 : i32
      %lt3A_192 = arith.cmpi slt, %add3A_191, %lt3A : i32
      %convert_element_type3A = arith.extui %lt3A_192 : i1 to i32
      %cond3A = arith.constant 0 : i32
      %cond3A_193 = arith.cmpi ne, %convert_element_type3A, %cond3A : i32
      scf.if %cond3A_193 {
        %mul3A_195 = arith.constant 80 : i32
        %mul3A_196 = arith.muli %add3A_191, %mul3A_195 : i32
        %mul3A_197 = arith.constant 10000 : i32
        %mul3A_198 = arith.muli %arg0, %mul3A_197 : i32
        %mul3A_199 = arith.constant 80 : i32
        %mul3A_200 = arith.muli %add3A_191, %mul3A_199 : i32
        %add3A_201 = arith.addi %mul3A_198, %mul3A_200 : i32
        "tpu.region"() ({
          %run_scoped3A_202 = tpu.sem_alloc : memref<!tpu.dma_semaphore, #tpu.memory_space<semaphore_mem>>
          %dma_start3A_203 = arith.constant 0 : i32
          %dma_start3A_204 = tpu.memref_slice %arg7[%add3A_201, %dma_start3A_203] : memref<20000x128xf32, #tpu.memory_space<hbm>> -> memref<80x128xf32, #tpu.memory_space<hbm>>
          %dma_start3A_205 = arith.constant 0 : i32
          %dma_start3A_206 = tpu.memref_slice %arg8[%mul3A_196, %dma_start3A_205] : memref<10000x128xf32, #tpu.memory_space<vmem_shared>> -> memref<80x128xf32, #tpu.memory_space<vmem_shared>>
          tpu.enqueue_dma source(%dma_start3A_206 : memref<80x128xf32, #tpu.memory_space<vmem_shared>>) target(%dma_start3A_204 : memref<80x128xf32, #tpu.memory_space<hbm>>) target_semaphore(%run_scoped3A_202 : memref<!tpu.dma_semaphore, #tpu.memory_space<semaphore_mem>>)
          %dma_wait3A_207 = arith.constant 0 : i32
          %dma_wait3A_208 = tpu.memref_slice %arg7[%add3A_201, %dma_wait3A_207] : memref<20000x128xf32, #tpu.memory_space<hbm>> -> memref<80x128xf32, #tpu.memory_space<hbm>>
          %dma_wait3A_209 = arith.constant 0 : i32
          %dma_wait3A_210 = tpu.memref_slice %arg8[%mul3A_196, %dma_wait3A_209] : memref<10000x128xf32, #tpu.memory_space<vmem_shared>> -> memref<80x128xf32, #tpu.memory_space<vmem_shared>>
          tpu.wait_dma2 semaphore(%run_scoped3A_202 : memref<!tpu.dma_semaphore, #tpu.memory_space<semaphore_mem>>) src(%dma_wait3A_210 : memref<80x128xf32, #tpu.memory_space<vmem_shared>>) dst(%dma_wait3A_208 : memref<80x128xf32, #tpu.memory_space<hbm>>)
          tpu.yield
        }) : () -> ()
      } else {
      }
      %scan3A_194 = arith.constant 0 : i32
      scf.yield %scan3A_194 : i32
    }
    %scan3A_186 = arith.constant 8 : i32
    return
  }
}

module attributes {stable_mosaic.version = 14 : i64} {
  func.func @body(%arg0: memref<10000x128xf32, #tpu.memory_space<vmem>>, %arg1: memref<20000x128xf32, #tpu.memory_space<vmem>>, %arg2: memref<20000x128xf32, #tpu.memory_space<vmem>>, %arg3: memref<384x128xf32, #tpu.memory_space<vmem>>, %arg4: memref<256x128xf32, #tpu.memory_space<vmem>>, %arg5: memref<1x128xf32, #tpu.memory_space<vmem>>, %arg6: memref<10000x128xf32, #tpu.memory_space<vmem>>) attributes {dimension_semantics = [], scalar_prefetch = 0 : i64, scratch_operands = 0 : i64, tpu.core_type = #tpu.core_type<tc>} {
    %get3A = arith.constant 0 : index
    %get3A_0 = arith.constant 0 : index
    %get3A_1 = vector.load %arg4[%get3A, %get3A_0] : memref<256x128xf32, #tpu.memory_space<vmem>>, vector<128x128xf32>
    %get3A_2 = arith.constant 128 : index
    %get3A_3 = arith.constant 0 : index
    %get3A_4 = vector.load %arg4[%get3A_2, %get3A_3] : memref<256x128xf32, #tpu.memory_space<vmem>>, vector<128x128xf32>
    %get3A_5 = arith.constant 256 : index
    %get3A_6 = arith.constant 0 : index
    %get3A_7 = vector.load %arg3[%get3A_5, %get3A_6] : memref<384x128xf32, #tpu.memory_space<vmem>>, vector<128x128xf32>
    %dot_general3A = arith.constant dense<0.000000e+00> : vector<128x128xf32>
    %dot_general3A_8 = tpu.matmul %get3A_7, %get3A_4, %dot_general3A {dimension_numbers = #tpu.dot_dimension_numbers<[1], [0], [0], [1], [0, 0, 1, 1], [], []>, transpose_lhs_hint = false} : vector<128x128xf32>, vector<128x128xf32>, vector<128x128xf32> -> vector<128x128xf32>
    %get3A_9 = arith.constant 0 : index
    %get3A_10 = arith.constant 0 : index
    %get3A_11 = vector.load %arg1[%get3A_9, %get3A_10] : memref<20000x128xf32, #tpu.memory_space<vmem>>, vector<10000x128xf32>
    %get3A_12 = arith.constant 10000 : index
    %get3A_13 = arith.constant 0 : index
    %get3A_14 = vector.load %arg1[%get3A_12, %get3A_13] : memref<20000x128xf32, #tpu.memory_space<vmem>>, vector<10000x128xf32>
    %add3A = arith.addf %get3A_11, %get3A_14 : vector<10000x128xf32>
    %get3A_15 = arith.constant 0 : index
    %get3A_16 = arith.constant 0 : index
    %get3A_17 = vector.load %arg2[%get3A_15, %get3A_16] : memref<20000x128xf32, #tpu.memory_space<vmem>>, vector<10000x128xf32>
    %get3A_18 = arith.constant 10000 : index
    %get3A_19 = arith.constant 0 : index
    %get3A_20 = vector.load %arg2[%get3A_18, %get3A_19] : memref<20000x128xf32, #tpu.memory_space<vmem>>, vector<10000x128xf32>
    %add3A_21 = arith.addf %get3A_17, %get3A_20 : vector<10000x128xf32>
    %get3A_22 = arith.constant 0 : index
    %get3A_23 = arith.constant 0 : index
    %get3A_24 = vector.load %arg0[%get3A_22, %get3A_23] : memref<10000x128xf32, #tpu.memory_space<vmem>>, vector<10000x128xf32>
    %dot_general3A_25 = arith.constant dense<0.000000e+00> : vector<10000x128xf32>
    %dot_general3A_26 = tpu.matmul %get3A_24, %get3A_1, %dot_general3A_25 {dimension_numbers = #tpu.dot_dimension_numbers<[1], [0], [0], [1], [0, 0, 1, 1], [], []>, transpose_lhs_hint = false} : vector<10000x128xf32>, vector<128x128xf32>, vector<10000x128xf32> -> vector<10000x128xf32>
    %add3A_27 = arith.addf %dot_general3A_26, %add3A_21 : vector<10000x128xf32>
    %dot_general3A_28 = arith.constant dense<0.000000e+00> : vector<10000x128xf32>
    %dot_general3A_29 = tpu.matmul %add3A, %dot_general3A_8, %dot_general3A_28 {dimension_numbers = #tpu.dot_dimension_numbers<[1], [0], [0], [1], [0, 0, 1, 1], [], []>, transpose_lhs_hint = false} : vector<10000x128xf32>, vector<128x128xf32>, vector<10000x128xf32> -> vector<10000x128xf32>
    %add3A_30 = arith.addf %add3A_27, %dot_general3A_29 : vector<10000x128xf32>
    %get3A_31 = arith.constant 0 : index
    %get3A_32 = arith.constant 0 : index
    %get3A_33 = vector.load %arg5[%get3A_31, %get3A_32] : memref<1x128xf32, #tpu.memory_space<vmem>>, vector<1x128xf32>
    %add3A_34 = vector.broadcast %get3A_33 : vector<1x128xf32> to vector<10000x128xf32>
    %add3A_35 = arith.addf %add3A_30, %add3A_34 : vector<10000x128xf32>
    %swap3A = arith.constant 0 : index
    %swap3A_36 = arith.constant 0 : index
    %swap3A_37 = vector.load %arg6[%swap3A, %swap3A_36] : memref<10000x128xf32, #tpu.memory_space<vmem>>, vector<10000x128xf32>
    tpu.vector_store %arg6[%swap3A, %swap3A_36], %add3A_35 {strides = array<i32>} : memref<10000x128xf32, #tpu.memory_space<vmem>>, vector<10000x128xf32>,
    return
  }
}

module attributes {stable_mosaic.version = 14 : i64} {
  func.func @body(%arg0: memref<10000x128xf32, #tpu.memory_space<vmem>>, %arg1: memref<384x128xf32, #tpu.memory_space<vmem>>, %arg2: memref<1x128xf32, #tpu.memory_space<vmem>>, %arg3: memref<256x128xf32, #tpu.memory_space<vmem>>, %arg4: memref<10000x128xf32, #tpu.memory_space<vmem>>, %arg5: memref<10000x128xf32, #tpu.memory_space<vmem>>) attributes {dimension_semantics = [], scalar_prefetch = 0 : i64, scratch_operands = 0 : i64, tpu.core_type = #tpu.core_type<tc>} {
    %get3A = arith.constant 128 : index
    %get3A_0 = arith.constant 0 : index
    %get3A_1 = vector.load %arg3[%get3A, %get3A_0] : memref<256x128xf32, #tpu.memory_space<vmem>>, vector<128x128xf32>
    %get3A_2 = arith.constant 0 : index
    %get3A_3 = arith.constant 0 : index
    %get3A_4 = vector.load %arg1[%get3A_2, %get3A_3] : memref<384x128xf32, #tpu.memory_space<vmem>>, vector<128x128xf32>
    %dot_general3A = arith.constant dense<0.000000e+00> : vector<128x128xf32>
    %dot_general3A_5 = tpu.matmul %get3A_4, %get3A_1, %dot_general3A {dimension_numbers = #tpu.dot_dimension_numbers<[1], [0], [0], [1], [0, 0, 1, 1], [], []>, transpose_lhs_hint = false} : vector<128x128xf32>, vector<128x128xf32>, vector<128x128xf32> -> vector<128x128xf32>
    %get3A_6 = arith.constant 128 : index
    %get3A_7 = arith.constant 0 : index
    %get3A_8 = vector.load %arg1[%get3A_6, %get3A_7] : memref<384x128xf32, #tpu.memory_space<vmem>>, vector<128x128xf32>
    %dot_general3A_9 = arith.constant dense<0.000000e+00> : vector<128x128xf32>
    %dot_general3A_10 = tpu.matmul %get3A_8, %get3A_1, %dot_general3A_9 {dimension_numbers = #tpu.dot_dimension_numbers<[1], [0], [0], [1], [0, 0, 1, 1], [], []>, transpose_lhs_hint = false} : vector<128x128xf32>, vector<128x128xf32>, vector<128x128xf32> -> vector<128x128xf32>
    %get3A_11 = arith.constant 0 : index
    %get3A_12 = arith.constant 0 : index
    %get3A_13 = vector.load %arg2[%get3A_11, %get3A_12] : memref<1x128xf32, #tpu.memory_space<vmem>>, vector<1x128xf32>
    %dot_general3A_14 = arith.constant dense<0.000000e+00> : vector<1x128xf32>
    %dot_general3A_15 = tpu.matmul %get3A_13, %get3A_1, %dot_general3A_14 {dimension_numbers = #tpu.dot_dimension_numbers<[1], [0], [0], [1], [0, 0, 1, 1], [], []>, transpose_lhs_hint = false} : vector<1x128xf32>, vector<128x128xf32>, vector<1x128xf32> -> vector<1x128xf32>
    %get3A_16 = arith.constant 0 : index
    %get3A_17 = arith.constant 0 : index
    %get3A_18 = vector.load %arg0[%get3A_16, %get3A_17] : memref<10000x128xf32, #tpu.memory_space<vmem>>, vector<10000x128xf32>
    %dot_general3A_19 = arith.constant dense<0.000000e+00> : vector<10000x128xf32>
    %dot_general3A_20 = tpu.matmul %get3A_18, %dot_general3A_5, %dot_general3A_19 {dimension_numbers = #tpu.dot_dimension_numbers<[1], [0], [0], [1], [0, 0, 1, 1], [], []>, transpose_lhs_hint = false} : vector<10000x128xf32>, vector<128x128xf32>, vector<10000x128xf32> -> vector<10000x128xf32>
    %swap3A = arith.constant 0 : index
    %swap3A_21 = arith.constant 0 : index
    %swap3A_22 = vector.load %arg4[%swap3A, %swap3A_21] : memref<10000x128xf32, #tpu.memory_space<vmem>>, vector<10000x128xf32>
    tpu.vector_store %arg4[%swap3A, %swap3A_21], %dot_general3A_20 {strides = array<i32>} : memref<10000x128xf32, #tpu.memory_space<vmem>>, vector<10000x128xf32>,
    %dot_general3A_23 = arith.constant dense<0.000000e+00> : vector<10000x128xf32>
    %dot_general3A_24 = tpu.matmul %get3A_18, %dot_general3A_10, %dot_general3A_23 {dimension_numbers = #tpu.dot_dimension_numbers<[1], [0], [0], [1], [0, 0, 1, 1], [], []>, transpose_lhs_hint = false} : vector<10000x128xf32>, vector<128x128xf32>, vector<10000x128xf32> -> vector<10000x128xf32>
    %add3A = vector.broadcast %dot_general3A_15 : vector<1x128xf32> to vector<10000x128xf32>
    %add3A_25 = arith.addf %dot_general3A_24, %add3A : vector<10000x128xf32>
    %swap3A_26 = arith.constant 0 : index
    %swap3A_27 = arith.constant 0 : index
    %swap3A_28 = vector.load %arg5[%swap3A_26, %swap3A_27] : memref<10000x128xf32, #tpu.memory_space<vmem>>, vector<10000x128xf32>
    tpu.vector_store %arg5[%swap3A_26, %swap3A_27], %add3A_25 {strides = array<i32>} : memref<10000x128xf32, #tpu.memory_space<vmem>>, vector<10000x128xf32>,
    return
  }
}

</mosaic_0001>

<sc_bundles>
// kernel: kernel.5.cloned.1.call-start
scs
__scs_entry_jumppad:
0x0: {  	(pc) =	sbr.rel $0x88, $3  }
0x1: {  	(tag) =	ssettag $0x0;
	lr =	simm.s32 $0x1  }
0x2: {  	[smem:$0x3F9A] =	sst lr;
	_ =	strace $0xD0000000  }
0x3: {  	_ = 	snop  }
0x4: {  	_ = 	snop  }
0x5: {  	_ = 	snop  }
0x6: {  	_ = 	snop  }
0x7: {  	_ = 	snop  }
__scs_overlays_trampoline_lowered:
0x8: {  	[smem:$0x3FA9] =	sst s0  }
0x9: {  	[smem:$0x3FAA] =	sst s1  }
0xa: {  	[smem:$0x3FAB] =	sst s2  }
0xb: {  	[smem:$0x3FAC] =	sst s3  }
0xc: {  	[smem:$0x3FAD] =	sst s4  }
0xd: {  	[smem:$0x3FAE] =	sst s5  }
0xe: {  	[smem:$0x3FAF] =	sst s6  }
0xf: {  	[smem:$0x3FB0] =	sst s7  }
0x10: {  	[smem:$0x3FB1] =	sst s8  }
0x11: {  	[smem:$0x3FB2] =	sst s9;
	s0 =	simm.s32 @!p0 $0x0  }
0x12: {  	s1 =	sld [smem:$0x3F98];
	s0 =	simm.s32 @p0 $0x1  }
0x13: {  	[smem:$0x3FB3] =	sst s0;
	s0 =	simm.s32 @!p1 $0x0  }
0x14: {  	s2 =	sld [smem:$0x3F97];
	s0 =	simm.s32 @p1 $0x1  }
0x15: {  	[smem:$0x3FB4] =	sst s0;
	s0 =	simm.s32 @!p2 $0x0  }
0x16: {  	s3 =	sld [smem:$0x3FDB];
	s0 =	simm.s32 @p2 $0x1  }
0x17: {  	s4 =	simm.s32 $0x1BF5;
	[smem:$0x3FB6] =	sst s0  }
0x18: {  	s0 =	sld [smem:$0x3F99];
	_ =	swait.ge [sflag:s4], $0x0  }
0x19: {  	s7 =	sld [smem:$0x3F9A]  }
0x1a: {  	s8 =	sadd.s32 $0xFFFFE003, lr  }
0x1b: {  	s9 =	sadd.s32 $0xFFFFFEF7, lr;
	s5 =	simm.s32 $0xFFFFFFFF;
	p2 =	slt.u32 s8, $0xFFFFF086  }
0x1c: {  	p1 =	slt.u32 s9, $0xF7A;
	s5 =	simm.s32 @!p2 $0x0  }
0x1d: {  	s5 =	simm.s32 @p1 $0x1;
	p0 =	seq.s32 s7, s2  }
0x1e: {  	s7 =	smul.u32 @!p0 $0xF7A, s2;
	p2 =	seq.s32 @!p0 s5, $0x0  }
0x1f: {  	s9 =	smul.u32 $0xF7A, s1;
	s8 =	simm.s32 @!p0 $0x1BF5;
	p2 =	por !p2, p0  }
0x20: {  	[sflag:s8] =	ssyncset.s32 @!p0 $0xFFFFF086;
	s6 =	sadd.s32 @!p0 s3, s7;
	s7 =	simm.s32 @!p0 $0x108  }
0x21: {  	s3 =	sadd.s32 s3, s9;
	s6 =	sadd.s32 @!p0 $0x88, s6;
	s7 =	simm.s32 @p2 $0x1082  }
0x22: {  	[simem:s7], [sflag:s8] =	dma.local @!p0 [hbm:s6], $0xF7A  }
0x23: {  	s9 =	sor.u32 $0xD0000000, s2;
	s6 =	simm.s32 $0x108;
	_ =	swait.ge @!p0 [sflag:s8], $0x0  }
0x24: {  	s3 =	sadd.s32 $0x88, s3;
	s6 =	simm.s32 @!p1 $0x1082;
	[sflag:s4] =	ssyncset.s32 $0xFFFFF086  }
0x25: {  	[simem:s6], [sflag:s4] =	dma.local [hbm:s3], $0xF7A  }
0x26: {  	[smem:$0x3F9A] =	sst s1;
	(tag) =	ssettag s2;
	_ =	strace s9  }
0x27: {  	s1 =	sld [smem:$0x3FAA]  }
0x28: {  	s2 =	sld [smem:$0x3FAB]  }
0x29: {  	s4 =	sld [smem:$0x3FAD]  }
0x2a: {  	p0 =	seq.s32 s5, $0x0;
	s5 =	sld [smem:$0x3FAE]  }
0x2b: {  	s6 =	sld [smem:$0x3FAF]  }
0x2c: {  	s7 =	sld [smem:$0x3FB0]  }
0x2d: {  	s3 =	simm.s32 $0x108;
	s8 =	sld [smem:$0x3FB1]  }
0x2e: {  	s3 =	simm.s32 @!p0 $0x1082;
	s9 =	sld [smem:$0x3FB2]  }
0x2f: {  	lr =	sadd.s32 s0, s3;
	s0 =	sld [smem:$0x3FA9]  }
0x30: {  	s3 =	sld [smem:$0x3FAC]  }
0x31: {  	[smem:$0x3FB5] =	sst s10  }
0x32: {  	s10 =	sld [smem:$0x3FB3];
	_ =	sdelay $0x3  }
0x33: {  	p0 =	seq.s32 s10, $0x1;
	s10 =	sld [smem:$0x3FB5];
	_ =	sdelay $0x3  }
0x34: {  	[smem:$0x3FB5] =	sst s10  }
0x35: {  	s10 =	sld [smem:$0x3FB4];
	_ =	sdelay $0x3  }
0x36: {  	p1 =	seq.s32 s10, $0x1;
	s10 =	sld [smem:$0x3FB5];
	_ =	sdelay $0x3  }
0x37: {  	[smem:$0x3FB5] =	sst s10  }
0x38: {  	s10 =	sld [smem:$0x3FB6]  }
0x39: {  	_ = 	snop;
	(pc) =	sbr.ind lr, $3  }
0x3a: {  	_ = 	snop  }
0x3b: {  	_ = 	snop  }
0x3c: {  	p2 =	seq.s32 s10, $0x1;
	s10 =	sld [smem:$0x3FB5]  }
0x3d: {  	_ =	shalt  }
0x3e: {  	_ =	shalt  }
0x3f: {  	_ =	shalt  }
0x40: {  	_ =	shalt  }
0x41: {  	_ =	shalt  }
0x42: {  	_ =	shalt  }
0x43: {  	_ =	shalt  }
0x44: {  	_ =	shalt  }
0x45: {  	_ =	shalt  }
0x46: {  	_ =	shalt  }
0x47: {  	_ =	shalt  }
0x48: {  	_ =	shalt  }
0x49: {  	_ =	shalt  }
0x4a: {  	_ =	shalt  }
0x4b: {  	_ =	shalt  }
0x4c: {  	_ =	shalt  }
0x4d: {  	_ =	shalt  }
0x4e: {  	_ =	shalt  }
0x4f: {  	_ =	shalt  }
0x50: {  	_ =	shalt  }
0x51: {  	_ =	shalt  }
0x52: {  	_ =	shalt  }
0x53: {  	_ =	shalt  }
0x54: {  	_ =	shalt  }
0x55: {  	_ =	shalt  }
0x56: {  	_ =	shalt  }
0x57: {  	_ =	shalt  }
0x58: {  	_ =	shalt  }
0x59: {  	_ =	shalt  }
0x5a: {  	_ =	shalt  }
0x5b: {  	_ =	shalt  }
0x5c: {  	_ =	shalt  }
0x5d: {  	_ =	shalt  }
0x5e: {  	_ =	shalt  }
0x5f: {  	_ =	shalt  }
0x60: {  	_ =	shalt  }
0x61: {  	_ =	shalt  }
0x62: {  	_ =	shalt  }
0x63: {  	_ =	shalt  }
0x64: {  	_ =	shalt  }
0x65: {  	_ =	shalt  }
0x66: {  	_ =	shalt  }
0x67: {  	_ =	shalt  }
0x68: {  	_ =	shalt  }
0x69: {  	_ =	shalt  }
0x6a: {  	_ =	shalt  }
0x6b: {  	_ =	shalt  }
0x6c: {  	_ =	shalt  }
0x6d: {  	_ =	shalt  }
0x6e: {  	_ =	shalt  }
0x6f: {  	_ =	shalt  }
0x70: {  	_ =	shalt  }
0x71: {  	_ =	shalt  }
0x72: {  	_ =	shalt  }
0x73: {  	_ =	shalt  }
0x74: {  	_ =	shalt  }
0x75: {  	_ =	shalt  }
0x76: {  	_ =	shalt  }
0x77: {  	_ =	shalt  }
0x78: {  	_ =	shalt  }
0x79: {  	_ =	shalt  }
0x7a: {  	_ =	shalt  }
0x7b: {  	_ =	shalt  }
0x7c: {  	_ =	shalt  }
0x7d: {  	_ =	shalt  }
0x7e: {  	_ =	shalt  }
0x7f: {  	_ =	shalt  }
0x80: {  	_ =	shalt  }
0x81: {  	_ =	shalt  }
0x82: {  	_ =	shalt  }
0x83: {  	_ =	shalt  }
0x84: {  	_ =	shalt  }
0x85: {  	_ =	shalt  }
0x86: {  	_ =	shalt  }
0x87: {  	_ =	shalt  }
.Lfunc_end0:
.L_simem_size_0:
called_computation_lowered:
.L_overlay_start_0:
0x88: {  	s2 =	sld [smem:$0x3FD9]  }
0x89: {  	s3 =	sld [smem:$0x3FFE];
	_ =	sdelay $0x1  }
0x8a: {  	s1 =	srdreg.scid  }
0x8b: {  	s0 =	sand.u32 $0x1, s1  }
0x8c: {  	s17 =	sshll.u32 s0, $0xA;
	s2 =	sadd.s32 s3, s2  }
0x8d: {  	s2 =	sadd.s32 s2, s17  }
0x8e: {  	[smem:$0x3FC1] =	sst s2  }
0x8f: {  	_ = 	snop  }
0x90: {  	s2 =	sld [smem:$0x3FC7]  }
0x91: {  	s18 =	sld [smem:$0x3FD0];
	(tm) =	ssettm $0x1  }
0x92: {  	s4 =	sld [smem:$0x3FFB];
	_ =	sdelay $0x3  }
0x93: {  	_ =	strace s4  }
0x94: {  	s4 =	sld [smem:$0x3FFC];
	_ =	sdelay $0x3  }
0x95: {  	_ =	strace s4  }
0x96: {  	s4 =	sld [smem:$0x3FFD];
	_ =	sdelay $0x3  }
0x97: {  	_ =	strace s4  }
0x98: {  	_ =	strace $0x8FFFFFFF  }
0x99: {  	s19 =	sld [smem:$0x3FDB];
	_ =	sdelay $0x1  }
0x9a: {  	s5 =	simm.s32 $_scs_section_size  }
0x9b: {  	s6 =	simm.s32 $_size__tile_overlayer_lowered;
	s7 =	simm.s32 $_tile_overlayer_lowered  }
0x9c: {  	s22 =	simm.s32 $0x1BFF;
	s21 =	sshll.u32 s7, $0x1;
	s4 =	sadd.s32 s5, s19  }
0x9d: {  	s8 =	simm.s32 $0x0;
	s20 =	sshll.u32 s6, $0x1;
	s6 =	sadd.s32 s21, s4  }
0x9e: {  	[timem:s8], [sflag:s22] =	dma.local [hbm:s6], s20  }
0x9f: {  	_ =	swait.ge [sflag:s22], s20  }
0xa0: {  	s5 =	ssub.s32 $0x0, s20;
	[sflag:s22] =	ssyncset.done $0x0  }
0xa1: {  	[sflag:s22] =	ssyncadd.s32 s5;
	_ =	sdelay $0x1  }
0xa2: {  	s23 =	simm.s32 $0x1B8B  }
0xa3: {  	_ =	swait.ge [sflag:s23], $0x1  }
0xa4: {  	[sflag:s23] =	ssyncset.done $0x0  }
0xa5: {  	s25 =	simm.s32 $0x1B8E;
	s24 =	sld [smem:$0x3FFE];
	[sflag:s23] =	ssyncadd.s32 $0xFFFFFFFF  }
0xa6: {  	s26 =	simm.s32 $execute0_lowered;
	[smem:$0x3FD2] =	sst s25  }
0xa7: {  	s6 =	sshll.u32 s26, $0x1;
	_ =	strace $0x80000046;
	[dreg:$0x1] =	wrdreg $0xFFFFFFFF  }
0xa8: {  	s28 =	simm.s32 $_size_execute0_lowered;
	s4 =	sadd.s32 s4, s6;
	[dreg:$0x0] =	wrdreg $0x0  }
0xa9: {  	s6 =	sshll.u32 s28, $0x1;
	[dreg:$0x2] =	wrdreg s4  }
0xaa: {  	[dreg:$0x3] =	wrdreg s6  }
0xab: {  	[dreg:$0x4] =	wrdreg $0xC0  }
0xac: {  	_ =	task [dreg:s8], $0x5FFFF  }
0xad: {  	[dreg:$0x1] =	wrdreg $0xFFFFFFFF  }
0xae: {  	[dreg:$0x0] =	wrdreg $0x60  }
0xaf: {  	[dreg:$0x2] =	wrdreg s2  }
0xb0: {  	[dreg:$0x3] =	wrdreg s18  }
0xb1: {  	[dreg:$0x4] =	wrdreg s24  }
0xb2: {  	[dreg:$0x5] =	wrdreg $0x0  }
0xb3: {  	[dreg:$0x6] =	wrdreg $0x9  }
0xb4: {  	_ =	task.clear_ibuf [dreg:s8], $0x7FFFF;
	_ =	strace $0x90000046  }
0xb5: {  	s29 =	simm.s32 $0x9;
	_ =	strace $0x80000048  }
0xb6: {  	_ =	swait.ge [sflag:s29], $0x1  }
0xb7: {  	[sflag:s29] =	ssyncadd.s32 $0xFFFFFFFF  }
0xb8: {  	_ =	strace $0x90000048  }
0xb9: {  	_ =	sfence  }
0xba: {  	s30 =	sld [smem:$0x0];
	_ =	sdelay $0x2  }
0xbb: {  	s31 =	sshll.u32 s1, $0xD;
	s1 =	sshrl.u32 s1, $0x2  }
0xbc: {  	s3 =	sand.u32 $0x4000, s31;
	s1 =	sadd.s32 s1, s30  }
0xbd: {  	s0 =	sor.u32 s3, s0;
	s1 =	sshll.u32 s1, $0x11  }
0xbe: {  	s0 =	sor.u32 s1, s0  }
0xbf: {  	s0 =	sadd.s32 $0x8F2B, s0  }
0xc0: {  	[sflag:s0] =	ssyncadd.remote.s32 $0x1  }
0xc1: {  	_ =	sfence.sel $0xFFFF  }
0xc2: {  	[dreg:$0x0] =	wrdreg $0xFFFFFFFF;
	(pc) =	sbr.abs _section_cstart, $3  }
0xc3: {  	[dreg:$0x1] =	wrdreg $0xFFFFFFFF  }
0xc4: {  	_ =	task.clear_ibuf [dreg:s8], $0x2FFFF;
	_ =	strace $0x9FFFFFFF  }
0xc5: {  	(tm) =	ssettm $0x7FFFFFFF  }
tec
execute0_lowered:
.L_overlay_start_1:
0x0: {  	(tag) =	ssettag $0x1  }
0x1: {  	s13 =	rddreg [dreg:$0x0]  }
0x2: {  	s0 =	rddreg [dreg:$0x1]  }
0x3: {  	s2 =	srdreg.scid;
	s1 =	rddreg [dreg:$0x2]  }
0x4: {  	s3 =	rddreg [dreg:$0x3];
	s26 =	stileid.u32  }
0x5: {  	s4 =	simm.s32 $0x0;
	s11 =	simm.s32 $0x13C00;
	s16 =	simm.s32 $0x13C80  }
0x6: {  	s17 =	simm.s32 $0x13D00;
	s18 =	simm.s32 $0x13E80;
	[smem:$0x7FF] =	sst s4  }
0x7: {  	s19 =	simm.s32 $0x13F00;
	_ =	strace $0x80000047;
	[dreg:$0x7] =	wrdreg s11  }
0x8: {  	s20 =	simm.s32 $0x13F80;
	s21 =	simm.s32 $0x14000;
	[dreg:$0x8] =	wrdreg s16  }
0x9: {  	s22 =	simm.s32 $0x14080;
	s23 =	simm.s32 $0x14100;
	[dreg:$0x9] =	wrdreg s17  }
0xa: {  	s24 =	simm.s32 $0x14180;
	s29 =	simm.s32 $0x13A80;
	[dreg:$0xc] =	wrdreg s18  }
0xb: {  	s6 =	sand.u32 $0x1, s2;
	s12 =	sor.u32 $0x10, s26;
	[dreg:$0xd] =	wrdreg s19  }
0xc: {  	s2 =	sshll.u32 s6, $0x4;
	s7 =	smul.u32 $0x27100, s6;
	[dreg:$0xe] =	wrdreg s20  }
0xd: {  	s25 =	ssub.s32 $0x2, s6;
	s17 =	smul.u32 $0x500, s26;
	[dreg:$0xf] =	wrdreg s21  }
0xe: {  	s11 =	simm.s32 $0x13D80;
	s18 =	smul.u32 $0x500, s12;
	[dreg:$0x10] =	wrdreg s22  }
0xf: {  	s16 =	simm.s32 $0x13E00;
	s21 =	smul.u32 $0x271000, s6;
	[dreg:$0x11] =	wrdreg s23  }
0x10: {  	[dreg:$0x12] =	wrdreg s24;
	s23 =	sor.u32 $0x70, s26;
	s6 =	sshll.u32 s6, $0x12  }
0x11: {  	s5 =	sor.u32 s26, s2;
	s9 =	sshrl.u32 s25, $0x1;
	[dreg:$0xa] =	wrdreg s11  }
0x12: {  	s11 =	sor.u32 $0x50, s26;
	[dreg:$0xb] =	wrdreg s16;
	s8 =	smul.u32 $0x27100, s5  }
0x13: {  	p0 =	sgt.u32 s23, $0x7C;
	s10 =	smul.u32 $0x138800, s5;
	s14 =	sadd.s32 s7, s1  }
0x14: {  	s2 =	ssub.s32 s25, s9;
	s9 =	simm.s32 $0x13B00;
	s25 =	simm.s32 $0x14200  }
0x15: {  	s16 =	smul.u32 $0x500, s11;
	s5 =	sshll.u32 s5, $0xB;
	[dreg:$0x5] =	wrdreg s9  }
0x16: {  	s15 =	sadd.s32 $0x48C00, s14;
	s9 =	sor.u32 $0x30, s26;
	[dreg:$0x13] =	wrdreg s25  }
0x17: {  	s14 =	sadd.s32 $0x96E00, s14;
	s2 =	smax.u32 s2, $0x1;
	s30 =	sadd.s32 s13, s8  }
0x18: {  	s8 =	sshrl.u32 s10, $0x3;
	s10 =	simm.s32 $0x13B80;
	[smem:$0x7F5] =	sst s2  }
0x19: {  	s20 =	smul.u32 $0x500, s9;
	s25 =	sadd.s32 s15, s17;
	[dreg:$0x18] =	wrdreg s30  }
0x1a: {  	s7 =	sadd.s32 s13, s8;
	[dreg:$0x6] =	wrdreg s10;
	s8 =	sor.u32 $0x20, s26  }
0x1b: {  	s10 =	sor.u32 $0x40, s26;
	[dreg:$0x19] =	wrdreg s25;
	s30 =	sadd.s32 s15, s18  }
0x1c: {  	s13 =	sadd.s32 s21, s13;
	[dreg:$0x1a] =	wrdreg s30;
	s30 =	sadd.s32 s14, s17  }
0x1d: {  	s21 =	sor.u32 $0x60, s26;
	s17 =	sadd.s32 s14, s18;
	[smem:$0x7E9] =	sst s30  }
0x1e: {  	s19 =	smul.u32 $0x500, s8;
	[smem:$0x7EA] =	sst s17;
	s30 =	simm.s32 $0x14280  }
0x1f: {  	s25 =	smul.u32 $0x500, s23;
	s17 =	simm.s32 $0x14380;
	[dreg:$0x14] =	wrdreg s30  }
0x20: {  	s22 =	smul.u32 $0x500, s10;
	s28 =	sadd.s32 s15, s19;
	[dreg:$0x16] =	wrdreg s17  }
0x21: {  	s24 =	smul.u32 $0x500, s21;
	s18 =	sadd.s32 s14, s19;
	[dreg:$0x1b] =	wrdreg s28  }
0x22: {  	s19 =	sadd.s32 s14, s20;
	s17 =	smul.u32 $0xA000, s23;
	[smem:$0x7EB] =	sst s18  }
0x23: {  	s28 =	sadd.s32 s15, s20;
	[smem:$0x7EC] =	sst s19;
	s20 =	sadd.s32 s14, s22  }
0x24: {  	s18 =	sadd.s32 $0x1A00, s1;
	s19 =	simm.s32 $0x14400;
	[dreg:$0x1c] =	wrdreg s28  }
0x25: {  	s28 =	sadd.s32 s15, s22;
	[smem:$0x7ED] =	sst s20;
	s22 =	smul.u32 $0x27100, s26  }
0x26: {  	s5 =	sadd.s32 s5, s18;
	[dreg:$0x17] =	wrdreg s19;
	s20 =	smul.u32 $0xA000, s12  }
0x27: {  	s12 =	smul.u32 $0xA000, s10;
	[dreg:$0x1d] =	wrdreg s28;
	s28 =	sadd.s32 s15, s16  }
0x28: {  	s10 =	simm.s32 $0x4;
	s16 =	sadd.s32 s14, s16;
	[dreg:$0x1e] =	wrdreg s28  }
0x29: {  	s30 =	sadd.s32 $0x10000, s5;
	s5 =	sadd.s32 $0x780, s5;
	[smem:$0x7EE] =	sst s16  }
0x2a: {  	s28 =	sadd.s32 s15, s24;
	s15 =	sadd.s32 s15, s25;
	[smem:$0x7F3] =	sst s30  }
0x2b: {  	s24 =	sadd.s32 s14, s24;
	s14 =	sadd.s32 s14, s25;
	[smem:$0x7F4] =	sst s5  }
0x2c: {  	s22 =	sadd.s32 s22, s13;
	s16 =	simm.s32 $0x14300;
	[dreg:$0x1f] =	wrdreg s28  }
0x2d: {  	s25 =	sadd.s32 $0x500, s7;
	s7 =	smul.u32 $0xA000, s8;
	[smem:$0x7E8] =	sst s15  }
0x2e: {  	s8 =	smul.u32 $0xA000, s9;
	s9 =	sshrl.u32 s20, $0x2;
	[smem:$0x7EF] =	sst s24  }
0x2f: {  	[smem:$0x7F0] =	sst s14;
	s15 =	sshll.u32 s26, $0xE;
	s26 =	smul.u32 $0xA000, s26  }
0x30: {  	[dreg:$0x15] =	wrdreg s16;
	s24 =	sadd.s32 $0x21A00, s1;
	s14 =	smul.u32 $0xA000, s11  }
0x31: {  	[smem:$0x7F2] =	sst s25;
	s19 =	sadd.s32 s9, s3;
	s16 =	smul.u32 $0xA000, s21  }
0x32: {  	s9 =	simm.s32 $0x18480;
	s28 =	simm.s32 $0x13A00;
	s11 =	simm.s32 $0x0  }
0x33: {  	s6 =	sor.u32 s15, s6;
	s13 =	sshrl.u32 s7, $0x2;
	s15 =	sshrl.u32 s8, $0x2  }
0x34: {  	[smem:$0x7FB] =	sst s19;
	s6 =	sshrl.u32 s6, $0x3;
	s1 =	sshrl.u32 s26, $0x2  }
0x35: {  	s31 =	sadd.s32 s13, s3;
	s23 =	sadd.s32 s15, s3;
	s21 =	sshrl.u32 s14, $0x2  }
0x36: {  	s25 =	sshrl.u32 s16, $0x2;
	s26 =	sshrl.u32 s17, $0x2;
	s13 =	simm.s32 $0x1D480  }
0x37: {  	s14 =	simm.s32 $0x1;
	s15 =	simm.s32 $0x50;
	[smem:$0x7FC] =	sst s31  }
0x38: {  	s16 =	simm.s32 $0x2;
	s6 =	sadd.s32 s6, s18;
	[smem:$0x7FD] =	sst s23  }
0x39: {  	s18 =	sadd.s32 s1, s3;
	s1 =	sadd.s32 s21, s3;
	[smem:$0x7F1] =	sst s6  }
0x3a: {  	s17 =	simm.s32 $0x3;
	s30 =	sadd.s32 s26, s3;
	[smem:$0x7F7] =	sst s1  }
0x3b: {  	s21 =	simm.s32 $0x13880;
	s26 =	simm.s32 $0x13980;
	[smem:$0x7F9] =	sst s30  }
0x3c: {  	s6 =	sshrl.u32 s12, $0x2;
	s1 =	sadd.s32 s25, s3;
	[smem:$0x7FA] =	sst s18  }
0x3d: {  	s12 =	simm.s32 $0x1AC80;
	s20 =	sadd.s32 s6, s3;
	[smem:$0x7F8] =	sst s1  }
0x3e: {  	v0 =	vimm.f32 $0.0e+00;
	s25 =	simm.s32 $0x13900;
	[smem:$0x7F6] =	sst s20;
	s20 =	simm.s32 $0x5  }
.LBB2_1:
0x3f: {  	s1 =	sand.u32 $0xFE00, s4  }
0x40: {  	s2 =	sand.u32 $0x70, s4;
	s5 =	sshrl.u32 s1, $0x2  }
0x41: {  	s1 =	simm.s32 $0x40;
	s5 =	sor.u32 s2, s5;
	s2 =	simm.s32 $0x0  }
.LBB2_2:
0x42: {  	p1 =	sne.s32 s1, $0x9FC0  }
0x43: {  	[tilespmem:s5+$0x18480] =	vst v0;
	s2 =	sadd.s32 $0x10, s2;
	s5 =	smov.u32 s1;
	s1 =	sadd.s32 $0x40, s1  }
.Ltmp0:
0x44: {  	(pc) =	sbr.rel @p1 .LBB2_2-.Ltmp0, $4  }
0x45: {  	_ = 	snop  }
0x46: {  	s5 =	sand.u32 $0xFE00, s5  }
0x47: {  	s6 =	sand.u32 $0x70, s2;
	s5 =	sshrl.u32 s5, $0x2  }
0x48: {  	s5 =	sor.u32 s6, s5  }
0x49: {  	[tilespmem:s5+$0x18480] =	vst v0  }
0x4a: {  	[spmem:s18] =	stream.linear.scatter [tilespmem:s9], [sflag:$0x4], $0x2800, $0x38;
	[tilespmem:$0x1FC80] =	vst v63  }
0x4b: {  	_ =	swait.ge [sflag:s10], $0x2800  }
0x4c: {  	[sflag:s10] =	ssyncset.done $0x0  }
0x4d: {  	[sflag:s10] =	ssyncadd.s32 $0xFFFFD800  }
0x4e: {  	[spmem:s19] =	stream.linear.scatter [tilespmem:s9], [sflag:$0x4], $0x2800, $0x38;
	[tilespmem:$0x1FC80] =	vst v63  }
0x4f: {  	_ =	swait.ge [sflag:s10], $0x2800  }
0x50: {  	[sflag:s10] =	ssyncset.done $0x0  }
0x51: {  	[sflag:s10] =	ssyncadd.s32 $0xFFFFD800  }
0x52: {  	[spmem:s31] =	stream.linear.scatter [tilespmem:s9], [sflag:$0x4], $0x2800, $0x38;
	[tilespmem:$0x1FC80] =	vst v63  }
0x53: {  	_ =	swait.ge [sflag:s10], $0x2800  }
0x54: {  	[sflag:s10] =	ssyncset.done $0x0  }
0x55: {  	[sflag:s10] =	ssyncadd.s32 $0xFFFFD800  }
0x56: {  	[spmem:s23] =	stream.linear.scatter [tilespmem:s9], [sflag:$0x4], $0x2800, $0x38;
	[tilespmem:$0x1FC80] =	vst v63  }
0x57: {  	_ =	swait.ge [sflag:s10], $0x2800  }
0x58: {  	s1 =	sld [smem:$0x7F6]  }
0x59: {  	[sflag:s10] =	ssyncset.done $0x0  }
0x5a: {  	[sflag:s10] =	ssyncadd.s32 $0xFFFFD800  }
0x5b: {  	[spmem:s1] =	stream.linear.scatter [tilespmem:s9], [sflag:$0x4], $0x2800, $0x38;
	[tilespmem:$0x1FC80] =	vst v63  }
0x5c: {  	_ =	swait.ge [sflag:s10], $0x2800  }
0x5d: {  	s7 =	sld [smem:$0x7F7]  }
0x5e: {  	[sflag:s10] =	ssyncset.done $0x0  }
0x5f: {  	[sflag:s10] =	ssyncadd.s32 $0xFFFFD800  }
0x60: {  	[spmem:s7] =	stream.linear.scatter [tilespmem:s9], [sflag:$0x4], $0x2800, $0x38;
	[tilespmem:$0x1FC80] =	vst v63  }
0x61: {  	_ =	swait.ge [sflag:s10], $0x2800  }
0x62: {  	s8 =	sld [smem:$0x7F8]  }
0x63: {  	[sflag:s10] =	ssyncset.done $0x0  }
0x64: {  	[sflag:s10] =	ssyncadd.s32 $0xFFFFD800  }
0x65: {  	[spmem:s8] =	stream.linear.scatter [tilespmem:s9], [sflag:$0x4], $0x2800, $0x38;
	[tilespmem:$0x1FC80] =	vst v63  }
0x66: {  	_ =	swait.ge [sflag:s10], $0x2800  }
0x67: {  	s2 =	sld [smem:$0x7F9]  }
0x68: {  	[sflag:s10] =	ssyncset.done $0x0  }
0x69: {  	s1 =	simm.s32 @!p0 $0x18480;
	[sflag:s10] =	ssyncadd.s32 $0xFFFFD800  }
0x6a: {  	[spmem:s2] =	stream.linear.scatter @!p0 [tilespmem:s1], [sflag:$0x4], $0x2800, $0x38;
	[tilespmem:$0x1FC80] =	vst v63  }
0x6b: {  	s1 =	simm.s32 @!p0 $0x4  }
0x6c: {  	_ =	swait.ge @!p0 [sflag:s1], $0x2800  }
0x6d: {  	[sflag:s1] =	ssyncset.done @!p0 $0x0  }
0x6e: {  	[sflag:s1] =	ssyncadd.s32 @!p0 $0xFFFFD800  }
0x6f: {  	[bflag:$0x0] =	sbarrier.arrive $0xFFFF  }
0x70: {  	s5 =	sld [smem:$0x7F3];
	_ =	sdelay $0x1  }
0x71: {  	s30 =	simm.s32 $0x0;
	s6 =	simm.s32 $0x14480  }
0x72: {  	[tilespmem:s6], [sflag:$0x4] =	stream.linear.gather [hbm4b:s5+s30], $0x3E80, $0x38;
	[tilespmem:$0x1FC80] =	vst v63  }
0x73: {  	_ =	swait.ge [sflag:s10], $0x3E80  }
0x74: {  	[sflag:s10] =	ssyncset.done $0x0;
	s7 =	rddreg [dreg:$0x18]  }
0x75: {  	s8 =	sld [smem:$0x7F2];
	[sflag:s10] =	ssyncadd.s32 $0xFFFFC180  }
0x76: {  	[tilespmem:s9], [sflag:$0x1] =	stream.linear.gather [hbm4b:s7+s30], $0x2800, $0x38;
	[tilespmem:$0x1FC80] =	vst v63  }
0x77: {  	_ = 	snop  }
0x78: {  	[tilespmem:s12], [sflag:$0x2] =	stream.linear.gather [hbm4b:s8+s30], $0x2800, $0x38;
	[tilespmem:$0x1FC80] =	vst v63  }
0x79: {  	s30 =	sadd.s32 $0x0, s22  }
0x7a: {  	s5 =	sadd.s32 $0xA00, s30  }
0x7b: {  	[tilespmem:s13], [sflag:$0x3] =	stream.linear.gather [hbm4b:s5+s4], $0x2800, $0x38;
	[tilespmem:$0x1FC80] =	vst v63  }
0x7c: {  	_ =	swait.ge [sflag:s14], $0x2800  }
0x7d: {  	[sflag:s14] =	ssyncset.done $0x0  }
0x7e: {  	s6 =	simm.s32 $0x14480;
	[sflag:s14] =	ssyncadd.s32 $0xFFFFD800  }
0x7f: {  	[spmem:s3] =	stream.indirect.scatter.add.f32 [tilespmem:s9], [sflag:$0x4], $0x80, s6, s15, $0xb8;
	[tilespmem:$0x1FC80] =	vst v63  }
0x80: {  	_ =	swait.ge [sflag:s10], $0x2800  }
0x81: {  	[sflag:s10] =	ssyncset.done $0x0  }
0x82: {  	s7 =	sadd.s32 $0xF00, s30;
	[sflag:s10] =	ssyncadd.s32 $0xFFFFD800  }
0x83: {  	[tilespmem:s9], [sflag:$0x1] =	stream.linear.gather [hbm4b:s7+s4], $0x2800, $0x38;
	[tilespmem:$0x1FC80] =	vst v63  }
0x84: {  	_ =	swait.ge [sflag:s16], $0x2800  }
0x85: {  	[sflag:s16] =	ssyncset.done $0x0  }
0x86: {  	s8 =	simm.s32 $0x14500;
	[sflag:s16] =	ssyncadd.s32 $0xFFFFD800  }
0x87: {  	[spmem:s3] =	stream.indirect.scatter.add.f32 [tilespmem:s12], [sflag:$0x4], $0x80, s8, s15, $0xb8;
	[tilespmem:$0x1FC80] =	vst v63  }
0x88: {  	_ =	swait.ge [sflag:s10], $0x2800  }
0x89: {  	[sflag:s10] =	ssyncset.done $0x0  }
0x8a: {  	s1 =	sadd.s32 $0x1400, s30;
	[sflag:s10] =	ssyncadd.s32 $0xFFFFD800  }
0x8b: {  	[tilespmem:s12], [sflag:$0x2] =	stream.linear.gather [hbm4b:s1+s4], $0x2800, $0x38;
	[tilespmem:$0x1FC80] =	vst v63  }
0x8c: {  	_ =	swait.ge [sflag:s17], $0x2800  }
0x8d: {  	[sflag:s17] =	ssyncset.done $0x0  }
0x8e: {  	s30 =	simm.s32 $0x14580;
	[sflag:s17] =	ssyncadd.s32 $0xFFFFD800  }
0x8f: {  	[spmem:s3] =	stream.indirect.scatter.add.f32 [tilespmem:s13], [sflag:$0x4], $0x80, s30, s15, $0xb8;
	[tilespmem:$0x1FC80] =	vst v63  }
0x90: {  	s2 =	sadd.s32 $0xF00, s22;
	_ =	swait.ge [sflag:s10], $0x2800  }
0x91: {  	s5 =	simm.s32 $0x1E00;
	s1 =	simm.s32 $0x14680;
	[sflag:s10] =	ssyncset.done $0x0  }
.LBB2_4:
0x92: {  	s6 =	sadd.s32 $0xA00, s2  }
0x93: {  	[sflag:s10] =	ssyncadd.s32 $0xFFFFD800;
	s7 =	smov.u32 s5;
	s8 =	sadd.s32 $0xF00, s5  }
0x94: {  	[tilespmem:s13], [sflag:$0x3] =	stream.linear.gather [hbm4b:s6+s4], $0x2800, $0x38;
	[tilespmem:$0x1FC80] =	vst v63  }
0x95: {  	p1 =	sne.s32 s5, $0x25800;
	_ =	swait.ge [sflag:s14], $0x2800  }
0x96: {  	[sflag:s14] =	ssyncset.done $0x0  }
0x97: {  	s5 =	sadd.s32 $0xFFFFFF80, s1;
	[sflag:s14] =	ssyncadd.s32 $0xFFFFD800  }
0x98: {  	[spmem:s3] =	stream.indirect.scatter.add.f32 [tilespmem:s9], [sflag:$0x4], $0x80, s5, s15, $0xb8;
	[tilespmem:$0x1FC80] =	vst v63  }
0x99: {  	_ =	swait.ge [sflag:s10], $0x2800  }
0x9a: {  	[sflag:s10] =	ssyncset.done $0x0  }
0x9b: {  	s5 =	sadd.s32 $0xF00, s2;
	[sflag:s10] =	ssyncadd.s32 $0xFFFFD800  }
0x9c: {  	[tilespmem:s9], [sflag:$0x1] =	stream.linear.gather [hbm4b:s5+s4], $0x2800, $0x38;
	[tilespmem:$0x1FC80] =	vst v63  }
0x9d: {  	_ =	swait.ge [sflag:s16], $0x2800  }
0x9e: {  	[sflag:s16] =	ssyncset.done $0x0  }
0x9f: {  	[sflag:s16] =	ssyncadd.s32 $0xFFFFD800  }
0xa0: {  	[spmem:s3] =	stream.indirect.scatter.add.f32 [tilespmem:s12], [sflag:$0x4], $0x80, s1, s15, $0xb8;
	[tilespmem:$0x1FC80] =	vst v63  }
0xa1: {  	_ =	swait.ge [sflag:s10], $0x2800  }
0xa2: {  	[sflag:s10] =	ssyncset.done $0x0  }
0xa3: {  	s2 =	sadd.s32 $0x1400, s2;
	[sflag:s10] =	ssyncadd.s32 $0xFFFFD800  }
0xa4: {  	[tilespmem:s12], [sflag:$0x2] =	stream.linear.gather [hbm4b:s2+s4], $0x2800, $0x38;
	[tilespmem:$0x1FC80] =	vst v63  }
0xa5: {  	_ =	swait.ge [sflag:s17], $0x2800  }
.Ltmp1:
0xa6: {  	[sflag:s17] =	ssyncset.done $0x0;
	(pc) =	sbr.rel @p1 .LBB2_4-.Ltmp1, $4  }
0xa7: {  	s2 =	sadd.s32 $0x80, s1;
	[sflag:s17] =	ssyncadd.s32 $0xFFFFD800  }
0xa8: {  	[spmem:s3] =	stream.indirect.scatter.add.f32 [tilespmem:s13], [sflag:$0x4], $0x80, s2, s15, $0xb8;
	[tilespmem:$0x1FC80] =	vst v63  }
0xa9: {  	s5 =	smov.u32 s8;
	_ =	swait.ge [sflag:s10], $0x2800  }
0xaa: {  	s1 =	sadd.s32 $0x180, s1;
	s2 =	sadd.s32 s7, s22;
	[sflag:s10] =	ssyncset.done $0x0  }
0xab: {  	s5 =	sadd.s32 $0xA00, s2;
	[sflag:s10] =	ssyncadd.s32 $0xFFFFD800  }
0xac: {  	[tilespmem:s13], [sflag:$0x3] =	stream.linear.gather [hbm4b:s5+s4], $0x2800, $0x38;
	[tilespmem:$0x1FC80] =	vst v63  }
0xad: {  	_ =	swait.ge [sflag:s14], $0x2800  }
0xae: {  	[sflag:s14] =	ssyncset.done $0x0  }
0xaf: {  	s7 =	sadd.s32 $0xFFFFFF80, s1;
	[sflag:s14] =	ssyncadd.s32 $0xFFFFD800  }
0xb0: {  	[spmem:s3] =	stream.indirect.scatter.add.f32 [tilespmem:s9], [sflag:$0x4], $0x80, s7, s15, $0xb8;
	[tilespmem:$0x1FC80] =	vst v63  }
0xb1: {  	_ =	swait.ge [sflag:s10], $0x2800  }
0xb2: {  	[sflag:s10] =	ssyncset.done $0x0  }
0xb3: {  	s8 =	sadd.s32 $0xF00, s2;
	[sflag:s10] =	ssyncadd.s32 $0xFFFFD800  }
0xb4: {  	[tilespmem:s9], [sflag:$0x1] =	stream.linear.gather [hbm4b:s8+s4], $0x2800, $0x38;
	[tilespmem:$0x1FC80] =	vst v63  }
0xb5: {  	_ =	swait.ge [sflag:s16], $0x2800  }
0xb6: {  	[sflag:s16] =	ssyncset.done $0x0  }
0xb7: {  	[sflag:s16] =	ssyncadd.s32 $0xFFFFD800  }
0xb8: {  	[spmem:s3] =	stream.indirect.scatter.add.f32 [tilespmem:s12], [sflag:$0x4], $0x80, s1, s15, $0xb8;
	[tilespmem:$0x1FC80] =	vst v63  }
0xb9: {  	_ =	swait.ge [sflag:s10], $0x2800  }
0xba: {  	[sflag:s10] =	ssyncset.done $0x0  }
0xbb: {  	s30 =	sadd.s32 $0x1400, s2;
	[sflag:s10] =	ssyncadd.s32 $0xFFFFD800  }
0xbc: {  	[tilespmem:s12], [sflag:$0x2] =	stream.linear.gather [hbm4b:s30+s4], $0x2800, $0x38;
	[tilespmem:$0x1FC80] =	vst v63  }
0xbd: {  	_ =	swait.ge [sflag:s17], $0x2800  }
0xbe: {  	[sflag:s17] =	ssyncset.done $0x0  }
0xbf: {  	s5 =	sadd.s32 $0x80, s1;
	[sflag:s17] =	ssyncadd.s32 $0xFFFFD800  }
0xc0: {  	[spmem:s3] =	stream.indirect.scatter.add.f32 [tilespmem:s13], [sflag:$0x4], $0x80, s5, s15, $0xb8;
	[tilespmem:$0x1FC80] =	vst v63  }
0xc1: {  	_ =	swait.ge [sflag:s10], $0x2800  }
0xc2: {  	[sflag:s10] =	ssyncset.done $0x0  }
0xc3: {  	[sflag:s10] =	ssyncadd.s32 $0xFFFFD800  }
0xc4: {  	_ =	swait.ge [sflag:s14], $0x2800  }
0xc5: {  	[sflag:s14] =	ssyncset.done $0x0  }
0xc6: {  	s6 =	simm.s32 $0x18200;
	[sflag:s14] =	ssyncadd.s32 $0xFFFFD800  }
0xc7: {  	[spmem:s3] =	stream.indirect.scatter.add.f32 [tilespmem:s9], [sflag:$0x4], $0x80, s6, s15, $0xb8;
	[tilespmem:$0x1FC80] =	vst v63  }
0xc8: {  	_ =	swait.ge [sflag:s10], $0x2800  }
0xc9: {  	[sflag:s10] =	ssyncset.done $0x0  }
0xca: {  	[sflag:s10] =	ssyncadd.s32 $0xFFFFD800  }
0xcb: {  	_ =	swait.ge [sflag:s16], $0x2800  }
0xcc: {  	[sflag:s16] =	ssyncset.done $0x0  }
0xcd: {  	s7 =	simm.s32 $0x18280;
	[sflag:s16] =	ssyncadd.s32 $0xFFFFD800  }
0xce: {  	[spmem:s3] =	stream.indirect.scatter.add.f32 [tilespmem:s12], [sflag:$0x4], $0x80, s7, s15, $0xb8;
	[tilespmem:$0x1FC80] =	vst v63  }
0xcf: {  	s1 =	simm.s32 $0x0;
	_ =	swait.ge [sflag:s10], $0x2800  }
0xd0: {  	s8 =	sand.u32 $0xFE00, s1;
	[sflag:s10] =	ssyncset.done $0x0  }
0xd1: {  	s30 =	sand.u32 $0x70, s1;
	s6 =	sshrl.u32 s8, $0x2;
	[sflag:s10] =	ssyncadd.s32 $0xFFFFD800  }
0xd2: {  	s2 =	simm.s32 $0x40;
	s5 =	sor.u32 s30, s6;
	[bflag:$0x0] =	sbarrier.arrive $0xFFFF  }
.LBB2_6:
0xd3: {  	p1 =	sne.s32 s2, $0x9FC0  }
0xd4: {  	[tilespmem:s5+$0x1AC80] =	vst v0;
	s1 =	sadd.s32 $0x10, s1;
	s5 =	smov.u32 s2;
	s2 =	sadd.s32 $0x40, s2  }
.Ltmp2:
0xd5: {  	(pc) =	sbr.rel @p1 .LBB2_6-.Ltmp2, $4  }
0xd6: {  	_ = 	snop  }
0xd7: {  	s5 =	sand.u32 $0xFE00, s5  }
0xd8: {  	s6 =	sand.u32 $0x70, s1;
	s5 =	sshrl.u32 s5, $0x2  }
0xd9: {  	s5 =	sor.u32 s6, s5  }
0xda: {  	s1 =	stileid.u32;
	s2 =	sshrl.u32 s18, $0x3;
	s6 =	rddreg [dreg:$0x19]  }
0xdb: {  	s1 =	sshll.u32 s1, $0x6;
	[smem:$0x7E6] =	sst s2  }
0xdc: {  	[tilespmem:s5+$0x1AC80] =	vst v0;
	[smem:$0x7E5] =	sst s1;
	s7 =	sor.u32 $0x1C05, s1  }
0xdd: {  	[hbm:s6], [sflag:s7] =	dma.local [spmem:s2], $0x500  }
0xde: {  	_ =	swait.ge [sflag:s20], $0x500  }
0xdf: {  	[sflag:s20] =	ssyncset.done $0x0  }
0xe0: {  	[sflag:s20] =	ssyncadd.s32 $0xFFFFFB00  }
0xe1: {  	[spmem:s18] =	stream.linear.scatter [tilespmem:s12], [sflag:$0x4], $0x2800, $0x38;
	[tilespmem:$0x1FC80] =	vst v63  }
0xe2: {  	_ =	swait.ge [sflag:s10], $0x2800  }
0xe3: {  	s8 =	sshrl.u32 s19, $0x3;
	[sflag:s10] =	ssyncset.done $0x0;
	s18 =	rddreg [dreg:$0x1a]  }
0xe4: {  	[smem:$0x7E7] =	sst s8;
	[sflag:s10] =	ssyncadd.s32 $0xFFFFD800  }
0xe5: {  	[hbm:s18], [sflag:s7] =	dma.local [spmem:s8], $0x500  }
0xe6: {  	_ =	swait.ge [sflag:s20], $0x500  }
0xe7: {  	[sflag:s20] =	ssyncset.done $0x0  }
0xe8: {  	[sflag:s20] =	ssyncadd.s32 $0xFFFFFB00  }
0xe9: {  	[spmem:s19] =	stream.linear.scatter [tilespmem:s12], [sflag:$0x4], $0x2800, $0x38;
	[tilespmem:$0x1FC80] =	vst v63  }
0xea: {  	_ =	swait.ge [sflag:s10], $0x2800  }
0xeb: {  	[sflag:s10] =	ssyncset.done $0x0  }
0xec: {  	s30 =	sshrl.u32 s31, $0x3;
	s2 =	rddreg [dreg:$0x1b];
	[sflag:s10] =	ssyncadd.s32 $0xFFFFD800  }
0xed: {  	[hbm:s2], [sflag:s7] =	dma.local [spmem:s30], $0x500  }
0xee: {  	_ =	swait.ge [sflag:s20], $0x500  }
0xef: {  	[sflag:s20] =	ssyncset.done $0x0  }
0xf0: {  	[sflag:s20] =	ssyncadd.s32 $0xFFFFFB00  }
0xf1: {  	[spmem:s31] =	stream.linear.scatter [tilespmem:s12], [sflag:$0x4], $0x2800, $0x38;
	[tilespmem:$0x1FC80] =	vst v63  }
0xf2: {  	_ =	swait.ge [sflag:s10], $0x2800  }
0xf3: {  	[sflag:s10] =	ssyncset.done $0x0  }
0xf4: {  	s31 =	sshrl.u32 s23, $0x3;
	s5 =	rddreg [dreg:$0x1c];
	[sflag:s10] =	ssyncadd.s32 $0xFFFFD800  }
0xf5: {  	[hbm:s5], [sflag:s7] =	dma.local [spmem:s31], $0x500  }
0xf6: {  	_ =	swait.ge [sflag:s20], $0x500  }
0xf7: {  	[sflag:s20] =	ssyncset.done $0x0  }
0xf8: {  	[sflag:s20] =	ssyncadd.s32 $0xFFFFFB00  }
0xf9: {  	[spmem:s23] =	stream.linear.scatter [tilespmem:s12], [sflag:$0x4], $0x2800, $0x38;
	[tilespmem:$0x1FC80] =	vst v63  }
0xfa: {  	_ =	swait.ge [sflag:s10], $0x2800  }
0xfb: {  	s6 =	sld [smem:$0x7F6];
	_ =	sdelay $0x1  }
0xfc: {  	[sflag:s10] =	ssyncset.done $0x0  }
0xfd: {  	s8 =	rddreg [dreg:$0x1d];
	[sflag:s10] =	ssyncadd.s32 $0xFFFFD800;
	s1 =	sshrl.u32 s6, $0x3  }
0xfe: {  	[hbm:s8], [sflag:s7] =	dma.local [spmem:s1], $0x500  }
0xff: {  	_ =	swait.ge [sflag:s20], $0x500  }
0x100: {  	[sflag:s20] =	ssyncset.done $0x0  }
0x101: {  	[sflag:s20] =	ssyncadd.s32 $0xFFFFFB00  }
0x102: {  	[spmem:s6] =	stream.linear.scatter [tilespmem:s12], [sflag:$0x4], $0x2800, $0x38;
	[tilespmem:$0x1FC80] =	vst v63  }
0x103: {  	_ =	swait.ge [sflag:s10], $0x2800  }
0x104: {  	s6 =	sld [smem:$0x7F7];
	_ =	sdelay $0x1  }
0x105: {  	[sflag:s10] =	ssyncset.done $0x0  }
0x106: {  	s18 =	rddreg [dreg:$0x1e];
	[sflag:s10] =	ssyncadd.s32 $0xFFFFD800;
	s2 =	sshrl.u32 s6, $0x3  }
0x107: {  	[hbm:s18], [sflag:s7] =	dma.local [spmem:s2], $0x500  }
0x108: {  	_ =	swait.ge [sflag:s20], $0x500  }
0x109: {  	[sflag:s20] =	ssyncset.done $0x0  }
0x10a: {  	[sflag:s20] =	ssyncadd.s32 $0xFFFFFB00  }
0x10b: {  	[spmem:s6] =	stream.linear.scatter [tilespmem:s12], [sflag:$0x4], $0x2800, $0x38;
	[tilespmem:$0x1FC80] =	vst v63  }
0x10c: {  	_ =	swait.ge [sflag:s10], $0x2800  }
0x10d: {  	s8 =	sld [smem:$0x7F8];
	_ =	sdelay $0x1  }
0x10e: {  	[sflag:s10] =	ssyncset.done $0x0  }
0x10f: {  	s19 =	rddreg [dreg:$0x1f];
	[sflag:s10] =	ssyncadd.s32 $0xFFFFD800;
	s5 =	sshrl.u32 s8, $0x3  }
0x110: {  	[hbm:s19], [sflag:s7] =	dma.local [spmem:s5], $0x500  }
0x111: {  	_ =	swait.ge [sflag:s20], $0x500  }
0x112: {  	[sflag:s20] =	ssyncset.done $0x0  }
0x113: {  	[sflag:s20] =	ssyncadd.s32 $0xFFFFFB00  }
0x114: {  	[spmem:s8] =	stream.linear.scatter [tilespmem:s12], [sflag:$0x4], $0x2800, $0x38;
	[tilespmem:$0x1FC80] =	vst v63  }
0x115: {  	_ =	swait.ge [sflag:s10], $0x2800  }
0x116: {  	s18 =	sld [smem:$0x7F9]  }
0x117: {  	s8 =	sld [smem:$0x7E8]  }
0x118: {  	[sflag:s10] =	ssyncset.done $0x0  }
0x119: {  	[sflag:s10] =	ssyncadd.s32 $0xFFFFD800;
	s6 =	sshrl.u32 @!p0 s18, $0x3  }
0x11a: {  	[hbm:s8], [sflag:s7] =	dma.local @!p0 [spmem:s6], $0x500  }
0x11b: {  	s7 =	simm.s32 @!p0 $0x5  }
0x11c: {  	_ =	swait.ge @!p0 [sflag:s7], $0x500  }
0x11d: {  	[sflag:s7] =	ssyncset.done @!p0 $0x0  }
0x11e: {  	[sflag:s7] =	ssyncadd.s32 @!p0 $0xFFFFFB00;
	s7 =	simm.s32 @!p0 $0x1AC80  }
0x11f: {  	[spmem:s18] =	stream.linear.scatter @!p0 [tilespmem:s7], [sflag:$0x4], $0x2800, $0x38;
	[tilespmem:$0x1FC80] =	vst v63  }
0x120: {  	s7 =	simm.s32 @!p0 $0x4  }
0x121: {  	_ =	swait.ge @!p0 [sflag:s7], $0x2800  }
0x122: {  	[sflag:s7] =	ssyncset.done @!p0 $0x0  }
0x123: {  	[sflag:s7] =	ssyncadd.s32 @!p0 $0xFFFFD800  }
0x124: {  	[bflag:$0x0] =	sbarrier.arrive $0xFFFF  }
0x125: {  	s8 =	sld [smem:$0x7F1];
	_ =	sdelay $0x2  }
0x126: {  	[tilespmem:s21], [sflag:$0x4] =	stream.linear.gather [hbm4b:s8+s4], $0xC00, $0x38;
	[tilespmem:$0x1FC80] =	vst v63  }
0x127: {  	_ =	swait.ge [sflag:s10], $0xC00  }
0x128: {  	[sflag:s10] =	ssyncset.done $0x0  }
0x129: {  	[sflag:s10] =	ssyncadd.s32 $0xFFFFF400  }
0x12a: {  	[tilespmem:s9], [sflag:$0x1] =	stream.indirect.gather [hbm4b:s0+s15], $0x80, s21, s15, $0xb8;
	[tilespmem:$0x1FC80] =	vst v63  }
0x12b: {  	_ = 	snop  }
0x12c: {  	[tilespmem:s12], [sflag:$0x2] =	stream.indirect.gather [hbm4b:s0+s15], $0x80, s25, s15, $0xb8;
	[tilespmem:$0x1FC80] =	vst v63  }
0x12d: {  	_ = 	snop  }
0x12e: {  	[tilespmem:s13], [sflag:$0x3] =	stream.indirect.gather [hbm4b:s0+s15], $0x80, s26, s15, $0xb8;
	[tilespmem:$0x1FC80] =	vst v63  }
0x12f: {  	_ =	swait.ge [sflag:s14], $0x2800  }
0x130: {  	[sflag:s14] =	ssyncset.done $0x0  }
0x131: {  	s23 =	simm.s32 $0x14480;
	[sflag:s14] =	ssyncadd.s32 $0xFFFFD800  }
0x132: {  	[spmem:s3] =	stream.indirect.scatter.add.f32 [tilespmem:s9], [sflag:$0x4], $0x80, s23, s15, $0xb8;
	[tilespmem:$0x1FC80] =	vst v63  }
0x133: {  	_ =	swait.ge [sflag:s10], $0x2800  }
0x134: {  	[sflag:s10] =	ssyncset.done $0x0  }
0x135: {  	[sflag:s10] =	ssyncadd.s32 $0xFFFFD800  }
0x136: {  	[tilespmem:s9], [sflag:$0x1] =	stream.indirect.gather [hbm4b:s0+s15], $0x80, s28, s15, $0xb8;
	[tilespmem:$0x1FC80] =	vst v63  }
0x137: {  	_ =	swait.ge [sflag:s16], $0x2800  }
0x138: {  	[sflag:s16] =	ssyncset.done $0x0  }
0x139: {  	s18 =	simm.s32 $0x14500;
	[sflag:s16] =	ssyncadd.s32 $0xFFFFD800  }
0x13a: {  	[spmem:s3] =	stream.indirect.scatter.add.f32 [tilespmem:s12], [sflag:$0x4], $0x80, s18, s15, $0xb8;
	[tilespmem:$0x1FC80] =	vst v63  }
0x13b: {  	_ =	swait.ge [sflag:s10], $0x2800  }
0x13c: {  	[sflag:s10] =	ssyncset.done $0x0  }
0x13d: {  	[sflag:s10] =	ssyncadd.s32 $0xFFFFD800  }
0x13e: {  	[tilespmem:s12], [sflag:$0x2] =	stream.indirect.gather [hbm4b:s0+s15], $0x80, s29, s15, $0xb8;
	[tilespmem:$0x1FC80] =	vst v63  }
0x13f: {  	_ =	swait.ge [sflag:s17], $0x2800  }
0x140: {  	[sflag:s17] =	ssyncset.done $0x0  }
0x141: {  	s19 =	simm.s32 $0x14580;
	[sflag:s17] =	ssyncadd.s32 $0xFFFFD800  }
0x142: {  	[spmem:s3] =	stream.indirect.scatter.add.f32 [tilespmem:s13], [sflag:$0x4], $0x80, s19, s15, $0xb8;
	[tilespmem:$0x1FC80] =	vst v63  }
0x143: {  	_ =	swait.ge [sflag:s10], $0x2800  }
0x144: {  	[sflag:s10] =	ssyncset.done $0x0  }
0x145: {  	s23 =	rddreg [dreg:$0x5];
	[sflag:s10] =	ssyncadd.s32 $0xFFFFD800  }
0x146: {  	[tilespmem:s13], [sflag:$0x3] =	stream.indirect.gather [hbm4b:s0+s15], $0x80, s23, s15, $0xb8;
	[tilespmem:$0x1FC80] =	vst v63  }
0x147: {  	_ =	swait.ge [sflag:s14], $0x2800  }
0x148: {  	[sflag:s14] =	ssyncset.done $0x0  }
0x149: {  	s18 =	simm.s32 $0x14600;
	[sflag:s14] =	ssyncadd.s32 $0xFFFFD800  }
0x14a: {  	[spmem:s3] =	stream.indirect.scatter.add.f32 [tilespmem:s9], [sflag:$0x4], $0x80, s18, s15, $0xb8;
	[tilespmem:$0x1FC80] =	vst v63  }
0x14b: {  	_ =	swait.ge [sflag:s10], $0x2800  }
0x14c: {  	[sflag:s10] =	ssyncset.done $0x0  }
0x14d: {  	s19 =	rddreg [dreg:$0x6];
	[sflag:s10] =	ssyncadd.s32 $0xFFFFD800  }
0x14e: {  	[tilespmem:s9], [sflag:$0x1] =	stream.indirect.gather [hbm4b:s0+s15], $0x80, s19, s15, $0xb8;
	[tilespmem:$0x1FC80] =	vst v63  }
0x14f: {  	_ =	swait.ge [sflag:s16], $0x2800  }
0x150: {  	[sflag:s16] =	ssyncset.done $0x0  }
0x151: {  	s23 =	simm.s32 $0x14680;
	[sflag:s16] =	ssyncadd.s32 $0xFFFFD800  }
0x152: {  	[spmem:s3] =	stream.indirect.scatter.add.f32 [tilespmem:s12], [sflag:$0x4], $0x80, s23, s15, $0xb8;
	[tilespmem:$0x1FC80] =	vst v63  }
0x153: {  	_ =	swait.ge [sflag:s10], $0x2800  }
0x154: {  	[sflag:s10] =	ssyncset.done $0x0  }
0x155: {  	s18 =	rddreg [dreg:$0x7];
	[sflag:s10] =	ssyncadd.s32 $0xFFFFD800  }
0x156: {  	[tilespmem:s12], [sflag:$0x2] =	stream.indirect.gather [hbm4b:s0+s15], $0x80, s18, s15, $0xb8;
	[tilespmem:$0x1FC80] =	vst v63  }
0x157: {  	_ =	swait.ge [sflag:s17], $0x2800  }
0x158: {  	[sflag:s17] =	ssyncset.done $0x0  }
0x159: {  	s19 =	simm.s32 $0x14700;
	[sflag:s17] =	ssyncadd.s32 $0xFFFFD800  }
0x15a: {  	[spmem:s3] =	stream.indirect.scatter.add.f32 [tilespmem:s13], [sflag:$0x4], $0x80, s19, s15, $0xb8;
	[tilespmem:$0x1FC80] =	vst v63  }
0x15b: {  	_ =	swait.ge [sflag:s10], $0x2800  }
0x15c: {  	[sflag:s10] =	ssyncset.done $0x0  }
0x15d: {  	s23 =	rddreg [dreg:$0x8];
	[sflag:s10] =	ssyncadd.s32 $0xFFFFD800  }
0x15e: {  	[tilespmem:s13], [sflag:$0x3] =	stream.indirect.gather [hbm4b:s0+s15], $0x80, s23, s15, $0xb8;
	[tilespmem:$0x1FC80] =	vst v63  }
0x15f: {  	_ =	swait.ge [sflag:s14], $0x2800  }
0x160: {  	[sflag:s14] =	ssyncset.done $0x0  }
0x161: {  	s18 =	simm.s32 $0x14780;
	[sflag:s14] =	ssyncadd.s32 $0xFFFFD800  }
0x162: {  	[spmem:s3] =	stream.indirect.scatter.add.f32 [tilespmem:s9], [sflag:$0x4], $0x80, s18, s15, $0xb8;
	[tilespmem:$0x1FC80] =	vst v63  }
0x163: {  	_ =	swait.ge [sflag:s10], $0x2800  }
0x164: {  	[sflag:s10] =	ssyncset.done $0x0  }
0x165: {  	s19 =	rddreg [dreg:$0x9];
	[sflag:s10] =	ssyncadd.s32 $0xFFFFD800  }
0x166: {  	[tilespmem:s9], [sflag:$0x1] =	stream.indirect.gather [hbm4b:s0+s15], $0x80, s19, s15, $0xb8;
	[tilespmem:$0x1FC80] =	vst v63  }
0x167: {  	_ =	swait.ge [sflag:s16], $0x2800  }
0x168: {  	[sflag:s16] =	ssyncset.done $0x0  }
0x169: {  	s23 =	simm.s32 $0x14800;
	[sflag:s16] =	ssyncadd.s32 $0xFFFFD800  }
0x16a: {  	[spmem:s3] =	stream.indirect.scatter.add.f32 [tilespmem:s12], [sflag:$0x4], $0x80, s23, s15, $0xb8;
	[tilespmem:$0x1FC80] =	vst v63  }
0x16b: {  	_ =	swait.ge [sflag:s10], $0x2800  }
0x16c: {  	[sflag:s10] =	ssyncset.done $0x0  }
0x16d: {  	s18 =	rddreg [dreg:$0xa];
	[sflag:s10] =	ssyncadd.s32 $0xFFFFD800  }
0x16e: {  	[tilespmem:s12], [sflag:$0x2] =	stream.indirect.gather [hbm4b:s0+s15], $0x80, s18, s15, $0xb8;
	[tilespmem:$0x1FC80] =	vst v63  }
0x16f: {  	_ =	swait.ge [sflag:s17], $0x2800  }
0x170: {  	[sflag:s17] =	ssyncset.done $0x0  }
0x171: {  	s19 =	simm.s32 $0x14880;
	[sflag:s17] =	ssyncadd.s32 $0xFFFFD800  }
0x172: {  	[spmem:s3] =	stream.indirect.scatter.add.f32 [tilespmem:s13], [sflag:$0x4], $0x80, s19, s15, $0xb8;
	[tilespmem:$0x1FC80] =	vst v63  }
0x173: {  	_ =	swait.ge [sflag:s10], $0x2800  }
0x174: {  	[sflag:s10] =	ssyncset.done $0x0  }
0x175: {  	s23 =	rddreg [dreg:$0xb];
	[sflag:s10] =	ssyncadd.s32 $0xFFFFD800  }
0x176: {  	[tilespmem:s13], [sflag:$0x3] =	stream.indirect.gather [hbm4b:s0+s15], $0x80, s23, s15, $0xb8;
	[tilespmem:$0x1FC80] =	vst v63  }
0x177: {  	_ =	swait.ge [sflag:s14], $0x2800  }
0x178: {  	[sflag:s14] =	ssyncset.done $0x0  }
0x179: {  	s18 =	simm.s32 $0x14900;
	[sflag:s14] =	ssyncadd.s32 $0xFFFFD800  }
0x17a: {  	[spmem:s3] =	stream.indirect.scatter.add.f32 [tilespmem:s9], [sflag:$0x4], $0x80, s18, s15, $0xb8;
	[tilespmem:$0x1FC80] =	vst v63  }
0x17b: {  	_ =	swait.ge [sflag:s10], $0x2800  }
0x17c: {  	[sflag:s10] =	ssyncset.done $0x0  }
0x17d: {  	s19 =	rddreg [dreg:$0xc];
	[sflag:s10] =	ssyncadd.s32 $0xFFFFD800  }
0x17e: {  	[tilespmem:s9], [sflag:$0x1] =	stream.indirect.gather [hbm4b:s0+s15], $0x80, s19, s15, $0xb8;
	[tilespmem:$0x1FC80] =	vst v63  }
0x17f: {  	_ =	swait.ge [sflag:s16], $0x2800  }
0x180: {  	[sflag:s16] =	ssyncset.done $0x0  }
0x181: {  	s23 =	simm.s32 $0x14980;
	[sflag:s16] =	ssyncadd.s32 $0xFFFFD800  }
0x182: {  	[spmem:s3] =	stream.indirect.scatter.add.f32 [tilespmem:s12], [sflag:$0x4], $0x80, s23, s15, $0xb8;
	[tilespmem:$0x1FC80] =	vst v63  }
0x183: {  	_ =	swait.ge [sflag:s10], $0x2800  }
0x184: {  	[sflag:s10] =	ssyncset.done $0x0  }
0x185: {  	s18 =	rddreg [dreg:$0xd];
	[sflag:s10] =	ssyncadd.s32 $0xFFFFD800  }
0x186: {  	[tilespmem:s12], [sflag:$0x2] =	stream.indirect.gather [hbm4b:s0+s15], $0x80, s18, s15, $0xb8;
	[tilespmem:$0x1FC80] =	vst v63  }
0x187: {  	_ =	swait.ge [sflag:s17], $0x2800  }
0x188: {  	[sflag:s17] =	ssyncset.done $0x0  }
0x189: {  	s19 =	simm.s32 $0x14A00;
	[sflag:s17] =	ssyncadd.s32 $0xFFFFD800  }
0x18a: {  	[spmem:s3] =	stream.indirect.scatter.add.f32 [tilespmem:s13], [sflag:$0x4], $0x80, s19, s15, $0xb8;
	[tilespmem:$0x1FC80] =	vst v63  }
0x18b: {  	_ =	swait.ge [sflag:s10], $0x2800  }
0x18c: {  	[sflag:s10] =	ssyncset.done $0x0  }
0x18d: {  	s23 =	rddreg [dreg:$0xe];
	[sflag:s10] =	ssyncadd.s32 $0xFFFFD800  }
0x18e: {  	[tilespmem:s13], [sflag:$0x3] =	stream.indirect.gather [hbm4b:s0+s15], $0x80, s23, s15, $0xb8;
	[tilespmem:$0x1FC80] =	vst v63  }
0x18f: {  	_ =	swait.ge [sflag:s14], $0x2800  }
0x190: {  	[sflag:s14] =	ssyncset.done $0x0  }
0x191: {  	s18 =	simm.s32 $0x14A80;
	[sflag:s14] =	ssyncadd.s32 $0xFFFFD800  }
0x192: {  	[spmem:s3] =	stream.indirect.scatter.add.f32 [tilespmem:s9], [sflag:$0x4], $0x80, s18, s15, $0xb8;
	[tilespmem:$0x1FC80] =	vst v63  }
0x193: {  	_ =	swait.ge [sflag:s10], $0x2800  }
0x194: {  	[sflag:s10] =	ssyncset.done $0x0  }
0x195: {  	s19 =	rddreg [dreg:$0xf];
	[sflag:s10] =	ssyncadd.s32 $0xFFFFD800  }
0x196: {  	[tilespmem:s9], [sflag:$0x1] =	stream.indirect.gather [hbm4b:s0+s15], $0x80, s19, s15, $0xb8;
	[tilespmem:$0x1FC80] =	vst v63  }
0x197: {  	_ =	swait.ge [sflag:s16], $0x2800  }
0x198: {  	[sflag:s16] =	ssyncset.done $0x0  }
0x199: {  	s23 =	simm.s32 $0x14B00;
	[sflag:s16] =	ssyncadd.s32 $0xFFFFD800  }
0x19a: {  	[spmem:s3] =	stream.indirect.scatter.add.f32 [tilespmem:s12], [sflag:$0x4], $0x80, s23, s15, $0xb8;
	[tilespmem:$0x1FC80] =	vst v63  }
0x19b: {  	_ =	swait.ge [sflag:s10], $0x2800  }
0x19c: {  	[sflag:s10] =	ssyncset.done $0x0  }
0x19d: {  	s18 =	rddreg [dreg:$0x10];
	[sflag:s10] =	ssyncadd.s32 $0xFFFFD800  }
0x19e: {  	[tilespmem:s12], [sflag:$0x2] =	stream.indirect.gather [hbm4b:s0+s15], $0x80, s18, s15, $0xb8;
	[tilespmem:$0x1FC80] =	vst v63  }
0x19f: {  	_ =	swait.ge [sflag:s17], $0x2800  }
0x1a0: {  	[sflag:s17] =	ssyncset.done $0x0  }
0x1a1: {  	s19 =	simm.s32 $0x14B80;
	[sflag:s17] =	ssyncadd.s32 $0xFFFFD800  }
0x1a2: {  	[spmem:s3] =	stream.indirect.scatter.add.f32 [tilespmem:s13], [sflag:$0x4], $0x80, s19, s15, $0xb8;
	[tilespmem:$0x1FC80] =	vst v63  }
0x1a3: {  	_ =	swait.ge [sflag:s10], $0x2800  }
0x1a4: {  	[sflag:s10] =	ssyncset.done $0x0  }
0x1a5: {  	s23 =	rddreg [dreg:$0x11];
	[sflag:s10] =	ssyncadd.s32 $0xFFFFD800  }
0x1a6: {  	[tilespmem:s13], [sflag:$0x3] =	stream.indirect.gather [hbm4b:s0+s15], $0x80, s23, s15, $0xb8;
	[tilespmem:$0x1FC80] =	vst v63  }
0x1a7: {  	_ =	swait.ge [sflag:s14], $0x2800  }
0x1a8: {  	[sflag:s14] =	ssyncset.done $0x0  }
0x1a9: {  	s18 =	simm.s32 $0x14C00;
	[sflag:s14] =	ssyncadd.s32 $0xFFFFD800  }
0x1aa: {  	[spmem:s3] =	stream.indirect.scatter.add.f32 [tilespmem:s9], [sflag:$0x4], $0x80, s18, s15, $0xb8;
	[tilespmem:$0x1FC80] =	vst v63  }
0x1ab: {  	_ =	swait.ge [sflag:s10], $0x2800  }
0x1ac: {  	[sflag:s10] =	ssyncset.done $0x0  }
0x1ad: {  	s19 =	rddreg [dreg:$0x12];
	[sflag:s10] =	ssyncadd.s32 $0xFFFFD800  }
0x1ae: {  	[tilespmem:s9], [sflag:$0x1] =	stream.indirect.gather [hbm4b:s0+s15], $0x80, s19, s15, $0xb8;
	[tilespmem:$0x1FC80] =	vst v63  }
0x1af: {  	_ =	swait.ge [sflag:s16], $0x2800  }
0x1b0: {  	[sflag:s16] =	ssyncset.done $0x0  }
0x1b1: {  	s23 =	simm.s32 $0x14C80;
	[sflag:s16] =	ssyncadd.s32 $0xFFFFD800  }
0x1b2: {  	[spmem:s3] =	stream.indirect.scatter.add.f32 [tilespmem:s12], [sflag:$0x4], $0x80, s23, s15, $0xb8;
	[tilespmem:$0x1FC80] =	vst v63  }
0x1b3: {  	_ =	swait.ge [sflag:s10], $0x2800  }
0x1b4: {  	[sflag:s10] =	ssyncset.done $0x0  }
0x1b5: {  	s18 =	rddreg [dreg:$0x13];
	[sflag:s10] =	ssyncadd.s32 $0xFFFFD800  }
0x1b6: {  	[tilespmem:s12], [sflag:$0x2] =	stream.indirect.gather [hbm4b:s0+s15], $0x80, s18, s15, $0xb8;
	[tilespmem:$0x1FC80] =	vst v63  }
0x1b7: {  	_ =	swait.ge [sflag:s17], $0x2800  }
0x1b8: {  	[sflag:s17] =	ssyncset.done $0x0  }
0x1b9: {  	s19 =	simm.s32 $0x14D00;
	[sflag:s17] =	ssyncadd.s32 $0xFFFFD800  }
0x1ba: {  	[spmem:s3] =	stream.indirect.scatter.add.f32 [tilespmem:s13], [sflag:$0x4], $0x80, s19, s15, $0xb8;
	[tilespmem:$0x1FC80] =	vst v63  }
0x1bb: {  	_ =	swait.ge [sflag:s10], $0x2800  }
0x1bc: {  	[sflag:s10] =	ssyncset.done $0x0  }
0x1bd: {  	s23 =	rddreg [dreg:$0x14];
	[sflag:s10] =	ssyncadd.s32 $0xFFFFD800  }
0x1be: {  	[tilespmem:s13], [sflag:$0x3] =	stream.indirect.gather [hbm4b:s0+s15], $0x80, s23, s15, $0xb8;
	[tilespmem:$0x1FC80] =	vst v63  }
0x1bf: {  	_ =	swait.ge [sflag:s14], $0x2800  }
0x1c0: {  	[sflag:s14] =	ssyncset.done $0x0  }
0x1c1: {  	s18 =	simm.s32 $0x14D80;
	[sflag:s14] =	ssyncadd.s32 $0xFFFFD800  }
0x1c2: {  	[spmem:s3] =	stream.indirect.scatter.add.f32 [tilespmem:s9], [sflag:$0x4], $0x80, s18, s15, $0xb8;
	[tilespmem:$0x1FC80] =	vst v63  }
0x1c3: {  	_ =	swait.ge [sflag:s10], $0x2800  }
0x1c4: {  	[sflag:s10] =	ssyncset.done $0x0  }
0x1c5: {  	s19 =	rddreg [dreg:$0x15];
	[sflag:s10] =	ssyncadd.s32 $0xFFFFD800  }
0x1c6: {  	[tilespmem:s9], [sflag:$0x1] =	stream.indirect.gather [hbm4b:s0+s15], $0x80, s19, s15, $0xb8;
	[tilespmem:$0x1FC80] =	vst v63  }
0x1c7: {  	_ =	swait.ge [sflag:s16], $0x2800  }
0x1c8: {  	[sflag:s16] =	ssyncset.done $0x0  }
0x1c9: {  	s23 =	simm.s32 $0x14E00;
	[sflag:s16] =	ssyncadd.s32 $0xFFFFD800  }
0x1ca: {  	[spmem:s3] =	stream.indirect.scatter.add.f32 [tilespmem:s12], [sflag:$0x4], $0x80, s23, s15, $0xb8;
	[tilespmem:$0x1FC80] =	vst v63  }
0x1cb: {  	_ =	swait.ge [sflag:s10], $0x2800  }
0x1cc: {  	[sflag:s10] =	ssyncset.done $0x0  }
0x1cd: {  	s18 =	rddreg [dreg:$0x16];
	[sflag:s10] =	ssyncadd.s32 $0xFFFFD800  }
0x1ce: {  	[tilespmem:s12], [sflag:$0x2] =	stream.indirect.gather [hbm4b:s0+s15], $0x80, s18, s15, $0xb8;
	[tilespmem:$0x1FC80] =	vst v63  }
0x1cf: {  	_ =	swait.ge [sflag:s17], $0x2800  }
0x1d0: {  	[sflag:s17] =	ssyncset.done $0x0  }
0x1d1: {  	s19 =	simm.s32 $0x14E80;
	[sflag:s17] =	ssyncadd.s32 $0xFFFFD800  }
0x1d2: {  	[spmem:s3] =	stream.indirect.scatter.add.f32 [tilespmem:s13], [sflag:$0x4], $0x80, s19, s15, $0xb8;
	[tilespmem:$0x1FC80] =	vst v63  }
0x1d3: {  	_ =	swait.ge [sflag:s10], $0x2800  }
0x1d4: {  	[sflag:s10] =	ssyncset.done $0x0  }
0x1d5: {  	s23 =	rddreg [dreg:$0x17];
	[sflag:s10] =	ssyncadd.s32 $0xFFFFD800  }
0x1d6: {  	[tilespmem:s13], [sflag:$0x3] =	stream.indirect.gather [hbm4b:s0+s15], $0x80, s23, s15, $0xb8;
	[tilespmem:$0x1FC80] =	vst v63  }
0x1d7: {  	_ =	swait.ge [sflag:s14], $0x2800  }
0x1d8: {  	[sflag:s14] =	ssyncset.done $0x0  }
0x1d9: {  	s18 =	simm.s32 $0x14F00;
	[sflag:s14] =	ssyncadd.s32 $0xFFFFD800  }
0x1da: {  	[spmem:s3] =	stream.indirect.scatter.add.f32 [tilespmem:s9], [sflag:$0x4], $0x80, s18, s15, $0xb8;
	[tilespmem:$0x1FC80] =	vst v63  }
0x1db: {  	_ =	swait.ge [sflag:s10], $0x2800  }
0x1dc: {  	[sflag:s10] =	ssyncset.done $0x0  }
0x1dd: {  	[sflag:s10] =	ssyncadd.s32 $0xFFFFD800  }
0x1de: {  	_ =	swait.ge [sflag:s16], $0x2800  }
0x1df: {  	[sflag:s16] =	ssyncset.done $0x0  }
0x1e0: {  	s19 =	simm.s32 $0x14F80;
	[sflag:s16] =	ssyncadd.s32 $0xFFFFD800  }
0x1e1: {  	[spmem:s3] =	stream.indirect.scatter.add.f32 [tilespmem:s12], [sflag:$0x4], $0x80, s19, s15, $0xb8;
	[tilespmem:$0x1FC80] =	vst v63  }
0x1e2: {  	_ =	swait.ge [sflag:s10], $0x2800  }
0x1e3: {  	[sflag:s10] =	ssyncset.done $0x0  }
0x1e4: {  	[sflag:s10] =	ssyncadd.s32 $0xFFFFD800  }
0x1e5: {  	_ =	swait.ge [sflag:s17], $0x2800  }
0x1e6: {  	[sflag:s17] =	ssyncset.done $0x0  }
0x1e7: {  	s23 =	simm.s32 $0x15000;
	[sflag:s17] =	ssyncadd.s32 $0xFFFFD800  }
0x1e8: {  	[spmem:s3] =	stream.indirect.scatter.add.f32 [tilespmem:s13], [sflag:$0x4], $0x80, s23, s15, $0xb8;
	[tilespmem:$0x1FC80] =	vst v63  }
0x1e9: {  	_ =	swait.ge [sflag:s10], $0x2800  }
0x1ea: {  	s7 =	simm.s32 $0x3000;
	[sflag:s10] =	ssyncset.done $0x0  }
.LBB2_8:
0x1eb: {  	[sflag:s10] =	ssyncadd.s32 $0xFFFFD800;
	s8 =	sadd.s32 $0x180, s8  }
0x1ec: {  	[tilespmem:s21], [sflag:$0x4] =	stream.linear.gather [hbm4b:s8+s4], $0xC00, $0x38;
	[tilespmem:$0x1FC80] =	vst v63  }
0x1ed: {  	_ =	swait.ge [sflag:s10], $0xC00  }
0x1ee: {  	[sflag:s10] =	ssyncset.done $0x0  }
0x1ef: {  	[sflag:s10] =	ssyncadd.s32 $0xFFFFF400  }
0x1f0: {  	[tilespmem:s9], [sflag:$0x1] =	stream.indirect.gather [hbm4b:s0+s15], $0x80, s21, s15, $0xb8;
	[tilespmem:$0x1FC80] =	vst v63  }
0x1f1: {  	_ = 	snop  }
0x1f2: {  	[tilespmem:s12], [sflag:$0x2] =	stream.indirect.gather [hbm4b:s0+s15], $0x80, s25, s15, $0xb8;
	[tilespmem:$0x1FC80] =	vst v63  }
0x1f3: {  	_ = 	snop  }
0x1f4: {  	[tilespmem:s13], [sflag:$0x3] =	stream.indirect.gather [hbm4b:s0+s15], $0x80, s26, s15, $0xb8;
	[tilespmem:$0x1FC80] =	vst v63  }
0x1f5: {  	s18 =	smov.u32 s7;
	_ =	swait.ge [sflag:s14], $0x2800  }
0x1f6: {  	s18 =	sshra.s32 s18, $0x2;
	[sflag:s14] =	ssyncset.done $0x0  }
0x1f7: {  	s19 =	sadd.s32 $0x14480, s18;
	[sflag:s14] =	ssyncadd.s32 $0xFFFFD800  }
0x1f8: {  	[spmem:s3] =	stream.indirect.scatter.add.f32 [tilespmem:s9], [sflag:$0x4], $0x80, s19, s15, $0xb8;
	[tilespmem:$0x1FC80] =	vst v63  }
0x1f9: {  	_ =	swait.ge [sflag:s10], $0x2800  }
0x1fa: {  	[sflag:s10] =	ssyncset.done $0x0  }
0x1fb: {  	[sflag:s10] =	ssyncadd.s32 $0xFFFFD800  }
0x1fc: {  	[tilespmem:s9], [sflag:$0x1] =	stream.indirect.gather [hbm4b:s0+s15], $0x80, s28, s15, $0xb8;
	[tilespmem:$0x1FC80] =	vst v63  }
0x1fd: {  	_ =	swait.ge [sflag:s16], $0x2800  }
0x1fe: {  	[sflag:s16] =	ssyncset.done $0x0  }
0x1ff: {  	s23 =	sadd.s32 $0x14500, s18;
	[sflag:s16] =	ssyncadd.s32 $0xFFFFD800  }
0x200: {  	[spmem:s3] =	stream.indirect.scatter.add.f32 [tilespmem:s12], [sflag:$0x4], $0x80, s23, s15, $0xb8;
	[tilespmem:$0x1FC80] =	vst v63  }
0x201: {  	_ =	swait.ge [sflag:s10], $0x2800  }
0x202: {  	[sflag:s10] =	ssyncset.done $0x0  }
0x203: {  	[sflag:s10] =	ssyncadd.s32 $0xFFFFD800  }
0x204: {  	[tilespmem:s12], [sflag:$0x2] =	stream.indirect.gather [hbm4b:s0+s15], $0x80, s29, s15, $0xb8;
	[tilespmem:$0x1FC80] =	vst v63  }
0x205: {  	_ =	swait.ge [sflag:s17], $0x2800  }
0x206: {  	[sflag:s17] =	ssyncset.done $0x0  }
0x207: {  	s23 =	sadd.s32 $0x14580, s18;
	[sflag:s17] =	ssyncadd.s32 $0xFFFFD800  }
0x208: {  	[spmem:s3] =	stream.indirect.scatter.add.f32 [tilespmem:s13], [sflag:$0x4], $0x80, s23, s15, $0xb8;
	[tilespmem:$0x1FC80] =	vst v63  }
0x209: {  	_ =	swait.ge [sflag:s10], $0x2800  }
0x20a: {  	[sflag:s10] =	ssyncset.done $0x0  }
0x20b: {  	s23 =	rddreg [dreg:$0x5];
	[sflag:s10] =	ssyncadd.s32 $0xFFFFD800  }
0x20c: {  	[tilespmem:s13], [sflag:$0x3] =	stream.indirect.gather [hbm4b:s0+s15], $0x80, s23, s15, $0xb8;
	[tilespmem:$0x1FC80] =	vst v63  }
0x20d: {  	_ =	swait.ge [sflag:s14], $0x2800  }
0x20e: {  	[sflag:s14] =	ssyncset.done $0x0  }
0x20f: {  	s23 =	sadd.s32 $0x14600, s18;
	[sflag:s14] =	ssyncadd.s32 $0xFFFFD800  }
0x210: {  	[spmem:s3] =	stream.indirect.scatter.add.f32 [tilespmem:s9], [sflag:$0x4], $0x80, s23, s15, $0xb8;
	[tilespmem:$0x1FC80] =	vst v63  }
0x211: {  	_ =	swait.ge [sflag:s10], $0x2800  }
0x212: {  	[sflag:s10] =	ssyncset.done $0x0  }
0x213: {  	s23 =	rddreg [dreg:$0x6];
	[sflag:s10] =	ssyncadd.s32 $0xFFFFD800  }
0x214: {  	[tilespmem:s9], [sflag:$0x1] =	stream.indirect.gather [hbm4b:s0+s15], $0x80, s23, s15, $0xb8;
	[tilespmem:$0x1FC80] =	vst v63  }
0x215: {  	_ =	swait.ge [sflag:s16], $0x2800  }
0x216: {  	[sflag:s16] =	ssyncset.done $0x0  }
0x217: {  	s23 =	sadd.s32 $0x14680, s18;
	[sflag:s16] =	ssyncadd.s32 $0xFFFFD800  }
0x218: {  	[spmem:s3] =	stream.indirect.scatter.add.f32 [tilespmem:s12], [sflag:$0x4], $0x80, s23, s15, $0xb8;
	[tilespmem:$0x1FC80] =	vst v63  }
0x219: {  	_ =	swait.ge [sflag:s10], $0x2800  }
0x21a: {  	[sflag:s10] =	ssyncset.done $0x0  }
0x21b: {  	s23 =	rddreg [dreg:$0x7];
	[sflag:s10] =	ssyncadd.s32 $0xFFFFD800  }
0x21c: {  	[tilespmem:s12], [sflag:$0x2] =	stream.indirect.gather [hbm4b:s0+s15], $0x80, s23, s15, $0xb8;
	[tilespmem:$0x1FC80] =	vst v63  }
0x21d: {  	_ =	swait.ge [sflag:s17], $0x2800  }
0x21e: {  	[sflag:s17] =	ssyncset.done $0x0  }
0x21f: {  	s23 =	sadd.s32 $0x14700, s18;
	[sflag:s17] =	ssyncadd.s32 $0xFFFFD800  }
0x220: {  	[spmem:s3] =	stream.indirect.scatter.add.f32 [tilespmem:s13], [sflag:$0x4], $0x80, s23, s15, $0xb8;
	[tilespmem:$0x1FC80] =	vst v63  }
0x221: {  	_ =	swait.ge [sflag:s10], $0x2800  }
0x222: {  	[sflag:s10] =	ssyncset.done $0x0  }
0x223: {  	s23 =	rddreg [dreg:$0x8];
	[sflag:s10] =	ssyncadd.s32 $0xFFFFD800  }
0x224: {  	[tilespmem:s13], [sflag:$0x3] =	stream.indirect.gather [hbm4b:s0+s15], $0x80, s23, s15, $0xb8;
	[tilespmem:$0x1FC80] =	vst v63  }
0x225: {  	_ =	swait.ge [sflag:s14], $0x2800  }
0x226: {  	[sflag:s14] =	ssyncset.done $0x0  }
0x227: {  	s23 =	sadd.s32 $0x14780, s18;
	[sflag:s14] =	ssyncadd.s32 $0xFFFFD800  }
0x228: {  	[spmem:s3] =	stream.indirect.scatter.add.f32 [tilespmem:s9], [sflag:$0x4], $0x80, s23, s15, $0xb8;
	[tilespmem:$0x1FC80] =	vst v63  }
0x229: {  	_ =	swait.ge [sflag:s10], $0x2800  }
0x22a: {  	[sflag:s10] =	ssyncset.done $0x0  }
0x22b: {  	s23 =	rddreg [dreg:$0x9];
	[sflag:s10] =	ssyncadd.s32 $0xFFFFD800  }
0x22c: {  	[tilespmem:s9], [sflag:$0x1] =	stream.indirect.gather [hbm4b:s0+s15], $0x80, s23, s15, $0xb8;
	[tilespmem:$0x1FC80] =	vst v63  }
0x22d: {  	_ =	swait.ge [sflag:s16], $0x2800  }
0x22e: {  	[sflag:s16] =	ssyncset.done $0x0  }
0x22f: {  	s23 =	sadd.s32 $0x14800, s18;
	[sflag:s16] =	ssyncadd.s32 $0xFFFFD800  }
0x230: {  	[spmem:s3] =	stream.indirect.scatter.add.f32 [tilespmem:s12], [sflag:$0x4], $0x80, s23, s15, $0xb8;
	[tilespmem:$0x1FC80] =	vst v63  }
0x231: {  	_ =	swait.ge [sflag:s10], $0x2800  }
0x232: {  	[sflag:s10] =	ssyncset.done $0x0  }
0x233: {  	s23 =	rddreg [dreg:$0xa];
	[sflag:s10] =	ssyncadd.s32 $0xFFFFD800  }
0x234: {  	[tilespmem:s12], [sflag:$0x2] =	stream.indirect.gather [hbm4b:s0+s15], $0x80, s23, s15, $0xb8;
	[tilespmem:$0x1FC80] =	vst v63  }
0x235: {  	_ =	swait.ge [sflag:s17], $0x2800  }
0x236: {  	[sflag:s17] =	ssyncset.done $0x0  }
0x237: {  	s23 =	sadd.s32 $0x14880, s18;
	[sflag:s17] =	ssyncadd.s32 $0xFFFFD800  }
0x238: {  	[spmem:s3] =	stream.indirect.scatter.add.f32 [tilespmem:s13], [sflag:$0x4], $0x80, s23, s15, $0xb8;
	[tilespmem:$0x1FC80] =	vst v63  }
0x239: {  	_ =	swait.ge [sflag:s10], $0x2800  }
0x23a: {  	[sflag:s10] =	ssyncset.done $0x0  }
0x23b: {  	s23 =	rddreg [dreg:$0xb];
	[sflag:s10] =	ssyncadd.s32 $0xFFFFD800  }
0x23c: {  	[tilespmem:s13], [sflag:$0x3] =	stream.indirect.gather [hbm4b:s0+s15], $0x80, s23, s15, $0xb8;
	[tilespmem:$0x1FC80] =	vst v63  }
0x23d: {  	_ =	swait.ge [sflag:s14], $0x2800  }
0x23e: {  	[sflag:s14] =	ssyncset.done $0x0  }
0x23f: {  	s23 =	sadd.s32 $0x14900, s18;
	[sflag:s14] =	ssyncadd.s32 $0xFFFFD800  }
0x240: {  	[spmem:s3] =	stream.indirect.scatter.add.f32 [tilespmem:s9], [sflag:$0x4], $0x80, s23, s15, $0xb8;
	[tilespmem:$0x1FC80] =	vst v63  }
0x241: {  	_ =	swait.ge [sflag:s10], $0x2800  }
0x242: {  	[sflag:s10] =	ssyncset.done $0x0  }
0x243: {  	s23 =	rddreg [dreg:$0xc];
	[sflag:s10] =	ssyncadd.s32 $0xFFFFD800  }
0x244: {  	[tilespmem:s9], [sflag:$0x1] =	stream.indirect.gather [hbm4b:s0+s15], $0x80, s23, s15, $0xb8;
	[tilespmem:$0x1FC80] =	vst v63  }
0x245: {  	_ =	swait.ge [sflag:s16], $0x2800  }
0x246: {  	[sflag:s16] =	ssyncset.done $0x0  }
0x247: {  	s23 =	sadd.s32 $0x14980, s18;
	[sflag:s16] =	ssyncadd.s32 $0xFFFFD800  }
0x248: {  	[spmem:s3] =	stream.indirect.scatter.add.f32 [tilespmem:s12], [sflag:$0x4], $0x80, s23, s15, $0xb8;
	[tilespmem:$0x1FC80] =	vst v63  }
0x249: {  	_ =	swait.ge [sflag:s10], $0x2800  }
0x24a: {  	[sflag:s10] =	ssyncset.done $0x0  }
0x24b: {  	s23 =	rddreg [dreg:$0xd];
	[sflag:s10] =	ssyncadd.s32 $0xFFFFD800  }
0x24c: {  	[tilespmem:s12], [sflag:$0x2] =	stream.indirect.gather [hbm4b:s0+s15], $0x80, s23, s15, $0xb8;
	[tilespmem:$0x1FC80] =	vst v63  }
0x24d: {  	_ =	swait.ge [sflag:s17], $0x2800  }
0x24e: {  	[sflag:s17] =	ssyncset.done $0x0  }
0x24f: {  	s23 =	sadd.s32 $0x14A00, s18;
	[sflag:s17] =	ssyncadd.s32 $0xFFFFD800  }
0x250: {  	[spmem:s3] =	stream.indirect.scatter.add.f32 [tilespmem:s13], [sflag:$0x4], $0x80, s23, s15, $0xb8;
	[tilespmem:$0x1FC80] =	vst v63  }
0x251: {  	_ =	swait.ge [sflag:s10], $0x2800  }
0x252: {  	[sflag:s10] =	ssyncset.done $0x0  }
0x253: {  	s23 =	rddreg [dreg:$0xe];
	[sflag:s10] =	ssyncadd.s32 $0xFFFFD800  }
0x254: {  	[tilespmem:s13], [sflag:$0x3] =	stream.indirect.gather [hbm4b:s0+s15], $0x80, s23, s15, $0xb8;
	[tilespmem:$0x1FC80] =	vst v63  }
0x255: {  	_ =	swait.ge [sflag:s14], $0x2800  }
0x256: {  	[sflag:s14] =	ssyncset.done $0x0  }
0x257: {  	s23 =	sadd.s32 $0x14A80, s18;
	[sflag:s14] =	ssyncadd.s32 $0xFFFFD800  }
0x258: {  	[spmem:s3] =	stream.indirect.scatter.add.f32 [tilespmem:s9], [sflag:$0x4], $0x80, s23, s15, $0xb8;
	[tilespmem:$0x1FC80] =	vst v63  }
0x259: {  	_ =	swait.ge [sflag:s10], $0x2800  }
0x25a: {  	[sflag:s10] =	ssyncset.done $0x0  }
0x25b: {  	s23 =	rddreg [dreg:$0xf];
	[sflag:s10] =	ssyncadd.s32 $0xFFFFD800  }
0x25c: {  	[tilespmem:s9], [sflag:$0x1] =	stream.indirect.gather [hbm4b:s0+s15], $0x80, s23, s15, $0xb8;
	[tilespmem:$0x1FC80] =	vst v63  }
0x25d: {  	_ =	swait.ge [sflag:s16], $0x2800  }
0x25e: {  	[sflag:s16] =	ssyncset.done $0x0  }
0x25f: {  	s23 =	sadd.s32 $0x14B00, s18;
	[sflag:s16] =	ssyncadd.s32 $0xFFFFD800  }
0x260: {  	[spmem:s3] =	stream.indirect.scatter.add.f32 [tilespmem:s12], [sflag:$0x4], $0x80, s23, s15, $0xb8;
	[tilespmem:$0x1FC80] =	vst v63  }
0x261: {  	_ =	swait.ge [sflag:s10], $0x2800  }
0x262: {  	[sflag:s10] =	ssyncset.done $0x0  }
0x263: {  	s23 =	rddreg [dreg:$0x10];
	[sflag:s10] =	ssyncadd.s32 $0xFFFFD800  }
0x264: {  	[tilespmem:s12], [sflag:$0x2] =	stream.indirect.gather [hbm4b:s0+s15], $0x80, s23, s15, $0xb8;
	[tilespmem:$0x1FC80] =	vst v63  }
0x265: {  	_ =	swait.ge [sflag:s17], $0x2800  }
0x266: {  	[sflag:s17] =	ssyncset.done $0x0  }
0x267: {  	s23 =	sadd.s32 $0x14B80, s18;
	[sflag:s17] =	ssyncadd.s32 $0xFFFFD800  }
0x268: {  	[spmem:s3] =	stream.indirect.scatter.add.f32 [tilespmem:s13], [sflag:$0x4], $0x80, s23, s15, $0xb8;
	[tilespmem:$0x1FC80] =	vst v63  }
0x269: {  	_ =	swait.ge [sflag:s10], $0x2800  }
0x26a: {  	[sflag:s10] =	ssyncset.done $0x0  }
0x26b: {  	s23 =	rddreg [dreg:$0x11];
	[sflag:s10] =	ssyncadd.s32 $0xFFFFD800  }
0x26c: {  	[tilespmem:s13], [sflag:$0x3] =	stream.indirect.gather [hbm4b:s0+s15], $0x80, s23, s15, $0xb8;
	[tilespmem:$0x1FC80] =	vst v63  }
0x26d: {  	_ =	swait.ge [sflag:s14], $0x2800  }
0x26e: {  	[sflag:s14] =	ssyncset.done $0x0  }
0x26f: {  	s23 =	sadd.s32 $0x14C00, s18;
	[sflag:s14] =	ssyncadd.s32 $0xFFFFD800  }
0x270: {  	[spmem:s3] =	stream.indirect.scatter.add.f32 [tilespmem:s9], [sflag:$0x4], $0x80, s23, s15, $0xb8;
	[tilespmem:$0x1FC80] =	vst v63  }
0x271: {  	_ =	swait.ge [sflag:s10], $0x2800  }
0x272: {  	[sflag:s10] =	ssyncset.done $0x0  }
0x273: {  	s23 =	rddreg [dreg:$0x12];
	[sflag:s10] =	ssyncadd.s32 $0xFFFFD800  }
0x274: {  	[tilespmem:s9], [sflag:$0x1] =	stream.indirect.gather [hbm4b:s0+s15], $0x80, s23, s15, $0xb8;
	[tilespmem:$0x1FC80] =	vst v63  }
0x275: {  	_ =	swait.ge [sflag:s16], $0x2800  }
0x276: {  	[sflag:s16] =	ssyncset.done $0x0  }
0x277: {  	s23 =	sadd.s32 $0x14C80, s18;
	[sflag:s16] =	ssyncadd.s32 $0xFFFFD800  }
0x278: {  	[spmem:s3] =	stream.indirect.scatter.add.f32 [tilespmem:s12], [sflag:$0x4], $0x80, s23, s15, $0xb8;
	[tilespmem:$0x1FC80] =	vst v63  }
0x279: {  	_ =	swait.ge [sflag:s10], $0x2800  }
0x27a: {  	[sflag:s10] =	ssyncset.done $0x0  }
0x27b: {  	s23 =	rddreg [dreg:$0x13];
	[sflag:s10] =	ssyncadd.s32 $0xFFFFD800  }
0x27c: {  	[tilespmem:s12], [sflag:$0x2] =	stream.indirect.gather [hbm4b:s0+s15], $0x80, s23, s15, $0xb8;
	[tilespmem:$0x1FC80] =	vst v63  }
0x27d: {  	_ =	swait.ge [sflag:s17], $0x2800  }
0x27e: {  	[sflag:s17] =	ssyncset.done $0x0  }
0x27f: {  	s23 =	sadd.s32 $0x14D00, s18;
	[sflag:s17] =	ssyncadd.s32 $0xFFFFD800  }
0x280: {  	[spmem:s3] =	stream.indirect.scatter.add.f32 [tilespmem:s13], [sflag:$0x4], $0x80, s23, s15, $0xb8;
	[tilespmem:$0x1FC80] =	vst v63  }
0x281: {  	_ =	swait.ge [sflag:s10], $0x2800  }
0x282: {  	[sflag:s10] =	ssyncset.done $0x0  }
0x283: {  	s23 =	rddreg [dreg:$0x14];
	[sflag:s10] =	ssyncadd.s32 $0xFFFFD800  }
0x284: {  	[tilespmem:s13], [sflag:$0x3] =	stream.indirect.gather [hbm4b:s0+s15], $0x80, s23, s15, $0xb8;
	[tilespmem:$0x1FC80] =	vst v63  }
0x285: {  	_ =	swait.ge [sflag:s14], $0x2800  }
0x286: {  	[sflag:s14] =	ssyncset.done $0x0  }
0x287: {  	s23 =	sadd.s32 $0x14D80, s18;
	[sflag:s14] =	ssyncadd.s32 $0xFFFFD800  }
0x288: {  	[spmem:s3] =	stream.indirect.scatter.add.f32 [tilespmem:s9], [sflag:$0x4], $0x80, s23, s15, $0xb8;
	[tilespmem:$0x1FC80] =	vst v63  }
0x289: {  	_ =	swait.ge [sflag:s10], $0x2800  }
0x28a: {  	[sflag:s10] =	ssyncset.done $0x0  }
0x28b: {  	s23 =	rddreg [dreg:$0x15];
	[sflag:s10] =	ssyncadd.s32 $0xFFFFD800  }
0x28c: {  	[tilespmem:s9], [sflag:$0x1] =	stream.indirect.gather [hbm4b:s0+s15], $0x80, s23, s15, $0xb8;
	[tilespmem:$0x1FC80] =	vst v63  }
0x28d: {  	_ =	swait.ge [sflag:s16], $0x2800  }
0x28e: {  	[sflag:s16] =	ssyncset.done $0x0  }
0x28f: {  	s23 =	sadd.s32 $0x14E00, s18;
	[sflag:s16] =	ssyncadd.s32 $0xFFFFD800  }
0x290: {  	[spmem:s3] =	stream.indirect.scatter.add.f32 [tilespmem:s12], [sflag:$0x4], $0x80, s23, s15, $0xb8;
	[tilespmem:$0x1FC80] =	vst v63  }
0x291: {  	_ =	swait.ge [sflag:s10], $0x2800  }
0x292: {  	[sflag:s10] =	ssyncset.done $0x0  }
0x293: {  	s23 =	rddreg [dreg:$0x16];
	[sflag:s10] =	ssyncadd.s32 $0xFFFFD800  }
0x294: {  	[tilespmem:s12], [sflag:$0x2] =	stream.indirect.gather [hbm4b:s0+s15], $0x80, s23, s15, $0xb8;
	[tilespmem:$0x1FC80] =	vst v63  }
0x295: {  	_ =	swait.ge [sflag:s17], $0x2800  }
0x296: {  	[sflag:s17] =	ssyncset.done $0x0  }
0x297: {  	s23 =	sadd.s32 $0x14E80, s18;
	[sflag:s17] =	ssyncadd.s32 $0xFFFFD800  }
0x298: {  	[spmem:s3] =	stream.indirect.scatter.add.f32 [tilespmem:s13], [sflag:$0x4], $0x80, s23, s15, $0xb8;
	[tilespmem:$0x1FC80] =	vst v63  }
0x299: {  	_ =	swait.ge [sflag:s10], $0x2800  }
0x29a: {  	[sflag:s10] =	ssyncset.done $0x0  }
0x29b: {  	s23 =	rddreg [dreg:$0x17];
	[sflag:s10] =	ssyncadd.s32 $0xFFFFD800  }
0x29c: {  	[tilespmem:s13], [sflag:$0x3] =	stream.indirect.gather [hbm4b:s0+s15], $0x80, s23, s15, $0xb8;
	[tilespmem:$0x1FC80] =	vst v63  }
0x29d: {  	_ =	swait.ge [sflag:s14], $0x2800  }
0x29e: {  	[sflag:s14] =	ssyncset.done $0x0  }
0x29f: {  	s23 =	sadd.s32 $0x14F00, s18;
	[sflag:s14] =	ssyncadd.s32 $0xFFFFD800  }
0x2a0: {  	[spmem:s3] =	stream.indirect.scatter.add.f32 [tilespmem:s9], [sflag:$0x4], $0x80, s23, s15, $0xb8;
	[tilespmem:$0x1FC80] =	vst v63  }
0x2a1: {  	_ =	swait.ge [sflag:s10], $0x2800  }
0x2a2: {  	[sflag:s10] =	ssyncset.done $0x0  }
0x2a3: {  	[sflag:s10] =	ssyncadd.s32 $0xFFFFD800  }
0x2a4: {  	_ =	swait.ge [sflag:s16], $0x2800  }
0x2a5: {  	[sflag:s16] =	ssyncset.done $0x0  }
0x2a6: {  	s23 =	sadd.s32 $0x14F80, s18;
	[sflag:s16] =	ssyncadd.s32 $0xFFFFD800  }
0x2a7: {  	[spmem:s3] =	stream.indirect.scatter.add.f32 [tilespmem:s12], [sflag:$0x4], $0x80, s23, s15, $0xb8;
	[tilespmem:$0x1FC80] =	vst v63  }
0x2a8: {  	_ =	swait.ge [sflag:s10], $0x2800  }
0x2a9: {  	[sflag:s10] =	ssyncset.done $0x0  }
0x2aa: {  	[sflag:s10] =	ssyncadd.s32 $0xFFFFD800  }
0x2ab: {  	p1 =	sne.s32 s7, $0xC000;
	_ =	swait.ge [sflag:s17], $0x2800  }
.Ltmp3:
0x2ac: {  	[sflag:s17] =	ssyncset.done $0x0;
	(pc) =	sbr.rel @p1 .LBB2_8-.Ltmp3, $4  }
0x2ad: {  	s18 =	sadd.s32 $0x15000, s18;
	[sflag:s17] =	ssyncadd.s32 $0xFFFFD800  }
0x2ae: {  	[spmem:s3] =	stream.indirect.scatter.add.f32 [tilespmem:s13], [sflag:$0x4], $0x80, s18, s15, $0xb8;
	[tilespmem:$0x1FC80] =	vst v63  }
0x2af: {  	_ =	swait.ge [sflag:s10], $0x2800  }
0x2b0: {  	s7 =	sadd.s32 $0x3000, s7;
	[sflag:s10] =	ssyncset.done $0x0  }
0x2b1: {  	s8 =	sld [smem:$0x7F4];
	_ =	sdelay $0x1  }
0x2b2: {  	[sflag:s10] =	ssyncadd.s32 $0xFFFFD800;
	s7 =	simm.s32 $0x0  }
0x2b3: {  	[tilespmem:s21], [sflag:$0x4] =	stream.linear.gather [hbm4b:s8+s7], $0x280, $0x38;
	[tilespmem:$0x1FC80] =	vst v63  }
0x2b4: {  	_ =	swait.ge [sflag:s10], $0x280  }
0x2b5: {  	[sflag:s10] =	ssyncset.done $0x0  }
0x2b6: {  	[sflag:s10] =	ssyncadd.s32 $0xFFFFFD80  }
0x2b7: {  	[tilespmem:s9], [sflag:$0x1] =	stream.indirect.gather [hbm4b:s0+s15], $0x80, s21, s15, $0xb8;
	[tilespmem:$0x1FC80] =	vst v63  }
0x2b8: {  	_ = 	snop  }
0x2b9: {  	[tilespmem:s12], [sflag:$0x2] =	stream.indirect.gather [hbm4b:s0+s15], $0x80, s25, s15, $0xb8;
	[tilespmem:$0x1FC80] =	vst v63  }
0x2ba: {  	_ = 	snop  }
0x2bb: {  	[tilespmem:s13], [sflag:$0x3] =	stream.indirect.gather [hbm4b:s0+s15], $0x80, s26, s15, $0xb8;
	[tilespmem:$0x1FC80] =	vst v63  }
0x2bc: {  	_ =	swait.ge [sflag:s14], $0x2800  }
0x2bd: {  	[sflag:s14] =	ssyncset.done $0x0  }
0x2be: {  	s8 =	simm.s32 $0x18080;
	[sflag:s14] =	ssyncadd.s32 $0xFFFFD800  }
0x2bf: {  	[spmem:s3] =	stream.indirect.scatter.add.f32 [tilespmem:s9], [sflag:$0x4], $0x80, s8, s15, $0xb8;
	[tilespmem:$0x1FC80] =	vst v63  }
0x2c0: {  	_ =	swait.ge [sflag:s10], $0x2800  }
0x2c1: {  	[sflag:s10] =	ssyncset.done $0x0  }
0x2c2: {  	[sflag:s10] =	ssyncadd.s32 $0xFFFFD800  }
0x2c3: {  	[tilespmem:s9], [sflag:$0x1] =	stream.indirect.gather [hbm4b:s0+s15], $0x80, s28, s15, $0xb8;
	[tilespmem:$0x1FC80] =	vst v63  }
0x2c4: {  	_ =	swait.ge [sflag:s16], $0x2800  }
0x2c5: {  	[sflag:s16] =	ssyncset.done $0x0  }
0x2c6: {  	s18 =	simm.s32 $0x18100;
	[sflag:s16] =	ssyncadd.s32 $0xFFFFD800  }
0x2c7: {  	[spmem:s3] =	stream.indirect.scatter.add.f32 [tilespmem:s12], [sflag:$0x4], $0x80, s18, s15, $0xb8;
	[tilespmem:$0x1FC80] =	vst v63  }
0x2c8: {  	_ =	swait.ge [sflag:s10], $0x2800  }
0x2c9: {  	[sflag:s10] =	ssyncset.done $0x0  }
0x2ca: {  	[sflag:s10] =	ssyncadd.s32 $0xFFFFD800  }
0x2cb: {  	[tilespmem:s12], [sflag:$0x2] =	stream.indirect.gather [hbm4b:s0+s15], $0x80, s29, s15, $0xb8;
	[tilespmem:$0x1FC80] =	vst v63  }
0x2cc: {  	_ =	swait.ge [sflag:s17], $0x2800  }
0x2cd: {  	[sflag:s17] =	ssyncset.done $0x0  }
0x2ce: {  	s19 =	simm.s32 $0x18180;
	[sflag:s17] =	ssyncadd.s32 $0xFFFFD800  }
0x2cf: {  	[spmem:s3] =	stream.indirect.scatter.add.f32 [tilespmem:s13], [sflag:$0x4], $0x80, s19, s15, $0xb8;
	[tilespmem:$0x1FC80] =	vst v63  }
0x2d0: {  	_ =	swait.ge [sflag:s10], $0x2800  }
0x2d1: {  	[sflag:s10] =	ssyncset.done $0x0  }
0x2d2: {  	[sflag:s10] =	ssyncadd.s32 $0xFFFFD800  }
0x2d3: {  	_ =	swait.ge [sflag:s14], $0x2800  }
0x2d4: {  	[sflag:s14] =	ssyncset.done $0x0  }
0x2d5: {  	s23 =	simm.s32 $0x18200;
	[sflag:s14] =	ssyncadd.s32 $0xFFFFD800  }
0x2d6: {  	[spmem:s3] =	stream.indirect.scatter.add.f32 [tilespmem:s9], [sflag:$0x4], $0x80, s23, s15, $0xb8;
	[tilespmem:$0x1FC80] =	vst v63  }
0x2d7: {  	_ =	swait.ge [sflag:s10], $0x2800  }
0x2d8: {  	[sflag:s10] =	ssyncset.done $0x0  }
0x2d9: {  	[sflag:s10] =	ssyncadd.s32 $0xFFFFD800  }
0x2da: {  	_ =	swait.ge [sflag:s16], $0x2800  }
0x2db: {  	[sflag:s16] =	ssyncset.done $0x0  }
0x2dc: {  	s8 =	simm.s32 $0x18280;
	[sflag:s16] =	ssyncadd.s32 $0xFFFFD800  }
0x2dd: {  	[spmem:s3] =	stream.indirect.scatter.add.f32 [tilespmem:s12], [sflag:$0x4], $0x80, s8, s15, $0xb8;
	[tilespmem:$0x1FC80] =	vst v63  }
0x2de: {  	_ =	swait.ge [sflag:s10], $0x2800  }
0x2df: {  	[sflag:s10] =	ssyncset.done $0x0  }
0x2e0: {  	s18 =	simm.s32 $0x14480;
	[sflag:s10] =	ssyncadd.s32 $0xFFFFD800  }
0x2e1: {  	[tilespmem:s9], [sflag:$0x1] =	stream.indirect.gather [hbm4b:s24+s15], $0x80, s18, s15, $0xb8;
	[tilespmem:$0x1FC80] =	vst v63  }
0x2e2: {  	s19 =	simm.s32 $0x14500  }
0x2e3: {  	[tilespmem:s12], [sflag:$0x2] =	stream.indirect.gather [hbm4b:s24+s15], $0x80, s19, s15, $0xb8;
	[tilespmem:$0x1FC80] =	vst v63  }
0x2e4: {  	s7 =	simm.s32 $0x14580  }
0x2e5: {  	[tilespmem:s13], [sflag:$0x3] =	stream.indirect.gather [hbm4b:s24+s15], $0x80, s7, s15, $0xb8;
	[tilespmem:$0x1FC80] =	vst v63  }
0x2e6: {  	_ =	swait.ge [sflag:s14], $0x2800  }
0x2e7: {  	[sflag:s14] =	ssyncset.done $0x0  }
0x2e8: {  	s23 =	simm.s32 $0x14480;
	[sflag:s14] =	ssyncadd.s32 $0xFFFFD800  }
0x2e9: {  	[spmem:s3] =	stream.indirect.scatter.add.f32 [tilespmem:s9], [sflag:$0x4], $0x80, s23, s15, $0xb8;
	[tilespmem:$0x1FC80] =	vst v63  }
0x2ea: {  	_ =	swait.ge [sflag:s10], $0x2800  }
0x2eb: {  	[sflag:s10] =	ssyncset.done $0x0  }
0x2ec: {  	s18 =	simm.s32 $0x14600;
	[sflag:s10] =	ssyncadd.s32 $0xFFFFD800  }
0x2ed: {  	[tilespmem:s9], [sflag:$0x1] =	stream.indirect.gather [hbm4b:s24+s15], $0x80, s18, s15, $0xb8;
	[tilespmem:$0x1FC80] =	vst v63  }
0x2ee: {  	_ =	swait.ge [sflag:s16], $0x2800  }
0x2ef: {  	[sflag:s16] =	ssyncset.done $0x0  }
0x2f0: {  	s19 =	simm.s32 $0x14500;
	[sflag:s16] =	ssyncadd.s32 $0xFFFFD800  }
0x2f1: {  	[spmem:s3] =	stream.indirect.scatter.add.f32 [tilespmem:s12], [sflag:$0x4], $0x80, s19, s15, $0xb8;
	[tilespmem:$0x1FC80] =	vst v63  }
0x2f2: {  	_ =	swait.ge [sflag:s10], $0x2800  }
0x2f3: {  	[sflag:s10] =	ssyncset.done $0x0  }
0x2f4: {  	s23 =	simm.s32 $0x14680;
	[sflag:s10] =	ssyncadd.s32 $0xFFFFD800  }
0x2f5: {  	[tilespmem:s12], [sflag:$0x2] =	stream.indirect.gather [hbm4b:s24+s15], $0x80, s23, s15, $0xb8;
	[tilespmem:$0x1FC80] =	vst v63  }
0x2f6: {  	_ =	swait.ge [sflag:s17], $0x2800  }
0x2f7: {  	[sflag:s17] =	ssyncset.done $0x0  }
0x2f8: {  	[sflag:s17] =	ssyncadd.s32 $0xFFFFD800  }
0x2f9: {  	[spmem:s3] =	stream.indirect.scatter.add.f32 [tilespmem:s13], [sflag:$0x4], $0x80, s7, s15, $0xb8;
	[tilespmem:$0x1FC80] =	vst v63  }
0x2fa: {  	_ =	swait.ge [sflag:s10], $0x2800  }
0x2fb: {  	s8 =	simm.s32 $0xC00;
	s7 =	simm.s32 $0x180;
	[sflag:s10] =	ssyncset.done $0x0  }
.LBB2_10:
0x2fc: {  	s18 =	sadd.s32 $0x14580, s7  }
0x2fd: {  	[sflag:s10] =	ssyncadd.s32 $0xFFFFD800;
	s19 =	smov.u32 s8;
	s23 =	sadd.s32 $0x600, s8  }
0x2fe: {  	[tilespmem:s13], [sflag:$0x3] =	stream.indirect.gather [hbm4b:s24+s15], $0x80, s18, s15, $0xb8;
	[tilespmem:$0x1FC80] =	vst v63  }
0x2ff: {  	p1 =	sne.s32 s8, $0xF000;
	_ =	swait.ge [sflag:s14], $0x2800  }
0x300: {  	[sflag:s14] =	ssyncset.done $0x0  }
0x301: {  	s8 =	sadd.s32 $0x14480, s7;
	[sflag:s14] =	ssyncadd.s32 $0xFFFFD800  }
0x302: {  	[spmem:s3] =	stream.indirect.scatter.add.f32 [tilespmem:s9], [sflag:$0x4], $0x80, s8, s15, $0xb8;
	[tilespmem:$0x1FC80] =	vst v63  }
0x303: {  	_ =	swait.ge [sflag:s10], $0x2800  }
0x304: {  	[sflag:s10] =	ssyncset.done $0x0  }
0x305: {  	s8 =	sadd.s32 $0x14600, s7;
	[sflag:s10] =	ssyncadd.s32 $0xFFFFD800  }
0x306: {  	[tilespmem:s9], [sflag:$0x1] =	stream.indirect.gather [hbm4b:s24+s15], $0x80, s8, s15, $0xb8;
	[tilespmem:$0x1FC80] =	vst v63  }
0x307: {  	_ =	swait.ge [sflag:s16], $0x2800  }
0x308: {  	[sflag:s16] =	ssyncset.done $0x0  }
0x309: {  	s8 =	sadd.s32 $0x14500, s7;
	[sflag:s16] =	ssyncadd.s32 $0xFFFFD800  }
0x30a: {  	[spmem:s3] =	stream.indirect.scatter.add.f32 [tilespmem:s12], [sflag:$0x4], $0x80, s8, s15, $0xb8;
	[tilespmem:$0x1FC80] =	vst v63  }
0x30b: {  	_ =	swait.ge [sflag:s10], $0x2800  }
0x30c: {  	[sflag:s10] =	ssyncset.done $0x0  }
0x30d: {  	s7 =	sadd.s32 $0x14680, s7;
	[sflag:s10] =	ssyncadd.s32 $0xFFFFD800  }
0x30e: {  	[tilespmem:s12], [sflag:$0x2] =	stream.indirect.gather [hbm4b:s24+s15], $0x80, s7, s15, $0xb8;
	[tilespmem:$0x1FC80] =	vst v63  }
0x30f: {  	_ =	swait.ge [sflag:s17], $0x2800  }
.Ltmp4:
0x310: {  	[sflag:s17] =	ssyncset.done $0x0;
	(pc) =	sbr.rel @p1 .LBB2_10-.Ltmp4, $4  }
0x311: {  	[sflag:s17] =	ssyncadd.s32 $0xFFFFD800  }
0x312: {  	[spmem:s3] =	stream.indirect.scatter.add.f32 [tilespmem:s13], [sflag:$0x4], $0x80, s18, s15, $0xb8;
	[tilespmem:$0x1FC80] =	vst v63  }
0x313: {  	_ =	swait.ge [sflag:s10], $0x2800  }
0x314: {  	s8 =	smov.u32 s23;
	s7 =	sshra.s32 s19, $0x2;
	[sflag:s10] =	ssyncset.done $0x0  }
0x315: {  	s8 =	sadd.s32 $0x14580, s7;
	[sflag:s10] =	ssyncadd.s32 $0xFFFFD800  }
0x316: {  	[tilespmem:s13], [sflag:$0x3] =	stream.indirect.gather [hbm4b:s24+s15], $0x80, s8, s15, $0xb8;
	[tilespmem:$0x1FC80] =	vst v63  }
0x317: {  	_ =	swait.ge [sflag:s14], $0x2800  }
0x318: {  	[sflag:s14] =	ssyncset.done $0x0  }
0x319: {  	s18 =	sadd.s32 $0x14480, s7;
	[sflag:s14] =	ssyncadd.s32 $0xFFFFD800  }
0x31a: {  	[spmem:s3] =	stream.indirect.scatter.add.f32 [tilespmem:s9], [sflag:$0x4], $0x80, s18, s15, $0xb8;
	[tilespmem:$0x1FC80] =	vst v63  }
0x31b: {  	_ =	swait.ge [sflag:s10], $0x2800  }
0x31c: {  	[sflag:s10] =	ssyncset.done $0x0  }
0x31d: {  	s19 =	sadd.s32 $0x14600, s7;
	[sflag:s10] =	ssyncadd.s32 $0xFFFFD800  }
0x31e: {  	[tilespmem:s9], [sflag:$0x1] =	stream.indirect.gather [hbm4b:s24+s15], $0x80, s19, s15, $0xb8;
	[tilespmem:$0x1FC80] =	vst v63  }
0x31f: {  	_ =	swait.ge [sflag:s16], $0x2800  }
0x320: {  	[sflag:s16] =	ssyncset.done $0x0  }
0x321: {  	s23 =	sadd.s32 $0x14500, s7;
	[sflag:s16] =	ssyncadd.s32 $0xFFFFD800  }
0x322: {  	[spmem:s3] =	stream.indirect.scatter.add.f32 [tilespmem:s12], [sflag:$0x4], $0x80, s23, s15, $0xb8;
	[tilespmem:$0x1FC80] =	vst v63  }
0x323: {  	_ =	swait.ge [sflag:s10], $0x2800  }
0x324: {  	[sflag:s10] =	ssyncset.done $0x0  }
0x325: {  	s19 =	sadd.s32 $0x14680, s7;
	[sflag:s10] =	ssyncadd.s32 $0xFFFFD800  }
0x326: {  	[tilespmem:s12], [sflag:$0x2] =	stream.indirect.gather [hbm4b:s24+s15], $0x80, s19, s15, $0xb8;
	[tilespmem:$0x1FC80] =	vst v63  }
0x327: {  	_ =	swait.ge [sflag:s17], $0x2800  }
0x328: {  	[sflag:s17] =	ssyncset.done $0x0  }
0x329: {  	[sflag:s17] =	ssyncadd.s32 $0xFFFFD800  }
0x32a: {  	[spmem:s3] =	stream.indirect.scatter.add.f32 [tilespmem:s13], [sflag:$0x4], $0x80, s8, s15, $0xb8;
	[tilespmem:$0x1FC80] =	vst v63  }
0x32b: {  	_ =	swait.ge [sflag:s10], $0x2800  }
0x32c: {  	[sflag:s10] =	ssyncset.done $0x0  }
0x32d: {  	[sflag:s10] =	ssyncadd.s32 $0xFFFFD800  }
0x32e: {  	_ =	swait.ge [sflag:s14], $0x2800  }
0x32f: {  	[sflag:s14] =	ssyncset.done $0x0  }
0x330: {  	s23 =	simm.s32 $0x18200;
	[sflag:s14] =	ssyncadd.s32 $0xFFFFD800  }
0x331: {  	[spmem:s3] =	stream.indirect.scatter.add.f32 [tilespmem:s9], [sflag:$0x4], $0x80, s23, s15, $0xb8;
	[tilespmem:$0x1FC80] =	vst v63  }
0x332: {  	_ =	swait.ge [sflag:s10], $0x2800  }
0x333: {  	[sflag:s10] =	ssyncset.done $0x0  }
0x334: {  	[sflag:s10] =	ssyncadd.s32 $0xFFFFD800  }
0x335: {  	_ =	swait.ge [sflag:s16], $0x2800  }
0x336: {  	[sflag:s16] =	ssyncset.done $0x0  }
0x337: {  	s8 =	simm.s32 $0x18280;
	[sflag:s16] =	ssyncadd.s32 $0xFFFFD800  }
0x338: {  	[spmem:s3] =	stream.indirect.scatter.add.f32 [tilespmem:s12], [sflag:$0x4], $0x80, s8, s15, $0xb8;
	[tilespmem:$0x1FC80] =	vst v63  }
0x339: {  	_ =	swait.ge [sflag:s10], $0x2800  }
0x33a: {  	[sflag:s10] =	ssyncset.done $0x0  }
0x33b: {  	[sflag:s10] =	ssyncadd.s32 $0xFFFFD800  }
0x33c: {  	[bflag:$0x0] =	sbarrier.arrive $0xFFFF  }
0x33d: {  	s18 =	sld [smem:$0x7E5]  }
0x33e: {  	s19 =	sld [smem:$0x7E9]  }
0x33f: {  	s23 =	sld [smem:$0x7E6];
	_ =	sdelay $0x1  }
0x340: {  	s7 =	sor.u32 $0x1C04, s18  }
0x341: {  	[hbm:s19], [sflag:s7] =	dma.local [spmem:s23], $0x500  }
0x342: {  	_ =	swait.ge [sflag:s10], $0x500  }
0x343: {  	s18 =	sld [smem:$0x7EA]  }
0x344: {  	s19 =	sld [smem:$0x7E7]  }
0x345: {  	[sflag:s10] =	ssyncset.done $0x0  }
0x346: {  	[sflag:s10] =	ssyncadd.s32 $0xFFFFFB00  }
0x347: {  	[hbm:s18], [sflag:s7] =	dma.local [spmem:s19], $0x500  }
0x348: {  	_ =	swait.ge [sflag:s10], $0x500  }
0x349: {  	s23 =	sld [smem:$0x7EB]  }
0x34a: {  	[sflag:s10] =	ssyncset.done $0x0  }
0x34b: {  	[sflag:s10] =	ssyncadd.s32 $0xFFFFFB00  }
0x34c: {  	[hbm:s23], [sflag:s7] =	dma.local [spmem:s30], $0x500  }
0x34d: {  	_ =	swait.ge [sflag:s10], $0x500  }
0x34e: {  	s30 =	sld [smem:$0x7EC]  }
0x34f: {  	[sflag:s10] =	ssyncset.done $0x0  }
0x350: {  	[sflag:s10] =	ssyncadd.s32 $0xFFFFFB00  }
0x351: {  	[hbm:s30], [sflag:s7] =	dma.local [spmem:s31], $0x500  }
0x352: {  	_ =	swait.ge [sflag:s10], $0x500  }
0x353: {  	s18 =	sld [smem:$0x7ED]  }
0x354: {  	[sflag:s10] =	ssyncset.done $0x0  }
0x355: {  	[sflag:s10] =	ssyncadd.s32 $0xFFFFFB00  }
0x356: {  	[hbm:s18], [sflag:s7] =	dma.local [spmem:s1], $0x500  }
0x357: {  	_ =	swait.ge [sflag:s10], $0x500  }
0x358: {  	s19 =	sld [smem:$0x7EE]  }
0x359: {  	[sflag:s10] =	ssyncset.done $0x0  }
0x35a: {  	[sflag:s10] =	ssyncadd.s32 $0xFFFFFB00  }
0x35b: {  	[hbm:s19], [sflag:s7] =	dma.local [spmem:s2], $0x500  }
0x35c: {  	_ =	swait.ge [sflag:s10], $0x500  }
0x35d: {  	s23 =	sld [smem:$0x7EF]  }
0x35e: {  	[sflag:s10] =	ssyncset.done $0x0  }
0x35f: {  	[sflag:s10] =	ssyncadd.s32 $0xFFFFFB00  }
0x360: {  	[hbm:s23], [sflag:s7] =	dma.local [spmem:s5], $0x500  }
0x361: {  	_ =	swait.ge [sflag:s10], $0x500  }
0x362: {  	s1 =	sld [smem:$0x7F0]  }
0x363: {  	[sflag:s10] =	ssyncset.done $0x0  }
0x364: {  	[sflag:s10] =	ssyncadd.s32 $0xFFFFFB00  }
0x365: {  	[hbm:s1], [sflag:s7] =	dma.local @!p0 [spmem:s6], $0x500  }
0x366: {  	s1 =	simm.s32 @!p0 $0x4  }
0x367: {  	_ =	swait.ge @!p0 [sflag:s1], $0x500  }
0x368: {  	s30 =	sld [smem:$0x7F5];
	_ =	sdelay $0x1  }
0x369: {  	s11 =	sadd.s32 $0x1, s11  }
0x36a: {  	p1 =	sne.s32 s11, s30  }
.Ltmp5:
0x36b: {  	_ = 	snop;
	(pc) =	sbr.rel @p1 .LBB2_1-.Ltmp5, $4  }
0x36c: {  	s18 =	sld [smem:$0x7FA]  }
0x36d: {  	s19 =	sld [smem:$0x7FB]  }
0x36e: {  	[sflag:s1] =	ssyncset.done @!p0 $0x0;
	s31 =	sld [smem:$0x7FC]  }
0x36f: {  	s23 =	sld [smem:$0x7FD];
	[sflag:s1] =	ssyncadd.s32 @!p0 $0xFFFFFB00  }
0x370: {  	_ =	sfence.sel $0x180000  }
0x371: {  	[bflag:$0x0] =	sbarrier.arrive $0xFFFF  }
0x372: {  	_ =	strace $0x90000047  }
0x373: {  	s0 =	stileid.u32;
	[bflag:$0x2] =	sbarrier.arrive $0xFFFF  }
0x374: {  	p0 =	sne.s32 s0, $0x0;
	s0 =	rddreg [dreg:$0x4]  }
0x375: {  	s0 =	sadd.s32 @!p0 $0x100000, s0  }
0x376: {  	[sflag:s0] =	ssyncadd.tile.s32 @!p0 $0x1;
	_ =	shalt  }
.Lfunc_end2:
_tile_overlayer_lowered:
.L_overlay_start_2:
0x377: {  	(tag) =	ssettag $0x2  }
0x378: {  	s0 =	rddreg [dreg:$0x0];
	s2 =	stileid.u32  }
0x379: {  	s1 =	rddreg [dreg:$0x1];
	p0 =	sne.s32 s2, $0x0  }
0x37a: {  	s3 =	rddreg [dreg:$0x2];
	[bflag:$0x3] =	sbarrier.arrive $0xFFFF;
	s2 =	simm.s32 @!p0 $0x1C04  }
0x37b: {  	[timem:s3], [sflag:s2] =	dma.local @!p0 [hbm:s0], s1  }
0x37c: {  	s0 =	simm.s32 @!p0 $0x4  }
0x37d: {  	_ =	swait.ge @!p0 [sflag:s0], s1  }
0x37e: {  	s1 =	ssub.s32 @!p0 $0x0, s1;
	[sflag:s0] =	ssyncset.done @!p0 $0x0  }
0x37f: {  	[sflag:s0] =	ssyncadd.s32 @!p0 s1  }
0x380: {  	[bflag:$0x3] =	sbarrier.arrive $0xFFFF  }
0x381: {  	_ =	shalt  }

</sc_bundles>
